<compile_context>
chip_gen: v7x
topology: tpu7x:2x2x1
jax: 0.10.2.dev20260603
libtpu: 0.0.44.dev20260713+nightly
codegen_flags: <defaults>
</compile_context>

<pallas_src>
import functools

import jax
import jax.numpy as jnp
from jax import lax
from jax.experimental import pallas as pl
from jax.experimental.pallas import tpu as pltpu
from jax.experimental.pallas import tpu_sc as plsc

_NC, _NS = 2, 16
_NW = _NC * _NS
_NBUF = 2
_CHUNK = 2


def _sc_gather_body(uniq_hbm, rl_hbm, pos_hbm, tgt_hbm, nch_hbm, table_hbm,
                    out_hbm, tv_hbm, uniq_v, rl_v, pos_v, tgt_v, nch_v,
                    tvacc_vm, bufs, gsems, ssems, *, cap, C):
    wid = lax.axis_index("s") * _NC + lax.axis_index("c")
    pltpu.sync_copy(uniq_hbm.at[wid], uniq_v)
    pltpu.sync_copy(rl_hbm.at[wid], rl_v)
    pltpu.sync_copy(pos_hbm.at[wid], pos_v)
    pltpu.sync_copy(tgt_hbm.at[wid], tgt_v)
    pltpu.sync_copy(nch_hbm.at[wid], nch_v)
    n_chunks = nch_v[pl.ds(0, 16)][0]
    lane16 = lax.iota(jnp.int32, 16)
    lane0 = lane16 == 0

    for b in range(_NBUF):
        pltpu.async_copy(table_hbm.at[uniq_v.at[b]], bufs[b], gsems[b])

    def _step(i, b, carry):
        pcur, acc = carry
        pltpu.make_async_copy(
            table_hbm.at[uniq_v.at[i]], bufs[b], gsems[b]).wait()
        pc0 = pcur
        for j in range(_CHUNK):
            rl = rl_v[pl.ds(i * _CHUNK + j, 16)][0]

            def _run(t, c):
                pc, a = c
                p = pos_v[pl.ds(pc, 16)][0]
                pltpu.async_copy(bufs[b].at[pl.ds(j, 1)],
                                 out_hbm.at[pl.ds(p, 1)], ssems[b])
                tg = tgt_v[pl.ds(pc, 16)][0]
                vals = plsc.load_gather(
                    bufs[b], [jnp.full((16,), j, jnp.int32),
                              jnp.full((16,), tg, jnp.int32)])
                a = a + jnp.where(lane0, vals, 0.0)
                return (pc + 1, a)

            pcur, acc = lax.fori_loop(0, rl, _run, (pcur, acc))

        def _drain(t, c):
            pltpu.make_async_copy(bufs[b], out_hbm.at[pl.ds(0, _CHUNK)],
                                  ssems[b]).wait()
            return c

        lax.fori_loop(0, (pcur - pc0) // _CHUNK, _drain, 0)

        def _drain1(t, c):
            pltpu.make_async_copy(bufs[b].at[pl.ds(0, 1)],
                                  out_hbm.at[pl.ds(0, 1)], ssems[b]).wait()
            return c

        lax.fori_loop(0, (pcur - pc0) % _CHUNK, _drain1, 0)
        nxt = i + _NBUF

        @pl.when(nxt < n_chunks)
        def _():
            pltpu.async_copy(table_hbm.at[uniq_v.at[nxt]], bufs[b], gsems[b])
        return (pcur, acc)

    def _loop_body(g, carry):
        for b in range(_NBUF):
            carry = _step(g + b, b, carry)
        return carry

    init = (jnp.int32(0), jnp.zeros((16,), jnp.float32))
    _, final_acc = pl.loop(0, n_chunks, step=_NBUF,
                           init_carry=init)(_loop_body)
    tvacc_vm[...] = final_acc
    pltpu.sync_copy(tvacc_vm, tv_hbm.at[wid])


def _sc_gather(uniq3, rl2, pos2, tgt2, nch2, table):
    cap = rl2.shape[1] - 16
    C = table.shape[1]
    n_rows = _NW * cap
    mesh = plsc.VectorSubcoreMesh(
        core_axis_name="c", subcore_axis_name="s",
        num_cores=_NC, num_subcores=_NS)
    body = functools.partial(_sc_gather_body, cap=cap, C=C)

    def wrapped(uniq_hbm, rl_hbm, pos_hbm, tgt_hbm, nch_hbm, table_hbm,
                out_hbm, tv_hbm, *scratch):
        bufs = scratch[:_NBUF]
        gsems = scratch[_NBUF:2 * _NBUF]
        ssems = scratch[2 * _NBUF:3 * _NBUF]
        body(uniq_hbm, rl_hbm, pos_hbm, tgt_hbm, nch_hbm, table_hbm,
             out_hbm, tv_hbm, *scratch[3 * _NBUF:3 * _NBUF + 6],
             bufs, gsems, ssems)

    return pl.kernel(
        wrapped,
        out_type=(jax.ShapeDtypeStruct((n_rows, C), jnp.float32),
                  jax.ShapeDtypeStruct((_NW, 16), jnp.float32)),
        mesh=mesh,
        compiler_params=pltpu.CompilerParams(needs_layout_passes=False),
        scratch_types=(
            [pltpu.VMEM((_CHUNK, C), jnp.float32)] * _NBUF
            + [pltpu.SemaphoreType.DMA] * (2 * _NBUF)
            + [pltpu.VMEM((cap // _CHUNK, _CHUNK), jnp.int32),
               pltpu.VMEM((cap + 16,), jnp.int32),
               pltpu.VMEM((cap + 16,), jnp.int32),
               pltpu.VMEM((cap + 16,), jnp.int32),
               pltpu.VMEM((16,), jnp.int32),
               pltpu.VMEM((16,), jnp.float32)]
        ),
    )(uniq3, rl2, pos2, tgt2, nch2, table)


def _lse_body(dep_ref, rows_ref, lse_ref):
    del dep_ref
    rows = rows_ref[...]
    m = jnp.max(rows, axis=1, keepdims=True)
    e = jnp.exp(rows - m)
    s = jnp.sum(e, axis=1, keepdims=True)
    lse_ref[...] = m + jnp.log(s)


def _tc_lse(table, dep):
    V, C = table.shape
    R = 256
    lse = pl.pallas_call(
        _lse_body,
        grid=(V // R,),
        in_specs=[pl.BlockSpec((_NW, 16), lambda i: (0, 0)),
                  pl.BlockSpec((R, C), lambda i: (i, 0))],
        out_specs=pl.BlockSpec((R, 1), lambda i: (i, 0)),
        out_shape=jax.ShapeDtypeStruct((V, 1), jnp.float32),
    )(dep, table)
    return lse.reshape(V)


def _nll_body(idxe_hbm, lse_hbm, out_hbm, idxe_v, lse_buf, acc_vm, sem,
              *, rows_per_w):
    wid = lax.axis_index("s") * _NC + lax.axis_index("c")
    n_dma = rows_per_w // 128
    pltpu.sync_copy(idxe_hbm.at[wid], idxe_v)
    for j in range(n_dma):
        pltpu.async_copy(lse_hbm.at[idxe_v.at[j]],
                         lse_buf.at[pl.ds(j * 128, 128)], sem)
    for j in range(n_dma):
        pltpu.make_async_copy(lse_hbm.at[idxe_v.at[j]],
                              lse_buf.at[pl.ds(j * 128, 128)], sem).wait()
    acc = jnp.zeros((16,), jnp.float32)
    for k in range(rows_per_w // 16):
        acc = acc + lse_buf[pl.ds(k * 16, 16)]
    acc_vm[...] = acc
    pltpu.sync_copy(acc_vm, out_hbm.at[wid])


def _sc_lse_partials(idx_flat, lse):
    n_rows = idx_flat.shape[0]
    rows_per_w = n_rows // _NW
    n_dma = rows_per_w // 128
    idx3 = idx_flat.reshape(_NW, n_dma, 128)
    mesh = plsc.VectorSubcoreMesh(
        core_axis_name="c", subcore_axis_name="s",
        num_cores=_NC, num_subcores=_NS)
    return pl.kernel(
        functools.partial(_nll_body, rows_per_w=rows_per_w),
        out_type=jax.ShapeDtypeStruct((_NW, 16), jnp.float32),
        mesh=mesh,
        scratch_types=(
            pltpu.VMEM((n_dma, 128), jnp.int32),
            pltpu.VMEM((rows_per_w,), jnp.float32),
            pltpu.VMEM((16,), jnp.float32),
            pltpu.SemaphoreType.DMA,
        ),
    )(idx3, lse)


def _mean_body(lse_part_ref, tv_part_ref, loss_ref, *, n_rows):
    nll_sum = jnp.sum(lse_part_ref[...]) - jnp.sum(tv_part_ref[...])
    loss_ref[...] = jnp.full((1, 1), nll_sum / jnp.float32(n_rows),
                             jnp.float32)


def _plan(idx_flat, tgt_flat):
    N = idx_flat.shape[0]
    cap = N // _NW
    pos0 = jnp.arange(N, dtype=jnp.int32)
    s, order, tgt_sorted = lax.sort((idx_flat, pos0, tgt_flat), num_keys=1)
    s2 = s.reshape(_NW, cap)
    first = jnp.concatenate(
        [jnp.ones((_NW, 1), jnp.bool_), s2[:, 1:] != s2[:, :-1]], axis=1)
    slot = jnp.cumsum(first, axis=1).astype(jnp.int32) - 1
    n_uniq = slot[:, -1] + 1
    wpos = jnp.broadcast_to(jnp.arange(cap, dtype=jnp.int32)[None, :],
                            (_NW, cap))
    key = jnp.where(first, slot, cap)
    _, uniq, bpos = lax.sort((key, s2, wpos), dimension=-1, num_keys=1)
    nxt = jnp.concatenate(
        [bpos[:, 1:], jnp.full((_NW, 1), cap, jnp.int32)], axis=1)
    nextb = jnp.where(wpos == n_uniq[:, None] - 1, cap, nxt)
    rl = jnp.where(wpos < n_uniq[:, None], nextb - bpos, 0)
    nch = (n_uniq + _CHUNK - 1) // _CHUNK
    nch = ((nch + _NBUF - 1) // _NBUF) * _NBUF
    nch = jnp.minimum(nch, cap // _CHUNK)
    nch16 = jnp.broadcast_to(nch[:, None], (_NW, 16))
    pad16 = ((0, 0), (0, 16))
    rl_p = jnp.pad(rl, pad16)
    pos2 = jnp.pad(order.reshape(_NW, cap), pad16)
    tgt2 = jnp.pad(tgt_sorted.reshape(_NW, cap), pad16)
    return (uniq.reshape(_NW, cap // _CHUNK, _CHUNK), rl_p, pos2, tgt2,
            nch16)


def kernel(idx, targets, table):
    B, T = idx.shape
    N = B * T
    idx_flat = idx.reshape(N).astype(jnp.int32)
    tgt_flat = targets.reshape(N).astype(jnp.int32)

    uniq3, rl2, pos2, tgt2, nch8 = _plan(idx_flat, tgt_flat)
    logits, tv_partials = _sc_gather(uniq3, rl2, pos2, tgt2, nch8, table)
    lse = _tc_lse(table, nch8)
    lse_partials = _sc_lse_partials(idx_flat, lse)
    loss = pl.pallas_call(
        functools.partial(_mean_body, n_rows=N),
        out_shape=jax.ShapeDtypeStruct((1, 1), jnp.float32),
    )(lse_partials, tv_partials)
    return (logits, loss[0, 0])

# --- scband reference (transcript-rebuilt; emitter-appended) ---
"""Pipeline reference for scband-bigram-language-model-80487687127442 (READ-ONLY COPY).

The authoritative reference and input builder live on the scoring server;
editing this copy changes nothing except your own understanding.
"""

import jax, jax.numpy as jnp
import numpy as np

VOCAB = 8192
B, T = 8, 2048

def setup_inputs(seed: int = 0) -> dict:
    key = jax.random.key(seed)
    k1, k2, k3 = jax.random.split(key, 3)
    idx = jax.random.randint(k1, (B, T), 0, VOCAB)
    targets = jax.random.randint(k2, (B, T), 0, VOCAB)
    # learned parameter: token_embedding_table of shape [vocab_size, vocab_size]
    table = jax.random.normal(k3, (VOCAB, VOCAB), dtype=jnp.float32) * 0.02
    return {"idx": idx, "targets": targets, "table": table}

def reference(idx, targets, table):
    # logits = self.token_embedding_table(idx)  -> embedding gather
    logits = jnp.take(table, idx, axis=0)            # [B, T, C]
    Bb, Tt, C = logits.shape
    logits = logits.reshape(Bb * Tt, C)              # [B*T, C]
    t = targets.reshape(Bb * Tt)                     # [B*T]
    # cross_entropy with mean reduction (torch default)
    logz = jax.nn.log_softmax(logits, axis=-1)
    nll = -jnp.take_along_axis(logz, t[:, None], axis=1)[:, 0]
    loss = jnp.mean(nll)
    return (logits, loss)

if __name__ == "__main__":
    import jax
    _d = setup_inputs()
    print(jax.jit(kernel)(*tuple(_d.values())))

</pallas_src>

<mosaic_0001>
#map = affine_map<(d0, d1) -> (0, 0, 0)>
#map1 = affine_map<(d0, d1) -> (0, 0)>
module attributes {stable_mosaic.version = 14 : i64} {
  func.func @wrapped(%arg0: i32, %arg1: i32, %arg2: memref<32x256x2xi32, #tpu.memory_space<hbm>>, %arg3: memref<32x528xi32, #tpu.memory_space<hbm>>, %arg4: memref<32x528xi32, #tpu.memory_space<hbm>>, %arg5: memref<32x528xi32, #tpu.memory_space<hbm>>, %arg6: memref<32x16xi32, #tpu.memory_space<hbm>>, %arg7: memref<8192x8192xf32, #tpu.memory_space<hbm>>, %arg8: memref<16384x8192xf32, #tpu.memory_space<hbm>>, %arg9: memref<32x16xf32, #tpu.memory_space<hbm>>, %arg10: memref<2x8192xf32, #tpu.memory_space<vmem>>, %arg11: memref<2x8192xf32, #tpu.memory_space<vmem>>, %arg12: memref<!tpu.dma_semaphore, #tpu.memory_space<semaphore_mem>>, %arg13: memref<!tpu.dma_semaphore, #tpu.memory_space<semaphore_mem>>, %arg14: memref<!tpu.dma_semaphore, #tpu.memory_space<semaphore_mem>>, %arg15: memref<!tpu.dma_semaphore, #tpu.memory_space<semaphore_mem>>, %arg16: memref<256x2xi32, #tpu.memory_space<vmem>>, %arg17: memref<528xi32, #tpu.memory_space<vmem>>, %arg18: memref<528xi32, #tpu.memory_space<vmem>>, %arg19: memref<528xi32, #tpu.memory_space<vmem>>, %arg20: memref<16xi32, #tpu.memory_space<vmem>>, %arg21: memref<16xf32, #tpu.memory_space<vmem>>) attributes {dimension_semantics = [#tpu.dimension_semantics<core_parallel>, #tpu.dimension_semantics<subcore_parallel>], iteration_bounds = array<i64: 2, 16>, scalar_prefetch = 0 : i64, scratch_operands = 12 : i64, tpu.core_type = #tpu.core_type<sc_vector_subcore>, window_params = [{transform_indices = #map}, {transform_indices = #map1}, {transform_indices = #map1}, {transform_indices = #map1}, {transform_indices = #map1}, {transform_indices = #map1}, {transform_indices = #map1}, {transform_indices = #map1}]} {
    %mul3A = arith.constant 2 : i32
    %mul3A_0 = arith.muli %arg1, %mul3A : i32
    %add3A = arith.addi %mul3A_0, %arg0 : i32
    "tpu.region"() ({
      %run_scoped3A = tpu.sem_alloc : memref<!tpu.dma_semaphore, #tpu.memory_space<semaphore_mem>>
      %dma_start3A_38 = arith.constant 0 : i32
      %dma_start3A_39 = arith.constant 0 : i32
      %dma_start3A_40 = tpu.memref_slice %arg2[%add3A, %dma_start3A_38, %dma_start3A_39] : memref<32x256x2xi32, #tpu.memory_space<hbm>> -> memref<1x256x2xi32, #tpu.memory_space<hbm>>
      %dma_start3A_41 = tpu.memref_squeeze %dma_start3A_40 : memref<1x256x2xi32, #tpu.memory_space<hbm>> -> memref<256x2xi32, #tpu.memory_space<hbm>>
      %dma_start3A_42 = arith.constant 0 : i32
      %dma_start3A_43 = arith.constant 0 : i32
      %dma_start3A_44 = tpu.memref_slice %arg2[%add3A, %dma_start3A_42, %dma_start3A_43] : memref<32x256x2xi32, #tpu.memory_space<hbm>> -> memref<1x256x2xi32, #tpu.memory_space<hbm>>
      %dma_start3A_45 = tpu.memref_squeeze %dma_start3A_44 : memref<1x256x2xi32, #tpu.memory_space<hbm>> -> memref<256x2xi32, #tpu.memory_space<hbm>>
      tpu.enqueue_dma source(%dma_start3A_45 : memref<256x2xi32, #tpu.memory_space<hbm>>) target(%arg16 : memref<256x2xi32, #tpu.memory_space<vmem>>) target_semaphore(%run_scoped3A : memref<!tpu.dma_semaphore, #tpu.memory_space<semaphore_mem>>)
      %dma_wait3A = arith.constant 0 : i32
      %dma_wait3A_46 = arith.constant 0 : i32
      %dma_wait3A_47 = tpu.memref_slice %arg2[%add3A, %dma_wait3A, %dma_wait3A_46] : memref<32x256x2xi32, #tpu.memory_space<hbm>> -> memref<1x256x2xi32, #tpu.memory_space<hbm>>
      %dma_wait3A_48 = tpu.memref_squeeze %dma_wait3A_47 : memref<1x256x2xi32, #tpu.memory_space<hbm>> -> memref<256x2xi32, #tpu.memory_space<hbm>>
      %dma_wait3A_49 = arith.constant 0 : i32
      %dma_wait3A_50 = arith.constant 0 : i32
      %dma_wait3A_51 = tpu.memref_slice %arg2[%add3A, %dma_wait3A_49, %dma_wait3A_50] : memref<32x256x2xi32, #tpu.memory_space<hbm>> -> memref<1x256x2xi32, #tpu.memory_space<hbm>>
      %dma_wait3A_52 = tpu.memref_squeeze %dma_wait3A_51 : memref<1x256x2xi32, #tpu.memory_space<hbm>> -> memref<256x2xi32, #tpu.memory_space<hbm>>
      tpu.wait_dma2 semaphore(%run_scoped3A : memref<!tpu.dma_semaphore, #tpu.memory_space<semaphore_mem>>) src(%dma_wait3A_52 : memref<256x2xi32, #tpu.memory_space<hbm>>) dst(%arg16 : memref<256x2xi32, #tpu.memory_space<vmem>>)
      tpu.yield
    }) : () -> ()
    "tpu.region"() ({
      %run_scoped3A = tpu.sem_alloc : memref<!tpu.dma_semaphore, #tpu.memory_space<semaphore_mem>>
      %dma_start3A_38 = arith.constant 0 : i32
      %dma_start3A_39 = tpu.memref_slice %arg3[%add3A, %dma_start3A_38] : memref<32x528xi32, #tpu.memory_space<hbm>> -> memref<1x528xi32, #tpu.memory_space<hbm>>
      %dma_start3A_40 = tpu.memref_squeeze %dma_start3A_39 : memref<1x528xi32, #tpu.memory_space<hbm>> -> memref<528xi32, #tpu.memory_space<hbm>>
      %dma_start3A_41 = arith.constant 0 : i32
      %dma_start3A_42 = tpu.memref_slice %arg3[%add3A, %dma_start3A_41] : memref<32x528xi32, #tpu.memory_space<hbm>> -> memref<1x528xi32, #tpu.memory_space<hbm>>
      %dma_start3A_43 = tpu.memref_squeeze %dma_start3A_42 : memref<1x528xi32, #tpu.memory_space<hbm>> -> memref<528xi32, #tpu.memory_space<hbm>>
      tpu.enqueue_dma source(%dma_start3A_43 : memref<528xi32, #tpu.memory_space<hbm>>) target(%arg17 : memref<528xi32, #tpu.memory_space<vmem>>) target_semaphore(%run_scoped3A : memref<!tpu.dma_semaphore, #tpu.memory_space<semaphore_mem>>)
      %dma_wait3A = arith.constant 0 : i32
      %dma_wait3A_44 = tpu.memref_slice %arg3[%add3A, %dma_wait3A] : memref<32x528xi32, #tpu.memory_space<hbm>> -> memref<1x528xi32, #tpu.memory_space<hbm>>
      %dma_wait3A_45 = tpu.memref_squeeze %dma_wait3A_44 : memref<1x528xi32, #tpu.memory_space<hbm>> -> memref<528xi32, #tpu.memory_space<hbm>>
      %dma_wait3A_46 = arith.constant 0 : i32
      %dma_wait3A_47 = tpu.memref_slice %arg3[%add3A, %dma_wait3A_46] : memref<32x528xi32, #tpu.memory_space<hbm>> -> memref<1x528xi32, #tpu.memory_space<hbm>>
      %dma_wait3A_48 = tpu.memref_squeeze %dma_wait3A_47 : memref<1x528xi32, #tpu.memory_space<hbm>> -> memref<528xi32, #tpu.memory_space<hbm>>
      tpu.wait_dma2 semaphore(%run_scoped3A : memref<!tpu.dma_semaphore, #tpu.memory_space<semaphore_mem>>) src(%dma_wait3A_48 : memref<528xi32, #tpu.memory_space<hbm>>) dst(%arg17 : memref<528xi32, #tpu.memory_space<vmem>>)
      tpu.yield
    }) : () -> ()
    "tpu.region"() ({
      %run_scoped3A = tpu.sem_alloc : memref<!tpu.dma_semaphore, #tpu.memory_space<semaphore_mem>>
      %dma_start3A_38 = arith.constant 0 : i32
      %dma_start3A_39 = tpu.memref_slice %arg4[%add3A, %dma_start3A_38] : memref<32x528xi32, #tpu.memory_space<hbm>> -> memref<1x528xi32, #tpu.memory_space<hbm>>
      %dma_start3A_40 = tpu.memref_squeeze %dma_start3A_39 : memref<1x528xi32, #tpu.memory_space<hbm>> -> memref<528xi32, #tpu.memory_space<hbm>>
      %dma_start3A_41 = arith.constant 0 : i32
      %dma_start3A_42 = tpu.memref_slice %arg4[%add3A, %dma_start3A_41] : memref<32x528xi32, #tpu.memory_space<hbm>> -> memref<1x528xi32, #tpu.memory_space<hbm>>
      %dma_start3A_43 = tpu.memref_squeeze %dma_start3A_42 : memref<1x528xi32, #tpu.memory_space<hbm>> -> memref<528xi32, #tpu.memory_space<hbm>>
      tpu.enqueue_dma source(%dma_start3A_43 : memref<528xi32, #tpu.memory_space<hbm>>) target(%arg18 : memref<528xi32, #tpu.memory_space<vmem>>) target_semaphore(%run_scoped3A : memref<!tpu.dma_semaphore, #tpu.memory_space<semaphore_mem>>)
      %dma_wait3A = arith.constant 0 : i32
      %dma_wait3A_44 = tpu.memref_slice %arg4[%add3A, %dma_wait3A] : memref<32x528xi32, #tpu.memory_space<hbm>> -> memref<1x528xi32, #tpu.memory_space<hbm>>
      %dma_wait3A_45 = tpu.memref_squeeze %dma_wait3A_44 : memref<1x528xi32, #tpu.memory_space<hbm>> -> memref<528xi32, #tpu.memory_space<hbm>>
      %dma_wait3A_46 = arith.constant 0 : i32
      %dma_wait3A_47 = tpu.memref_slice %arg4[%add3A, %dma_wait3A_46] : memref<32x528xi32, #tpu.memory_space<hbm>> -> memref<1x528xi32, #tpu.memory_space<hbm>>
      %dma_wait3A_48 = tpu.memref_squeeze %dma_wait3A_47 : memref<1x528xi32, #tpu.memory_space<hbm>> -> memref<528xi32, #tpu.memory_space<hbm>>
      tpu.wait_dma2 semaphore(%run_scoped3A : memref<!tpu.dma_semaphore, #tpu.memory_space<semaphore_mem>>) src(%dma_wait3A_48 : memref<528xi32, #tpu.memory_space<hbm>>) dst(%arg18 : memref<528xi32, #tpu.memory_space<vmem>>)
      tpu.yield
    }) : () -> ()
    "tpu.region"() ({
      %run_scoped3A = tpu.sem_alloc : memref<!tpu.dma_semaphore, #tpu.memory_space<semaphore_mem>>
      %dma_start3A_38 = arith.constant 0 : i32
      %dma_start3A_39 = tpu.memref_slice %arg5[%add3A, %dma_start3A_38] : memref<32x528xi32, #tpu.memory_space<hbm>> -> memref<1x528xi32, #tpu.memory_space<hbm>>
      %dma_start3A_40 = tpu.memref_squeeze %dma_start3A_39 : memref<1x528xi32, #tpu.memory_space<hbm>> -> memref<528xi32, #tpu.memory_space<hbm>>
      %dma_start3A_41 = arith.constant 0 : i32
      %dma_start3A_42 = tpu.memref_slice %arg5[%add3A, %dma_start3A_41] : memref<32x528xi32, #tpu.memory_space<hbm>> -> memref<1x528xi32, #tpu.memory_space<hbm>>
      %dma_start3A_43 = tpu.memref_squeeze %dma_start3A_42 : memref<1x528xi32, #tpu.memory_space<hbm>> -> memref<528xi32, #tpu.memory_space<hbm>>
      tpu.enqueue_dma source(%dma_start3A_43 : memref<528xi32, #tpu.memory_space<hbm>>) target(%arg19 : memref<528xi32, #tpu.memory_space<vmem>>) target_semaphore(%run_scoped3A : memref<!tpu.dma_semaphore, #tpu.memory_space<semaphore_mem>>)
      %dma_wait3A = arith.constant 0 : i32
      %dma_wait3A_44 = tpu.memref_slice %arg5[%add3A, %dma_wait3A] : memref<32x528xi32, #tpu.memory_space<hbm>> -> memref<1x528xi32, #tpu.memory_space<hbm>>
      %dma_wait3A_45 = tpu.memref_squeeze %dma_wait3A_44 : memref<1x528xi32, #tpu.memory_space<hbm>> -> memref<528xi32, #tpu.memory_space<hbm>>
      %dma_wait3A_46 = arith.constant 0 : i32
      %dma_wait3A_47 = tpu.memref_slice %arg5[%add3A, %dma_wait3A_46] : memref<32x528xi32, #tpu.memory_space<hbm>> -> memref<1x528xi32, #tpu.memory_space<hbm>>
      %dma_wait3A_48 = tpu.memref_squeeze %dma_wait3A_47 : memref<1x528xi32, #tpu.memory_space<hbm>> -> memref<528xi32, #tpu.memory_space<hbm>>
      tpu.wait_dma2 semaphore(%run_scoped3A : memref<!tpu.dma_semaphore, #tpu.memory_space<semaphore_mem>>) src(%dma_wait3A_48 : memref<528xi32, #tpu.memory_space<hbm>>) dst(%arg19 : memref<528xi32, #tpu.memory_space<vmem>>)
      tpu.yield
    }) : () -> ()
    "tpu.region"() ({
      %run_scoped3A = tpu.sem_alloc : memref<!tpu.dma_semaphore, #tpu.memory_space<semaphore_mem>>
      %dma_start3A_38 = arith.constant 0 : i32
      %dma_start3A_39 = tpu.memref_slice %arg6[%add3A, %dma_start3A_38] : memref<32x16xi32, #tpu.memory_space<hbm>> -> memref<1x16xi32, #tpu.memory_space<hbm>>
      %dma_start3A_40 = tpu.memref_squeeze %dma_start3A_39 : memref<1x16xi32, #tpu.memory_space<hbm>> -> memref<16xi32, #tpu.memory_space<hbm>>
      %dma_start3A_41 = arith.constant 0 : i32
      %dma_start3A_42 = tpu.memref_slice %arg6[%add3A, %dma_start3A_41] : memref<32x16xi32, #tpu.memory_space<hbm>> -> memref<1x16xi32, #tpu.memory_space<hbm>>
      %dma_start3A_43 = tpu.memref_squeeze %dma_start3A_42 : memref<1x16xi32, #tpu.memory_space<hbm>> -> memref<16xi32, #tpu.memory_space<hbm>>
      tpu.enqueue_dma source(%dma_start3A_43 : memref<16xi32, #tpu.memory_space<hbm>>) target(%arg20 : memref<16xi32, #tpu.memory_space<vmem>>) target_semaphore(%run_scoped3A : memref<!tpu.dma_semaphore, #tpu.memory_space<semaphore_mem>>)
      %dma_wait3A = arith.constant 0 : i32
      %dma_wait3A_44 = tpu.memref_slice %arg6[%add3A, %dma_wait3A] : memref<32x16xi32, #tpu.memory_space<hbm>> -> memref<1x16xi32, #tpu.memory_space<hbm>>
      %dma_wait3A_45 = tpu.memref_squeeze %dma_wait3A_44 : memref<1x16xi32, #tpu.memory_space<hbm>> -> memref<16xi32, #tpu.memory_space<hbm>>
      %dma_wait3A_46 = arith.constant 0 : i32
      %dma_wait3A_47 = tpu.memref_slice %arg6[%add3A, %dma_wait3A_46] : memref<32x16xi32, #tpu.memory_space<hbm>> -> memref<1x16xi32, #tpu.memory_space<hbm>>
      %dma_wait3A_48 = tpu.memref_squeeze %dma_wait3A_47 : memref<1x16xi32, #tpu.memory_space<hbm>> -> memref<16xi32, #tpu.memory_space<hbm>>
      tpu.wait_dma2 semaphore(%run_scoped3A : memref<!tpu.dma_semaphore, #tpu.memory_space<semaphore_mem>>) src(%dma_wait3A_48 : memref<16xi32, #tpu.memory_space<hbm>>) dst(%arg20 : memref<16xi32, #tpu.memory_space<vmem>>)
      tpu.yield
    }) : () -> ()
    %get3A = arith.constant 0 : index
    %get3A_1 = tpu.vector_load %arg20[%get3A] {strides = array<i32>} : memref<16xi32, #tpu.memory_space<vmem>>, vector<16xi32>,
    %slice3A = vector.extract_strided_slice %get3A_1 {offsets = [0], sizes = [1], strides = [1]} : vector<16xi32> to vector<1xi32>
    %squeeze3A = vector.extract %slice3A[0] : i32 from vector<1xi32>
    %iota3A = tpu.iota {dimensions = array<i32: 0>} : vector<16xi32>
    %eq3A = arith.constant 0 : i32
    %eq3A_2 = vector.broadcast %eq3A : i32 to vector<16xi32>
    %eq3A_3 = arith.cmpi eq, %iota3A, %eq3A_2 : vector<16xi32>
    %dma_start3A = arith.constant 0 : i32
    %dma_start3A_4 = arith.constant 0 : i32
    %dma_start3A_5 = tpu.memref_slice %arg16[%dma_start3A, %dma_start3A_4] : memref<256x2xi32, #tpu.memory_space<vmem>> -> memref<1x2xi32, #tpu.memory_space<vmem>>
    %dma_start3A_6 = tpu.memref_squeeze %dma_start3A_5 : memref<1x2xi32, #tpu.memory_space<vmem>> -> memref<2xi32, #tpu.memory_space<vmem>>
    %dma_start3A_7 = arith.constant 0 : i32
    %dma_start3A_8 = arith.constant 0 : i32
    %dma_start3A_9 = tpu.memref_slice %arg7[%dma_start3A_7, %dma_start3A_8] : memref<8192x8192xf32, #tpu.memory_space<hbm>> -> memref<8192x8192xf32, #tpu.memory_space<hbm>>
    tpu.enqueue_indirect_dma source(%dma_start3A_9 : memref<8192x8192xf32, #tpu.memory_space<hbm>>) target(%arg10 : memref<2x8192xf32, #tpu.memory_space<vmem>>) offsets(%dma_start3A_6 : memref<2xi32, #tpu.memory_space<vmem>>) semaphore(%arg12 : memref<!tpu.dma_semaphore, #tpu.memory_space<semaphore_mem>>)
    %dma_start3A_10 = arith.constant 1 : i32
    %dma_start3A_11 = arith.constant 0 : i32
    %dma_start3A_12 = tpu.memref_slice %arg16[%dma_start3A_10, %dma_start3A_11] : memref<256x2xi32, #tpu.memory_space<vmem>> -> memref<1x2xi32, #tpu.memory_space<vmem>>
    %dma_start3A_13 = tpu.memref_squeeze %dma_start3A_12 : memref<1x2xi32, #tpu.memory_space<vmem>> -> memref<2xi32, #tpu.memory_space<vmem>>
    %dma_start3A_14 = arith.constant 0 : i32
    %dma_start3A_15 = arith.constant 0 : i32
    %dma_start3A_16 = tpu.memref_slice %arg7[%dma_start3A_14, %dma_start3A_15] : memref<8192x8192xf32, #tpu.memory_space<hbm>> -> memref<8192x8192xf32, #tpu.memory_space<hbm>>
    tpu.enqueue_indirect_dma source(%dma_start3A_16 : memref<8192x8192xf32, #tpu.memory_space<hbm>>) target(%arg11 : memref<2x8192xf32, #tpu.memory_space<vmem>>) offsets(%dma_start3A_13 : memref<2xi32, #tpu.memory_space<vmem>>) semaphore(%arg13 : memref<!tpu.dma_semaphore, #tpu.memory_space<semaphore_mem>>)
    %broadcast_in_dim3A = arith.constant 0.000000e+00 : f32
    %broadcast_in_dim3A_17 = vector.broadcast %broadcast_in_dim3A : f32 to vector<16xf32>
    %sub3A = arith.constant 0 : i32
    %sub3A_18 = arith.subi %squeeze3A, %sub3A : i32
    %sub3A_19 = arith.constant 2 : i32
    %sub3A_20 = arith.constant 1 : i32
    %sub3A_21 = arith.subi %sub3A_19, %sub3A_20 : i32
    %add3A_22 = arith.addi %sub3A_18, %sub3A_21 : i32
    %div3A = arith.constant 2 : i32
    %div3A_23 = arith.divsi %add3A_22, %div3A : i32
    %while3A = arith.constant 2 : i32
    %while3A_24 = arith.constant 0 : i32
    %while3A_25 = arith.constant 0 : i32
    %while3A_26 = arith.constant 0 : i32
    %while3A_27 = arith.subi %div3A_23, %while3A_25 : i32
    %while3A_28 = arith.addi %while3A_25, %while3A_27 : i32
    %while3A_29 = arith.constant 1 : i32
    %while3A_30 = arith.divsi %while3A_27, %while3A_29 : i32
    %while3A_31 = arith.muli %while3A_30, %while3A_29 : i32
    %while3A_32 = arith.addi %while3A_25, %while3A_31 : i32
    %while3A_33 = arith.constant 1 : i32
    %while3A_34:2 = scf.for %while3A_38 = %while3A_25 to %while3A_32 step %while3A_33 iter_args(%while3A_39 = %while3A_26, %while3A_40 = %broadcast_in_dim3A_17) -> (i32, vector<16xf32>)  : i32 {
      %mul3A_41 = arith.muli %while3A_38, %while3A : i32
      %add3A_42 = arith.addi %while3A_24, %mul3A_41 : i32
      %add3A_43 = arith.constant 0 : i32
      %add3A_44 = arith.addi %add3A_42, %add3A_43 : i32
      %dma_wait3A = arith.constant 0 : i32
      %dma_wait3A_45 = tpu.memref_slice %arg16[%add3A_44, %dma_wait3A] : memref<256x2xi32, #tpu.memory_space<vmem>> -> memref<1x2xi32, #tpu.memory_space<vmem>>
      %dma_wait3A_46 = tpu.memref_squeeze %dma_wait3A_45 : memref<1x2xi32, #tpu.memory_space<vmem>> -> memref<2xi32, #tpu.memory_space<vmem>>
      %dma_wait3A_47 = arith.constant 0 : i32
      %dma_wait3A_48 = arith.constant 0 : i32
      %dma_wait3A_49 = tpu.memref_slice %arg7[%dma_wait3A_47, %dma_wait3A_48] : memref<8192x8192xf32, #tpu.memory_space<hbm>> -> memref<8192x8192xf32, #tpu.memory_space<hbm>>
      tpu.wait_indirect_dma semaphore(%arg12 : memref<!tpu.dma_semaphore, #tpu.memory_space<semaphore_mem>>) src(%dma_wait3A_49 : memref<8192x8192xf32, #tpu.memory_space<hbm>>) dst(%arg10 : memref<2x8192xf32, #tpu.memory_space<vmem>>)
      %mul3A_50 = arith.constant 2 : i32
      %mul3A_51 = arith.muli %add3A_44, %mul3A_50 : i32
      %add3A_52 = arith.constant 0 : i32
      %add3A_53 = arith.addi %mul3A_51, %add3A_52 : i32
      %get3A_54 = arith.index_cast %add3A_53 : i32 to index
      %get3A_55 = tpu.vector_load %arg17[%get3A_54] {strides = array<i32>} : memref<528xi32, #tpu.memory_space<vmem>>, vector<16xi32>,
      %slice3A_56 = vector.extract_strided_slice %get3A_55 {offsets = [0], sizes = [1], strides = [1]} : vector<16xi32> to vector<1xi32>
      %squeeze3A_57 = vector.extract %slice3A_56[0] : i32 from vector<1xi32>
      %while3A_58 = arith.constant 0 : i32
      %while3A_59 = arith.subi %squeeze3A_57, %while3A_58 : i32
      %while3A_60 = arith.addi %while3A_58, %while3A_59 : i32
      %while3A_61 = arith.constant 1 : i32
      %while3A_62 = arith.divsi %while3A_59, %while3A_61 : i32
      %while3A_63 = arith.muli %while3A_62, %while3A_61 : i32
      %while3A_64 = arith.addi %while3A_58, %while3A_63 : i32
      %while3A_65 = arith.constant 1 : i32
      %while3A_66:2 = scf.for %while3A_261 = %while3A_58 to %while3A_64 step %while3A_65 iter_args(%while3A_262 = %while3A_39, %while3A_263 = %while3A_40) -> (i32, vector<16xf32>)  : i32 {
        %get3A_264 = arith.index_cast %while3A_262 : i32 to index
        %get3A_265 = tpu.vector_load %arg18[%get3A_264] {strides = array<i32>} : memref<528xi32, #tpu.memory_space<vmem>>, vector<16xi32>,
        %slice3A_266 = vector.extract_strided_slice %get3A_265 {offsets = [0], sizes = [1], strides = [1]} : vector<16xi32> to vector<1xi32>
        %squeeze3A_267 = vector.extract %slice3A_266[0] : i32 from vector<1xi32>
        %dma_start3A_268 = arith.constant 0 : i32
        %dma_start3A_269 = arith.constant 0 : i32
        %dma_start3A_270 = tpu.memref_slice %arg10[%dma_start3A_268, %dma_start3A_269] : memref<2x8192xf32, #tpu.memory_space<vmem>> -> memref<1x8192xf32, #tpu.memory_space<vmem>>
        %dma_start3A_271 = arith.constant 0 : i32
        %dma_start3A_272 = tpu.memref_slice %arg8[%squeeze3A_267, %dma_start3A_271] : memref<16384x8192xf32, #tpu.memory_space<hbm>> -> memref<1x8192xf32, #tpu.memory_space<hbm>>
        %dma_start3A_273 = arith.constant 0 : i32
        %dma_start3A_274 = tpu.memref_slice %arg8[%squeeze3A_267, %dma_start3A_273] : memref<16384x8192xf32, #tpu.memory_space<hbm>> -> memref<1x8192xf32, #tpu.memory_space<hbm>>
        %dma_start3A_275 = arith.constant 0 : i32
        %dma_start3A_276 = arith.constant 0 : i32
        %dma_start3A_277 = tpu.memref_slice %arg10[%dma_start3A_275, %dma_start3A_276] : memref<2x8192xf32, #tpu.memory_space<vmem>> -> memref<1x8192xf32, #tpu.memory_space<vmem>>
        tpu.enqueue_dma source(%dma_start3A_277 : memref<1x8192xf32, #tpu.memory_space<vmem>>) target(%dma_start3A_274 : memref<1x8192xf32, #tpu.memory_space<hbm>>) target_semaphore(%arg14 : memref<!tpu.dma_semaphore, #tpu.memory_space<semaphore_mem>>)
        %get3A_278 = arith.index_cast %while3A_262 : i32 to index
        %get3A_279 = tpu.vector_load %arg19[%get3A_278] {strides = array<i32>} : memref<528xi32, #tpu.memory_space<vmem>>, vector<16xi32>,
        %slice3A_280 = vector.extract_strided_slice %get3A_279 {offsets = [0], sizes = [1], strides = [1]} : vector<16xi32> to vector<1xi32>
        %squeeze3A_281 = vector.extract %slice3A_280[0] : i32 from vector<1xi32>
        %broadcast_in_dim3A_282 = arith.constant 0 : i32
        %broadcast_in_dim3A_283 = vector.broadcast %broadcast_in_dim3A_282 : i32 to vector<16xi32>
        %broadcast_in_dim3A_284 = vector.broadcast %squeeze3A_281 : i32 to vector<16xi32>
        %gather3A = tpu.vector_load_idx %arg10[%broadcast_in_dim3A_283, %broadcast_in_dim3A_284] : memref<2x8192xf32, #tpu.memory_space<vmem>>[vector<16xi32>, vector<16xi32>], vector<16xf32>,
        %jit3A_285 = arith.constant 0.000000e+00 : f32
        %broadcast_in_dim3A_286 = vector.broadcast %jit3A_285 : f32 to vector<16xf32>
        %select_n3A_287 = arith.select %eq3A_3, %gather3A, %broadcast_in_dim3A_286 : vector<16xi1>, vector<16xf32>
        %add3A_288 = arith.addf %while3A_263, %select_n3A_287 : vector<16xf32>
        %add3A_289 = arith.constant 1 : i32
        %add3A_290 = arith.addi %while3A_262, %add3A_289 : i32
        scf.yield %add3A_290, %add3A_288 : i32, vector<16xf32>
      }
      %while3A_67 = arith.constant 1 : i32
      %while3A_68:2 = scf.for %while3A_261 = %while3A_64 to %while3A_60 step %while3A_67 iter_args(%while3A_262 = %while3A_66#0, %while3A_263 = %while3A_66#1) -> (i32, vector<16xf32>)  : i32 {
        %get3A_264 = arith.index_cast %while3A_262 : i32 to index
        %get3A_265 = tpu.vector_load %arg18[%get3A_264] {strides = array<i32>} : memref<528xi32, #tpu.memory_space<vmem>>, vector<16xi32>,
        %slice3A_266 = vector.extract_strided_slice %get3A_265 {offsets = [0], sizes = [1], strides = [1]} : vector<16xi32> to vector<1xi32>
        %squeeze3A_267 = vector.extract %slice3A_266[0] : i32 from vector<1xi32>
        %dma_start3A_268 = arith.constant 0 : i32
        %dma_start3A_269 = arith.constant 0 : i32
        %dma_start3A_270 = tpu.memref_slice %arg10[%dma_start3A_268, %dma_start3A_269] : memref<2x8192xf32, #tpu.memory_space<vmem>> -> memref<1x8192xf32, #tpu.memory_space<vmem>>
        %dma_start3A_271 = arith.constant 0 : i32
        %dma_start3A_272 = tpu.memref_slice %arg8[%squeeze3A_267, %dma_start3A_271] : memref<16384x8192xf32, #tpu.memory_space<hbm>> -> memref<1x8192xf32, #tpu.memory_space<hbm>>
        %dma_start3A_273 = arith.constant 0 : i32
        %dma_start3A_274 = tpu.memref_slice %arg8[%squeeze3A_267, %dma_start3A_273] : memref<16384x8192xf32, #tpu.memory_space<hbm>> -> memref<1x8192xf32, #tpu.memory_space<hbm>>
        %dma_start3A_275 = arith.constant 0 : i32
        %dma_start3A_276 = arith.constant 0 : i32
        %dma_start3A_277 = tpu.memref_slice %arg10[%dma_start3A_275, %dma_start3A_276] : memref<2x8192xf32, #tpu.memory_space<vmem>> -> memref<1x8192xf32, #tpu.memory_space<vmem>>
        tpu.enqueue_dma source(%dma_start3A_277 : memref<1x8192xf32, #tpu.memory_space<vmem>>) target(%dma_start3A_274 : memref<1x8192xf32, #tpu.memory_space<hbm>>) target_semaphore(%arg14 : memref<!tpu.dma_semaphore, #tpu.memory_space<semaphore_mem>>)
        %get3A_278 = arith.index_cast %while3A_262 : i32 to index
        %get3A_279 = tpu.vector_load %arg19[%get3A_278] {strides = array<i32>} : memref<528xi32, #tpu.memory_space<vmem>>, vector<16xi32>,
        %slice3A_280 = vector.extract_strided_slice %get3A_279 {offsets = [0], sizes = [1], strides = [1]} : vector<16xi32> to vector<1xi32>
        %squeeze3A_281 = vector.extract %slice3A_280[0] : i32 from vector<1xi32>
        %broadcast_in_dim3A_282 = arith.constant 0 : i32
        %broadcast_in_dim3A_283 = vector.broadcast %broadcast_in_dim3A_282 : i32 to vector<16xi32>
        %broadcast_in_dim3A_284 = vector.broadcast %squeeze3A_281 : i32 to vector<16xi32>
        %gather3A = tpu.vector_load_idx %arg10[%broadcast_in_dim3A_283, %broadcast_in_dim3A_284] : memref<2x8192xf32, #tpu.memory_space<vmem>>[vector<16xi32>, vector<16xi32>], vector<16xf32>,
        %jit3A_285 = arith.constant 0.000000e+00 : f32
        %broadcast_in_dim3A_286 = vector.broadcast %jit3A_285 : f32 to vector<16xf32>
        %select_n3A_287 = arith.select %eq3A_3, %gather3A, %broadcast_in_dim3A_286 : vector<16xi1>, vector<16xf32>
        %add3A_288 = arith.addf %while3A_263, %select_n3A_287 : vector<16xf32>
        %add3A_289 = arith.constant 1 : i32
        %add3A_290 = arith.addi %while3A_262, %add3A_289 : i32
        scf.yield %add3A_290, %add3A_288 : i32, vector<16xf32>
      }
      %mul3A_69 = arith.constant 2 : i32
      %mul3A_70 = arith.muli %add3A_44, %mul3A_69 : i32
      %add3A_71 = arith.constant 1 : i32
      %add3A_72 = arith.addi %mul3A_70, %add3A_71 : i32
      %get3A_73 = arith.index_cast %add3A_72 : i32 to index
      %get3A_74 = tpu.vector_load %arg17[%get3A_73] {strides = array<i32>} : memref<528xi32, #tpu.memory_space<vmem>>, vector<16xi32>,
      %slice3A_75 = vector.extract_strided_slice %get3A_74 {offsets = [0], sizes = [1], strides = [1]} : vector<16xi32> to vector<1xi32>
      %squeeze3A_76 = vector.extract %slice3A_75[0] : i32 from vector<1xi32>
      %while3A_77 = arith.constant 0 : i32
      %while3A_78 = arith.subi %squeeze3A_76, %while3A_77 : i32
      %while3A_79 = arith.addi %while3A_77, %while3A_78 : i32
      %while3A_80 = arith.constant 1 : i32
      %while3A_81 = arith.divsi %while3A_78, %while3A_80 : i32
      %while3A_82 = arith.muli %while3A_81, %while3A_80 : i32
      %while3A_83 = arith.addi %while3A_77, %while3A_82 : i32
      %while3A_84 = arith.constant 1 : i32
      %while3A_85:2 = scf.for %while3A_261 = %while3A_77 to %while3A_83 step %while3A_84 iter_args(%while3A_262 = %while3A_68#0, %while3A_263 = %while3A_68#1) -> (i32, vector<16xf32>)  : i32 {
        %get3A_264 = arith.index_cast %while3A_262 : i32 to index
        %get3A_265 = tpu.vector_load %arg18[%get3A_264] {strides = array<i32>} : memref<528xi32, #tpu.memory_space<vmem>>, vector<16xi32>,
        %slice3A_266 = vector.extract_strided_slice %get3A_265 {offsets = [0], sizes = [1], strides = [1]} : vector<16xi32> to vector<1xi32>
        %squeeze3A_267 = vector.extract %slice3A_266[0] : i32 from vector<1xi32>
        %dma_start3A_268 = arith.constant 1 : i32
        %dma_start3A_269 = arith.constant 0 : i32
        %dma_start3A_270 = tpu.memref_slice %arg10[%dma_start3A_268, %dma_start3A_269] : memref<2x8192xf32, #tpu.memory_space<vmem>> -> memref<1x8192xf32, #tpu.memory_space<vmem>>
        %dma_start3A_271 = arith.constant 0 : i32
        %dma_start3A_272 = tpu.memref_slice %arg8[%squeeze3A_267, %dma_start3A_271] : memref<16384x8192xf32, #tpu.memory_space<hbm>> -> memref<1x8192xf32, #tpu.memory_space<hbm>>
        %dma_start3A_273 = arith.constant 0 : i32
        %dma_start3A_274 = tpu.memref_slice %arg8[%squeeze3A_267, %dma_start3A_273] : memref<16384x8192xf32, #tpu.memory_space<hbm>> -> memref<1x8192xf32, #tpu.memory_space<hbm>>
        %dma_start3A_275 = arith.constant 1 : i32
        %dma_start3A_276 = arith.constant 0 : i32
        %dma_start3A_277 = tpu.memref_slice %arg10[%dma_start3A_275, %dma_start3A_276] : memref<2x8192xf32, #tpu.memory_space<vmem>> -> memref<1x8192xf32, #tpu.memory_space<vmem>>
        tpu.enqueue_dma source(%dma_start3A_277 : memref<1x8192xf32, #tpu.memory_space<vmem>>) target(%dma_start3A_274 : memref<1x8192xf32, #tpu.memory_space<hbm>>) target_semaphore(%arg14 : memref<!tpu.dma_semaphore, #tpu.memory_space<semaphore_mem>>)
        %get3A_278 = arith.index_cast %while3A_262 : i32 to index
        %get3A_279 = tpu.vector_load %arg19[%get3A_278] {strides = array<i32>} : memref<528xi32, #tpu.memory_space<vmem>>, vector<16xi32>,
        %slice3A_280 = vector.extract_strided_slice %get3A_279 {offsets = [0], sizes = [1], strides = [1]} : vector<16xi32> to vector<1xi32>
        %squeeze3A_281 = vector.extract %slice3A_280[0] : i32 from vector<1xi32>
        %broadcast_in_dim3A_282 = arith.constant 1 : i32
        %broadcast_in_dim3A_283 = vector.broadcast %broadcast_in_dim3A_282 : i32 to vector<16xi32>
        %broadcast_in_dim3A_284 = vector.broadcast %squeeze3A_281 : i32 to vector<16xi32>
        %gather3A = tpu.vector_load_idx %arg10[%broadcast_in_dim3A_283, %broadcast_in_dim3A_284] : memref<2x8192xf32, #tpu.memory_space<vmem>>[vector<16xi32>, vector<16xi32>], vector<16xf32>,
        %jit3A_285 = arith.constant 0.000000e+00 : f32
        %broadcast_in_dim3A_286 = vector.broadcast %jit3A_285 : f32 to vector<16xf32>
        %select_n3A_287 = arith.select %eq3A_3, %gather3A, %broadcast_in_dim3A_286 : vector<16xi1>, vector<16xf32>
        %add3A_288 = arith.addf %while3A_263, %select_n3A_287 : vector<16xf32>
        %add3A_289 = arith.constant 1 : i32
        %add3A_290 = arith.addi %while3A_262, %add3A_289 : i32
        scf.yield %add3A_290, %add3A_288 : i32, vector<16xf32>
      }
      %while3A_86 = arith.constant 1 : i32
      %while3A_87:2 = scf.for %while3A_261 = %while3A_83 to %while3A_79 step %while3A_86 iter_args(%while3A_262 = %while3A_85#0, %while3A_263 = %while3A_85#1) -> (i32, vector<16xf32>)  : i32 {
        %get3A_264 = arith.index_cast %while3A_262 : i32 to index
        %get3A_265 = tpu.vector_load %arg18[%get3A_264] {strides = array<i32>} : memref<528xi32, #tpu.memory_space<vmem>>, vector<16xi32>,
        %slice3A_266 = vector.extract_strided_slice %get3A_265 {offsets = [0], sizes = [1], strides = [1]} : vector<16xi32> to vector<1xi32>
        %squeeze3A_267 = vector.extract %slice3A_266[0] : i32 from vector<1xi32>
        %dma_start3A_268 = arith.constant 1 : i32
        %dma_start3A_269 = arith.constant 0 : i32
        %dma_start3A_270 = tpu.memref_slice %arg10[%dma_start3A_268, %dma_start3A_269] : memref<2x8192xf32, #tpu.memory_space<vmem>> -> memref<1x8192xf32, #tpu.memory_space<vmem>>
        %dma_start3A_271 = arith.constant 0 : i32
        %dma_start3A_272 = tpu.memref_slice %arg8[%squeeze3A_267, %dma_start3A_271] : memref<16384x8192xf32, #tpu.memory_space<hbm>> -> memref<1x8192xf32, #tpu.memory_space<hbm>>
        %dma_start3A_273 = arith.constant 0 : i32
        %dma_start3A_274 = tpu.memref_slice %arg8[%squeeze3A_267, %dma_start3A_273] : memref<16384x8192xf32, #tpu.memory_space<hbm>> -> memref<1x8192xf32, #tpu.memory_space<hbm>>
        %dma_start3A_275 = arith.constant 1 : i32
        %dma_start3A_276 = arith.constant 0 : i32
        %dma_start3A_277 = tpu.memref_slice %arg10[%dma_start3A_275, %dma_start3A_276] : memref<2x8192xf32, #tpu.memory_space<vmem>> -> memref<1x8192xf32, #tpu.memory_space<vmem>>
        tpu.enqueue_dma source(%dma_start3A_277 : memref<1x8192xf32, #tpu.memory_space<vmem>>) target(%dma_start3A_274 : memref<1x8192xf32, #tpu.memory_space<hbm>>) target_semaphore(%arg14 : memref<!tpu.dma_semaphore, #tpu.memory_space<semaphore_mem>>)
        %get3A_278 = arith.index_cast %while3A_262 : i32 to index
        %get3A_279 = tpu.vector_load %arg19[%get3A_278] {strides = array<i32>} : memref<528xi32, #tpu.memory_space<vmem>>, vector<16xi32>,
        %slice3A_280 = vector.extract_strided_slice %get3A_279 {offsets = [0], sizes = [1], strides = [1]} : vector<16xi32> to vector<1xi32>
        %squeeze3A_281 = vector.extract %slice3A_280[0] : i32 from vector<1xi32>
        %broadcast_in_dim3A_282 = arith.constant 1 : i32
        %broadcast_in_dim3A_283 = vector.broadcast %broadcast_in_dim3A_282 : i32 to vector<16xi32>
        %broadcast_in_dim3A_284 = vector.broadcast %squeeze3A_281 : i32 to vector<16xi32>
        %gather3A = tpu.vector_load_idx %arg10[%broadcast_in_dim3A_283, %broadcast_in_dim3A_284] : memref<2x8192xf32, #tpu.memory_space<vmem>>[vector<16xi32>, vector<16xi32>], vector<16xf32>,
        %jit3A_285 = arith.constant 0.000000e+00 : f32
        %broadcast_in_dim3A_286 = vector.broadcast %jit3A_285 : f32 to vector<16xf32>
        %select_n3A_287 = arith.select %eq3A_3, %gather3A, %broadcast_in_dim3A_286 : vector<16xi1>, vector<16xf32>
        %add3A_288 = arith.addf %while3A_263, %select_n3A_287 : vector<16xf32>
        %add3A_289 = arith.constant 1 : i32
        %add3A_290 = arith.addi %while3A_262, %add3A_289 : i32
        scf.yield %add3A_290, %add3A_288 : i32, vector<16xf32>
      }
      %sub3A_88 = arith.subi %while3A_87#0, %while3A_39 : i32
      %jit3A = arith.constant 2 : i32
      %div3A_89 = arith.divsi %sub3A_88, %jit3A : i32
      %sign3A = arith.constant 0 : i32
      %sign3A_90 = arith.cmpi sgt, %sub3A_88, %sign3A : i32
      %sign3A_91 = arith.extui %sign3A_90 : i1 to i32
      %sign3A_92 = arith.constant 0 : i32
      %sign3A_93 = arith.cmpi slt, %sub3A_88, %sign3A_92 : i32
      %sign3A_94 = arith.extui %sign3A_93 : i1 to i32
      %sign3A_95 = arith.subi %sign3A_91, %sign3A_94 : i32
      %sign3A_96 = arith.constant 0 : i32
      %sign3A_97 = arith.cmpi sgt, %jit3A, %sign3A_96 : i32
      %sign3A_98 = arith.extui %sign3A_97 : i1 to i32
      %sign3A_99 = arith.constant 0 : i32
      %sign3A_100 = arith.cmpi slt, %jit3A, %sign3A_99 : i32
      %sign3A_101 = arith.extui %sign3A_100 : i1 to i32
      %sign3A_102 = arith.subi %sign3A_98, %sign3A_101 : i32
      %ne3A = arith.cmpi ne, %sign3A_95, %sign3A_102 : i32
      %rem3A = arith.remsi %sub3A_88, %jit3A : i32
      %ne3A_103 = arith.constant 0 : i32
      %ne3A_104 = arith.cmpi ne, %rem3A, %ne3A_103 : i32
      %and3A = arith.andi %ne3A, %ne3A_104 : i1
      %sub3A_105 = arith.constant 1 : i32
      %sub3A_106 = arith.subi %div3A_89, %sub3A_105 : i32
      %select_n3A = arith.select %and3A, %sub3A_106, %div3A_89 : i32
      %while3A_107 = arith.constant 0 : i32
      %while3A_108 = arith.constant 0 : i32
      %while3A_109 = arith.subi %select_n3A, %while3A_108 : i32
      %while3A_110 = arith.addi %while3A_108, %while3A_109 : i32
      %while3A_111 = arith.constant 1 : i32
      %while3A_112 = arith.divsi %while3A_109, %while3A_111 : i32
      %while3A_113 = arith.muli %while3A_112, %while3A_111 : i32
      %while3A_114 = arith.addi %while3A_108, %while3A_113 : i32
      %while3A_115 = arith.constant 1 : i32
      scf.for %while3A_261 = %while3A_108 to %while3A_114 step %while3A_115  : i32 {
        %dma_wait3A_262 = arith.constant 0 : i32
        %dma_wait3A_263 = arith.constant 0 : i32
        %dma_wait3A_264 = tpu.memref_slice %arg8[%dma_wait3A_262, %dma_wait3A_263] : memref<16384x8192xf32, #tpu.memory_space<hbm>> -> memref<2x8192xf32, #tpu.memory_space<hbm>>
        %dma_wait3A_265 = arith.constant 0 : i32
        %dma_wait3A_266 = arith.constant 0 : i32
        %dma_wait3A_267 = tpu.memref_slice %arg8[%dma_wait3A_265, %dma_wait3A_266] : memref<16384x8192xf32, #tpu.memory_space<hbm>> -> memref<2x8192xf32, #tpu.memory_space<hbm>>
        tpu.wait_dma2 semaphore(%arg14 : memref<!tpu.dma_semaphore, #tpu.memory_space<semaphore_mem>>) src(%arg10 : memref<2x8192xf32, #tpu.memory_space<vmem>>) dst(%dma_wait3A_267 : memref<2x8192xf32, #tpu.memory_space<hbm>>)
      }
      %while3A_116 = arith.constant 1 : i32
      scf.for %while3A_261 = %while3A_114 to %while3A_110 step %while3A_116  : i32 {
        %dma_wait3A_262 = arith.constant 0 : i32
        %dma_wait3A_263 = arith.constant 0 : i32
        %dma_wait3A_264 = tpu.memref_slice %arg8[%dma_wait3A_262, %dma_wait3A_263] : memref<16384x8192xf32, #tpu.memory_space<hbm>> -> memref<2x8192xf32, #tpu.memory_space<hbm>>
        %dma_wait3A_265 = arith.constant 0 : i32
        %dma_wait3A_266 = arith.constant 0 : i32
        %dma_wait3A_267 = tpu.memref_slice %arg8[%dma_wait3A_265, %dma_wait3A_266] : memref<16384x8192xf32, #tpu.memory_space<hbm>> -> memref<2x8192xf32, #tpu.memory_space<hbm>>
        tpu.wait_dma2 semaphore(%arg14 : memref<!tpu.dma_semaphore, #tpu.memory_space<semaphore_mem>>) src(%arg10 : memref<2x8192xf32, #tpu.memory_space<vmem>>) dst(%dma_wait3A_267 : memref<2x8192xf32, #tpu.memory_space<hbm>>)
      }
      %sub3A_117 = arith.subi %while3A_87#0, %while3A_39 : i32
      %jit3A_118 = arith.constant 2 : i32
      %eq3A_119 = arith.constant 0 : i32
      %eq3A_120 = arith.cmpi eq, %jit3A_118, %eq3A_119 : i32
      %jit3A_121 = arith.constant 1 : i32
      %select_n3A_122 = arith.select %eq3A_120, %jit3A_121, %jit3A_118 : i32
      %rem3A_123 = arith.remsi %sub3A_117, %select_n3A_122 : i32
      %ne3A_124 = arith.constant 0 : i32
      %ne3A_125 = arith.cmpi ne, %rem3A_123, %ne3A_124 : i32
      %lt3A = arith.constant 0 : i32
      %lt3A_126 = arith.cmpi slt, %rem3A_123, %lt3A : i32
      %lt3A_127 = arith.constant 0 : i32
      %lt3A_128 = arith.cmpi slt, %select_n3A_122, %lt3A_127 : i32
      %ne3A_129 = arith.xori %lt3A_126, %lt3A_128 : i1
      %and3A_130 = arith.andi %ne3A_129, %ne3A_125 : i1
      %add3A_131 = arith.addi %rem3A_123, %select_n3A_122 : i32
      %select_n3A_132 = arith.select %and3A_130, %add3A_131, %rem3A_123 : i32
      %while3A_133 = arith.constant 0 : i32
      %while3A_134 = arith.constant 0 : i32
      %while3A_135 = arith.subi %select_n3A_132, %while3A_134 : i32
      %while3A_136 = arith.addi %while3A_134, %while3A_135 : i32
      %while3A_137 = arith.constant 1 : i32
      %while3A_138 = arith.divsi %while3A_135, %while3A_137 : i32
      %while3A_139 = arith.muli %while3A_138, %while3A_137 : i32
      %while3A_140 = arith.addi %while3A_134, %while3A_139 : i32
      %while3A_141 = arith.constant 1 : i32
      scf.for %while3A_261 = %while3A_134 to %while3A_140 step %while3A_141  : i32 {
        %dma_wait3A_262 = arith.constant 0 : i32
        %dma_wait3A_263 = arith.constant 0 : i32
        %dma_wait3A_264 = tpu.memref_slice %arg10[%dma_wait3A_262, %dma_wait3A_263] : memref<2x8192xf32, #tpu.memory_space<vmem>> -> memref<1x8192xf32, #tpu.memory_space<vmem>>
        %dma_wait3A_265 = arith.constant 0 : i32
        %dma_wait3A_266 = arith.constant 0 : i32
        %dma_wait3A_267 = tpu.memref_slice %arg8[%dma_wait3A_265, %dma_wait3A_266] : memref<16384x8192xf32, #tpu.memory_space<hbm>> -> memref<1x8192xf32, #tpu.memory_space<hbm>>
        %dma_wait3A_268 = arith.constant 0 : i32
        %dma_wait3A_269 = arith.constant 0 : i32
        %dma_wait3A_270 = tpu.memref_slice %arg8[%dma_wait3A_268, %dma_wait3A_269] : memref<16384x8192xf32, #tpu.memory_space<hbm>> -> memref<1x8192xf32, #tpu.memory_space<hbm>>
        %dma_wait3A_271 = arith.constant 0 : i32
        %dma_wait3A_272 = arith.constant 0 : i32
        %dma_wait3A_273 = tpu.memref_slice %arg10[%dma_wait3A_271, %dma_wait3A_272] : memref<2x8192xf32, #tpu.memory_space<vmem>> -> memref<1x8192xf32, #tpu.memory_space<vmem>>
        tpu.wait_dma2 semaphore(%arg14 : memref<!tpu.dma_semaphore, #tpu.memory_space<semaphore_mem>>) src(%dma_wait3A_273 : memref<1x8192xf32, #tpu.memory_space<vmem>>) dst(%dma_wait3A_270 : memref<1x8192xf32, #tpu.memory_space<hbm>>)
      }
      %while3A_142 = arith.constant 1 : i32
      scf.for %while3A_261 = %while3A_140 to %while3A_136 step %while3A_142  : i32 {
        %dma_wait3A_262 = arith.constant 0 : i32
        %dma_wait3A_263 = arith.constant 0 : i32
        %dma_wait3A_264 = tpu.memref_slice %arg10[%dma_wait3A_262, %dma_wait3A_263] : memref<2x8192xf32, #tpu.memory_space<vmem>> -> memref<1x8192xf32, #tpu.memory_space<vmem>>
        %dma_wait3A_265 = arith.constant 0 : i32
        %dma_wait3A_266 = arith.constant 0 : i32
        %dma_wait3A_267 = tpu.memref_slice %arg8[%dma_wait3A_265, %dma_wait3A_266] : memref<16384x8192xf32, #tpu.memory_space<hbm>> -> memref<1x8192xf32, #tpu.memory_space<hbm>>
        %dma_wait3A_268 = arith.constant 0 : i32
        %dma_wait3A_269 = arith.constant 0 : i32
        %dma_wait3A_270 = tpu.memref_slice %arg8[%dma_wait3A_268, %dma_wait3A_269] : memref<16384x8192xf32, #tpu.memory_space<hbm>> -> memref<1x8192xf32, #tpu.memory_space<hbm>>
        %dma_wait3A_271 = arith.constant 0 : i32
        %dma_wait3A_272 = arith.constant 0 : i32
        %dma_wait3A_273 = tpu.memref_slice %arg10[%dma_wait3A_271, %dma_wait3A_272] : memref<2x8192xf32, #tpu.memory_space<vmem>> -> memref<1x8192xf32, #tpu.memory_space<vmem>>
        tpu.wait_dma2 semaphore(%arg14 : memref<!tpu.dma_semaphore, #tpu.memory_space<semaphore_mem>>) src(%dma_wait3A_273 : memref<1x8192xf32, #tpu.memory_space<vmem>>) dst(%dma_wait3A_270 : memref<1x8192xf32, #tpu.memory_space<hbm>>)
      }
      %add3A_143 = arith.constant 2 : i32
      %add3A_144 = arith.addi %add3A_44, %add3A_143 : i32
      %lt3A_145 = arith.cmpi slt, %add3A_144, %squeeze3A : i32
      %convert_element_type3A = arith.extui %lt3A_145 : i1 to i32
      %cond3A = arith.constant 0 : i32
      %cond3A_146 = arith.cmpi ne, %convert_element_type3A, %cond3A : i32
      scf.if %cond3A_146 {
        %dma_start3A_261 = arith.constant 0 : i32
        %dma_start3A_262 = tpu.memref_slice %arg16[%add3A_144, %dma_start3A_261] : memref<256x2xi32, #tpu.memory_space<vmem>> -> memref<1x2xi32, #tpu.memory_space<vmem>>
        %dma_start3A_263 = tpu.memref_squeeze %dma_start3A_262 : memref<1x2xi32, #tpu.memory_space<vmem>> -> memref<2xi32, #tpu.memory_space<vmem>>
        %dma_start3A_264 = arith.constant 0 : i32
        %dma_start3A_265 = arith.constant 0 : i32
        %dma_start3A_266 = tpu.memref_slice %arg7[%dma_start3A_264, %dma_start3A_265] : memref<8192x8192xf32, #tpu.memory_space<hbm>> -> memref<8192x8192xf32, #tpu.memory_space<hbm>>
        tpu.enqueue_indirect_dma source(%dma_start3A_266 : memref<8192x8192xf32, #tpu.memory_space<hbm>>) target(%arg10 : memref<2x8192xf32, #tpu.memory_space<vmem>>) offsets(%dma_start3A_263 : memref<2xi32, #tpu.memory_space<vmem>>) semaphore(%arg12 : memref<!tpu.dma_semaphore, #tpu.memory_space<semaphore_mem>>)
      } else {
      }
      %add3A_147 = arith.constant 1 : i32
      %add3A_148 = arith.addi %add3A_42, %add3A_147 : i32
      %dma_wait3A_149 = arith.constant 0 : i32
      %dma_wait3A_150 = tpu.memref_slice %arg16[%add3A_148, %dma_wait3A_149] : memref<256x2xi32, #tpu.memory_space<vmem>> -> memref<1x2xi32, #tpu.memory_space<vmem>>
      %dma_wait3A_151 = tpu.memref_squeeze %dma_wait3A_150 : memref<1x2xi32, #tpu.memory_space<vmem>> -> memref<2xi32, #tpu.memory_space<vmem>>
      %dma_wait3A_152 = arith.constant 0 : i32
      %dma_wait3A_153 = arith.constant 0 : i32
      %dma_wait3A_154 = tpu.memref_slice %arg7[%dma_wait3A_152, %dma_wait3A_153] : memref<8192x8192xf32, #tpu.memory_space<hbm>> -> memref<8192x8192xf32, #tpu.memory_space<hbm>>
      tpu.wait_indirect_dma semaphore(%arg13 : memref<!tpu.dma_semaphore, #tpu.memory_space<semaphore_mem>>) src(%dma_wait3A_154 : memref<8192x8192xf32, #tpu.memory_space<hbm>>) dst(%arg11 : memref<2x8192xf32, #tpu.memory_space<vmem>>)
      %mul3A_155 = arith.constant 2 : i32
      %mul3A_156 = arith.muli %add3A_148, %mul3A_155 : i32
      %add3A_157 = arith.constant 0 : i32
      %add3A_158 = arith.addi %mul3A_156, %add3A_157 : i32
      %get3A_159 = arith.index_cast %add3A_158 : i32 to index
      %get3A_160 = tpu.vector_load %arg17[%get3A_159] {strides = array<i32>} : memref<528xi32, #tpu.memory_space<vmem>>, vector<16xi32>,
      %slice3A_161 = vector.extract_strided_slice %get3A_160 {offsets = [0], sizes = [1], strides = [1]} : vector<16xi32> to vector<1xi32>
      %squeeze3A_162 = vector.extract %slice3A_161[0] : i32 from vector<1xi32>
      %while3A_163 = arith.constant 0 : i32
      %while3A_164 = arith.subi %squeeze3A_162, %while3A_163 : i32
      %while3A_165 = arith.addi %while3A_163, %while3A_164 : i32
      %while3A_166 = arith.constant 1 : i32
      %while3A_167 = arith.divsi %while3A_164, %while3A_166 : i32
      %while3A_168 = arith.muli %while3A_167, %while3A_166 : i32
      %while3A_169 = arith.addi %while3A_163, %while3A_168 : i32
      %while3A_170 = arith.constant 1 : i32
      %while3A_171:2 = scf.for %while3A_261 = %while3A_163 to %while3A_169 step %while3A_170 iter_args(%while3A_262 = %while3A_87#0, %while3A_263 = %while3A_87#1) -> (i32, vector<16xf32>)  : i32 {
        %get3A_264 = arith.index_cast %while3A_262 : i32 to index
        %get3A_265 = tpu.vector_load %arg18[%get3A_264] {strides = array<i32>} : memref<528xi32, #tpu.memory_space<vmem>>, vector<16xi32>,
        %slice3A_266 = vector.extract_strided_slice %get3A_265 {offsets = [0], sizes = [1], strides = [1]} : vector<16xi32> to vector<1xi32>
        %squeeze3A_267 = vector.extract %slice3A_266[0] : i32 from vector<1xi32>
        %dma_start3A_268 = arith.constant 0 : i32
        %dma_start3A_269 = arith.constant 0 : i32
        %dma_start3A_270 = tpu.memref_slice %arg11[%dma_start3A_268, %dma_start3A_269] : memref<2x8192xf32, #tpu.memory_space<vmem>> -> memref<1x8192xf32, #tpu.memory_space<vmem>>
        %dma_start3A_271 = arith.constant 0 : i32
        %dma_start3A_272 = tpu.memref_slice %arg8[%squeeze3A_267, %dma_start3A_271] : memref<16384x8192xf32, #tpu.memory_space<hbm>> -> memref<1x8192xf32, #tpu.memory_space<hbm>>
        %dma_start3A_273 = arith.constant 0 : i32
        %dma_start3A_274 = tpu.memref_slice %arg8[%squeeze3A_267, %dma_start3A_273] : memref<16384x8192xf32, #tpu.memory_space<hbm>> -> memref<1x8192xf32, #tpu.memory_space<hbm>>
        %dma_start3A_275 = arith.constant 0 : i32
        %dma_start3A_276 = arith.constant 0 : i32
        %dma_start3A_277 = tpu.memref_slice %arg11[%dma_start3A_275, %dma_start3A_276] : memref<2x8192xf32, #tpu.memory_space<vmem>> -> memref<1x8192xf32, #tpu.memory_space<vmem>>
        tpu.enqueue_dma source(%dma_start3A_277 : memref<1x8192xf32, #tpu.memory_space<vmem>>) target(%dma_start3A_274 : memref<1x8192xf32, #tpu.memory_space<hbm>>) target_semaphore(%arg15 : memref<!tpu.dma_semaphore, #tpu.memory_space<semaphore_mem>>)
        %get3A_278 = arith.index_cast %while3A_262 : i32 to index
        %get3A_279 = tpu.vector_load %arg19[%get3A_278] {strides = array<i32>} : memref<528xi32, #tpu.memory_space<vmem>>, vector<16xi32>,
        %slice3A_280 = vector.extract_strided_slice %get3A_279 {offsets = [0], sizes = [1], strides = [1]} : vector<16xi32> to vector<1xi32>
        %squeeze3A_281 = vector.extract %slice3A_280[0] : i32 from vector<1xi32>
        %broadcast_in_dim3A_282 = arith.constant 0 : i32
        %broadcast_in_dim3A_283 = vector.broadcast %broadcast_in_dim3A_282 : i32 to vector<16xi32>
        %broadcast_in_dim3A_284 = vector.broadcast %squeeze3A_281 : i32 to vector<16xi32>
        %gather3A = tpu.vector_load_idx %arg11[%broadcast_in_dim3A_283, %broadcast_in_dim3A_284] : memref<2x8192xf32, #tpu.memory_space<vmem>>[vector<16xi32>, vector<16xi32>], vector<16xf32>,
        %jit3A_285 = arith.constant 0.000000e+00 : f32
        %broadcast_in_dim3A_286 = vector.broadcast %jit3A_285 : f32 to vector<16xf32>
        %select_n3A_287 = arith.select %eq3A_3, %gather3A, %broadcast_in_dim3A_286 : vector<16xi1>, vector<16xf32>
        %add3A_288 = arith.addf %while3A_263, %select_n3A_287 : vector<16xf32>
        %add3A_289 = arith.constant 1 : i32
        %add3A_290 = arith.addi %while3A_262, %add3A_289 : i32
        scf.yield %add3A_290, %add3A_288 : i32, vector<16xf32>
      }
      %while3A_172 = arith.constant 1 : i32
      %while3A_173:2 = scf.for %while3A_261 = %while3A_169 to %while3A_165 step %while3A_172 iter_args(%while3A_262 = %while3A_171#0, %while3A_263 = %while3A_171#1) -> (i32, vector<16xf32>)  : i32 {
        %get3A_264 = arith.index_cast %while3A_262 : i32 to index
        %get3A_265 = tpu.vector_load %arg18[%get3A_264] {strides = array<i32>} : memref<528xi32, #tpu.memory_space<vmem>>, vector<16xi32>,
        %slice3A_266 = vector.extract_strided_slice %get3A_265 {offsets = [0], sizes = [1], strides = [1]} : vector<16xi32> to vector<1xi32>
        %squeeze3A_267 = vector.extract %slice3A_266[0] : i32 from vector<1xi32>
        %dma_start3A_268 = arith.constant 0 : i32
        %dma_start3A_269 = arith.constant 0 : i32
        %dma_start3A_270 = tpu.memref_slice %arg11[%dma_start3A_268, %dma_start3A_269] : memref<2x8192xf32, #tpu.memory_space<vmem>> -> memref<1x8192xf32, #tpu.memory_space<vmem>>
        %dma_start3A_271 = arith.constant 0 : i32
        %dma_start3A_272 = tpu.memref_slice %arg8[%squeeze3A_267, %dma_start3A_271] : memref<16384x8192xf32, #tpu.memory_space<hbm>> -> memref<1x8192xf32, #tpu.memory_space<hbm>>
        %dma_start3A_273 = arith.constant 0 : i32
        %dma_start3A_274 = tpu.memref_slice %arg8[%squeeze3A_267, %dma_start3A_273] : memref<16384x8192xf32, #tpu.memory_space<hbm>> -> memref<1x8192xf32, #tpu.memory_space<hbm>>
        %dma_start3A_275 = arith.constant 0 : i32
        %dma_start3A_276 = arith.constant 0 : i32
        %dma_start3A_277 = tpu.memref_slice %arg11[%dma_start3A_275, %dma_start3A_276] : memref<2x8192xf32, #tpu.memory_space<vmem>> -> memref<1x8192xf32, #tpu.memory_space<vmem>>
        tpu.enqueue_dma source(%dma_start3A_277 : memref<1x8192xf32, #tpu.memory_space<vmem>>) target(%dma_start3A_274 : memref<1x8192xf32, #tpu.memory_space<hbm>>) target_semaphore(%arg15 : memref<!tpu.dma_semaphore, #tpu.memory_space<semaphore_mem>>)
        %get3A_278 = arith.index_cast %while3A_262 : i32 to index
        %get3A_279 = tpu.vector_load %arg19[%get3A_278] {strides = array<i32>} : memref<528xi32, #tpu.memory_space<vmem>>, vector<16xi32>,
        %slice3A_280 = vector.extract_strided_slice %get3A_279 {offsets = [0], sizes = [1], strides = [1]} : vector<16xi32> to vector<1xi32>
        %squeeze3A_281 = vector.extract %slice3A_280[0] : i32 from vector<1xi32>
        %broadcast_in_dim3A_282 = arith.constant 0 : i32
        %broadcast_in_dim3A_283 = vector.broadcast %broadcast_in_dim3A_282 : i32 to vector<16xi32>
        %broadcast_in_dim3A_284 = vector.broadcast %squeeze3A_281 : i32 to vector<16xi32>
        %gather3A = tpu.vector_load_idx %arg11[%broadcast_in_dim3A_283, %broadcast_in_dim3A_284] : memref<2x8192xf32, #tpu.memory_space<vmem>>[vector<16xi32>, vector<16xi32>], vector<16xf32>,
        %jit3A_285 = arith.constant 0.000000e+00 : f32
        %broadcast_in_dim3A_286 = vector.broadcast %jit3A_285 : f32 to vector<16xf32>
        %select_n3A_287 = arith.select %eq3A_3, %gather3A, %broadcast_in_dim3A_286 : vector<16xi1>, vector<16xf32>
        %add3A_288 = arith.addf %while3A_263, %select_n3A_287 : vector<16xf32>
        %add3A_289 = arith.constant 1 : i32
        %add3A_290 = arith.addi %while3A_262, %add3A_289 : i32
        scf.yield %add3A_290, %add3A_288 : i32, vector<16xf32>
      }
      %mul3A_174 = arith.constant 2 : i32
      %mul3A_175 = arith.muli %add3A_148, %mul3A_174 : i32
      %add3A_176 = arith.constant 1 : i32
      %add3A_177 = arith.addi %mul3A_175, %add3A_176 : i32
      %get3A_178 = arith.index_cast %add3A_177 : i32 to index
      %get3A_179 = tpu.vector_load %arg17[%get3A_178] {strides = array<i32>} : memref<528xi32, #tpu.memory_space<vmem>>, vector<16xi32>,
      %slice3A_180 = vector.extract_strided_slice %get3A_179 {offsets = [0], sizes = [1], strides = [1]} : vector<16xi32> to vector<1xi32>
      %squeeze3A_181 = vector.extract %slice3A_180[0] : i32 from vector<1xi32>
      %while3A_182 = arith.constant 0 : i32
      %while3A_183 = arith.subi %squeeze3A_181, %while3A_182 : i32
      %while3A_184 = arith.addi %while3A_182, %while3A_183 : i32
      %while3A_185 = arith.constant 1 : i32
      %while3A_186 = arith.divsi %while3A_183, %while3A_185 : i32
      %while3A_187 = arith.muli %while3A_186, %while3A_185 : i32
      %while3A_188 = arith.addi %while3A_182, %while3A_187 : i32
      %while3A_189 = arith.constant 1 : i32
      %while3A_190:2 = scf.for %while3A_261 = %while3A_182 to %while3A_188 step %while3A_189 iter_args(%while3A_262 = %while3A_173#0, %while3A_263 = %while3A_173#1) -> (i32, vector<16xf32>)  : i32 {
        %get3A_264 = arith.index_cast %while3A_262 : i32 to index
        %get3A_265 = tpu.vector_load %arg18[%get3A_264] {strides = array<i32>} : memref<528xi32, #tpu.memory_space<vmem>>, vector<16xi32>,
        %slice3A_266 = vector.extract_strided_slice %get3A_265 {offsets = [0], sizes = [1], strides = [1]} : vector<16xi32> to vector<1xi32>
        %squeeze3A_267 = vector.extract %slice3A_266[0] : i32 from vector<1xi32>
        %dma_start3A_268 = arith.constant 1 : i32
        %dma_start3A_269 = arith.constant 0 : i32
        %dma_start3A_270 = tpu.memref_slice %arg11[%dma_start3A_268, %dma_start3A_269] : memref<2x8192xf32, #tpu.memory_space<vmem>> -> memref<1x8192xf32, #tpu.memory_space<vmem>>
        %dma_start3A_271 = arith.constant 0 : i32
        %dma_start3A_272 = tpu.memref_slice %arg8[%squeeze3A_267, %dma_start3A_271] : memref<16384x8192xf32, #tpu.memory_space<hbm>> -> memref<1x8192xf32, #tpu.memory_space<hbm>>
        %dma_start3A_273 = arith.constant 0 : i32
        %dma_start3A_274 = tpu.memref_slice %arg8[%squeeze3A_267, %dma_start3A_273] : memref<16384x8192xf32, #tpu.memory_space<hbm>> -> memref<1x8192xf32, #tpu.memory_space<hbm>>
        %dma_start3A_275 = arith.constant 1 : i32
        %dma_start3A_276 = arith.constant 0 : i32
        %dma_start3A_277 = tpu.memref_slice %arg11[%dma_start3A_275, %dma_start3A_276] : memref<2x8192xf32, #tpu.memory_space<vmem>> -> memref<1x8192xf32, #tpu.memory_space<vmem>>
        tpu.enqueue_dma source(%dma_start3A_277 : memref<1x8192xf32, #tpu.memory_space<vmem>>) target(%dma_start3A_274 : memref<1x8192xf32, #tpu.memory_space<hbm>>) target_semaphore(%arg15 : memref<!tpu.dma_semaphore, #tpu.memory_space<semaphore_mem>>)
        %get3A_278 = arith.index_cast %while3A_262 : i32 to index
        %get3A_279 = tpu.vector_load %arg19[%get3A_278] {strides = array<i32>} : memref<528xi32, #tpu.memory_space<vmem>>, vector<16xi32>,
        %slice3A_280 = vector.extract_strided_slice %get3A_279 {offsets = [0], sizes = [1], strides = [1]} : vector<16xi32> to vector<1xi32>
        %squeeze3A_281 = vector.extract %slice3A_280[0] : i32 from vector<1xi32>
        %broadcast_in_dim3A_282 = arith.constant 1 : i32
        %broadcast_in_dim3A_283 = vector.broadcast %broadcast_in_dim3A_282 : i32 to vector<16xi32>
        %broadcast_in_dim3A_284 = vector.broadcast %squeeze3A_281 : i32 to vector<16xi32>
        %gather3A = tpu.vector_load_idx %arg11[%broadcast_in_dim3A_283, %broadcast_in_dim3A_284] : memref<2x8192xf32, #tpu.memory_space<vmem>>[vector<16xi32>, vector<16xi32>], vector<16xf32>,
        %jit3A_285 = arith.constant 0.000000e+00 : f32
        %broadcast_in_dim3A_286 = vector.broadcast %jit3A_285 : f32 to vector<16xf32>
        %select_n3A_287 = arith.select %eq3A_3, %gather3A, %broadcast_in_dim3A_286 : vector<16xi1>, vector<16xf32>
        %add3A_288 = arith.addf %while3A_263, %select_n3A_287 : vector<16xf32>
        %add3A_289 = arith.constant 1 : i32
        %add3A_290 = arith.addi %while3A_262, %add3A_289 : i32
        scf.yield %add3A_290, %add3A_288 : i32, vector<16xf32>
      }
      %while3A_191 = arith.constant 1 : i32
      %while3A_192:2 = scf.for %while3A_261 = %while3A_188 to %while3A_184 step %while3A_191 iter_args(%while3A_262 = %while3A_190#0, %while3A_263 = %while3A_190#1) -> (i32, vector<16xf32>)  : i32 {
        %get3A_264 = arith.index_cast %while3A_262 : i32 to index
        %get3A_265 = tpu.vector_load %arg18[%get3A_264] {strides = array<i32>} : memref<528xi32, #tpu.memory_space<vmem>>, vector<16xi32>,
        %slice3A_266 = vector.extract_strided_slice %get3A_265 {offsets = [0], sizes = [1], strides = [1]} : vector<16xi32> to vector<1xi32>
        %squeeze3A_267 = vector.extract %slice3A_266[0] : i32 from vector<1xi32>
        %dma_start3A_268 = arith.constant 1 : i32
        %dma_start3A_269 = arith.constant 0 : i32
        %dma_start3A_270 = tpu.memref_slice %arg11[%dma_start3A_268, %dma_start3A_269] : memref<2x8192xf32, #tpu.memory_space<vmem>> -> memref<1x8192xf32, #tpu.memory_space<vmem>>
        %dma_start3A_271 = arith.constant 0 : i32
        %dma_start3A_272 = tpu.memref_slice %arg8[%squeeze3A_267, %dma_start3A_271] : memref<16384x8192xf32, #tpu.memory_space<hbm>> -> memref<1x8192xf32, #tpu.memory_space<hbm>>
        %dma_start3A_273 = arith.constant 0 : i32
        %dma_start3A_274 = tpu.memref_slice %arg8[%squeeze3A_267, %dma_start3A_273] : memref<16384x8192xf32, #tpu.memory_space<hbm>> -> memref<1x8192xf32, #tpu.memory_space<hbm>>
        %dma_start3A_275 = arith.constant 1 : i32
        %dma_start3A_276 = arith.constant 0 : i32
        %dma_start3A_277 = tpu.memref_slice %arg11[%dma_start3A_275, %dma_start3A_276] : memref<2x8192xf32, #tpu.memory_space<vmem>> -> memref<1x8192xf32, #tpu.memory_space<vmem>>
        tpu.enqueue_dma source(%dma_start3A_277 : memref<1x8192xf32, #tpu.memory_space<vmem>>) target(%dma_start3A_274 : memref<1x8192xf32, #tpu.memory_space<hbm>>) target_semaphore(%arg15 : memref<!tpu.dma_semaphore, #tpu.memory_space<semaphore_mem>>)
        %get3A_278 = arith.index_cast %while3A_262 : i32 to index
        %get3A_279 = tpu.vector_load %arg19[%get3A_278] {strides = array<i32>} : memref<528xi32, #tpu.memory_space<vmem>>, vector<16xi32>,
        %slice3A_280 = vector.extract_strided_slice %get3A_279 {offsets = [0], sizes = [1], strides = [1]} : vector<16xi32> to vector<1xi32>
        %squeeze3A_281 = vector.extract %slice3A_280[0] : i32 from vector<1xi32>
        %broadcast_in_dim3A_282 = arith.constant 1 : i32
        %broadcast_in_dim3A_283 = vector.broadcast %broadcast_in_dim3A_282 : i32 to vector<16xi32>
        %broadcast_in_dim3A_284 = vector.broadcast %squeeze3A_281 : i32 to vector<16xi32>
        %gather3A = tpu.vector_load_idx %arg11[%broadcast_in_dim3A_283, %broadcast_in_dim3A_284] : memref<2x8192xf32, #tpu.memory_space<vmem>>[vector<16xi32>, vector<16xi32>], vector<16xf32>,
        %jit3A_285 = arith.constant 0.000000e+00 : f32
        %broadcast_in_dim3A_286 = vector.broadcast %jit3A_285 : f32 to vector<16xf32>
        %select_n3A_287 = arith.select %eq3A_3, %gather3A, %broadcast_in_dim3A_286 : vector<16xi1>, vector<16xf32>
        %add3A_288 = arith.addf %while3A_263, %select_n3A_287 : vector<16xf32>
        %add3A_289 = arith.constant 1 : i32
        %add3A_290 = arith.addi %while3A_262, %add3A_289 : i32
        scf.yield %add3A_290, %add3A_288 : i32, vector<16xf32>
      }
      %sub3A_193 = arith.subi %while3A_192#0, %while3A_87#0 : i32
      %jit3A_194 = arith.constant 2 : i32
      %div3A_195 = arith.divsi %sub3A_193, %jit3A_194 : i32
      %sign3A_196 = arith.constant 0 : i32
      %sign3A_197 = arith.cmpi sgt, %sub3A_193, %sign3A_196 : i32
      %sign3A_198 = arith.extui %sign3A_197 : i1 to i32
      %sign3A_199 = arith.constant 0 : i32
      %sign3A_200 = arith.cmpi slt, %sub3A_193, %sign3A_199 : i32
      %sign3A_201 = arith.extui %sign3A_200 : i1 to i32
      %sign3A_202 = arith.subi %sign3A_198, %sign3A_201 : i32
      %sign3A_203 = arith.constant 0 : i32
      %sign3A_204 = arith.cmpi sgt, %jit3A_194, %sign3A_203 : i32
      %sign3A_205 = arith.extui %sign3A_204 : i1 to i32
      %sign3A_206 = arith.constant 0 : i32
      %sign3A_207 = arith.cmpi slt, %jit3A_194, %sign3A_206 : i32
      %sign3A_208 = arith.extui %sign3A_207 : i1 to i32
      %sign3A_209 = arith.subi %sign3A_205, %sign3A_208 : i32
      %ne3A_210 = arith.cmpi ne, %sign3A_202, %sign3A_209 : i32
      %rem3A_211 = arith.remsi %sub3A_193, %jit3A_194 : i32
      %ne3A_212 = arith.constant 0 : i32
      %ne3A_213 = arith.cmpi ne, %rem3A_211, %ne3A_212 : i32
      %and3A_214 = arith.andi %ne3A_210, %ne3A_213 : i1
      %sub3A_215 = arith.constant 1 : i32
      %sub3A_216 = arith.subi %div3A_195, %sub3A_215 : i32
      %select_n3A_217 = arith.select %and3A_214, %sub3A_216, %div3A_195 : i32
      %while3A_218 = arith.constant 0 : i32
      %while3A_219 = arith.constant 0 : i32
      %while3A_220 = arith.subi %select_n3A_217, %while3A_219 : i32
      %while3A_221 = arith.addi %while3A_219, %while3A_220 : i32
      %while3A_222 = arith.constant 1 : i32
      %while3A_223 = arith.divsi %while3A_220, %while3A_222 : i32
      %while3A_224 = arith.muli %while3A_223, %while3A_222 : i32
      %while3A_225 = arith.addi %while3A_219, %while3A_224 : i32
      %while3A_226 = arith.constant 1 : i32
      scf.for %while3A_261 = %while3A_219 to %while3A_225 step %while3A_226  : i32 {
        %dma_wait3A_262 = arith.constant 0 : i32
        %dma_wait3A_263 = arith.constant 0 : i32
        %dma_wait3A_264 = tpu.memref_slice %arg8[%dma_wait3A_262, %dma_wait3A_263] : memref<16384x8192xf32, #tpu.memory_space<hbm>> -> memref<2x8192xf32, #tpu.memory_space<hbm>>
        %dma_wait3A_265 = arith.constant 0 : i32
        %dma_wait3A_266 = arith.constant 0 : i32
        %dma_wait3A_267 = tpu.memref_slice %arg8[%dma_wait3A_265, %dma_wait3A_266] : memref<16384x8192xf32, #tpu.memory_space<hbm>> -> memref<2x8192xf32, #tpu.memory_space<hbm>>
        tpu.wait_dma2 semaphore(%arg15 : memref<!tpu.dma_semaphore, #tpu.memory_space<semaphore_mem>>) src(%arg11 : memref<2x8192xf32, #tpu.memory_space<vmem>>) dst(%dma_wait3A_267 : memref<2x8192xf32, #tpu.memory_space<hbm>>)
      }
      %while3A_227 = arith.constant 1 : i32
      scf.for %while3A_261 = %while3A_225 to %while3A_221 step %while3A_227  : i32 {
        %dma_wait3A_262 = arith.constant 0 : i32
        %dma_wait3A_263 = arith.constant 0 : i32
        %dma_wait3A_264 = tpu.memref_slice %arg8[%dma_wait3A_262, %dma_wait3A_263] : memref<16384x8192xf32, #tpu.memory_space<hbm>> -> memref<2x8192xf32, #tpu.memory_space<hbm>>
        %dma_wait3A_265 = arith.constant 0 : i32
        %dma_wait3A_266 = arith.constant 0 : i32
        %dma_wait3A_267 = tpu.memref_slice %arg8[%dma_wait3A_265, %dma_wait3A_266] : memref<16384x8192xf32, #tpu.memory_space<hbm>> -> memref<2x8192xf32, #tpu.memory_space<hbm>>
        tpu.wait_dma2 semaphore(%arg15 : memref<!tpu.dma_semaphore, #tpu.memory_space<semaphore_mem>>) src(%arg11 : memref<2x8192xf32, #tpu.memory_space<vmem>>) dst(%dma_wait3A_267 : memref<2x8192xf32, #tpu.memory_space<hbm>>)
      }
      %sub3A_228 = arith.subi %while3A_192#0, %while3A_87#0 : i32
      %jit3A_229 = arith.constant 2 : i32
      %eq3A_230 = arith.constant 0 : i32
      %eq3A_231 = arith.cmpi eq, %jit3A_229, %eq3A_230 : i32
      %jit3A_232 = arith.constant 1 : i32
      %select_n3A_233 = arith.select %eq3A_231, %jit3A_232, %jit3A_229 : i32
      %rem3A_234 = arith.remsi %sub3A_228, %select_n3A_233 : i32
      %ne3A_235 = arith.constant 0 : i32
      %ne3A_236 = arith.cmpi ne, %rem3A_234, %ne3A_235 : i32
      %lt3A_237 = arith.constant 0 : i32
      %lt3A_238 = arith.cmpi slt, %rem3A_234, %lt3A_237 : i32
      %lt3A_239 = arith.constant 0 : i32
      %lt3A_240 = arith.cmpi slt, %select_n3A_233, %lt3A_239 : i32
      %ne3A_241 = arith.xori %lt3A_238, %lt3A_240 : i1
      %and3A_242 = arith.andi %ne3A_241, %ne3A_236 : i1
      %add3A_243 = arith.addi %rem3A_234, %select_n3A_233 : i32
      %select_n3A_244 = arith.select %and3A_242, %add3A_243, %rem3A_234 : i32
      %while3A_245 = arith.constant 0 : i32
      %while3A_246 = arith.constant 0 : i32
      %while3A_247 = arith.subi %select_n3A_244, %while3A_246 : i32
      %while3A_248 = arith.addi %while3A_246, %while3A_247 : i32
      %while3A_249 = arith.constant 1 : i32
      %while3A_250 = arith.divsi %while3A_247, %while3A_249 : i32
      %while3A_251 = arith.muli %while3A_250, %while3A_249 : i32
      %while3A_252 = arith.addi %while3A_246, %while3A_251 : i32
      %while3A_253 = arith.constant 1 : i32
      scf.for %while3A_261 = %while3A_246 to %while3A_252 step %while3A_253  : i32 {
        %dma_wait3A_262 = arith.constant 0 : i32
        %dma_wait3A_263 = arith.constant 0 : i32
        %dma_wait3A_264 = tpu.memref_slice %arg11[%dma_wait3A_262, %dma_wait3A_263] : memref<2x8192xf32, #tpu.memory_space<vmem>> -> memref<1x8192xf32, #tpu.memory_space<vmem>>
        %dma_wait3A_265 = arith.constant 0 : i32
        %dma_wait3A_266 = arith.constant 0 : i32
        %dma_wait3A_267 = tpu.memref_slice %arg8[%dma_wait3A_265, %dma_wait3A_266] : memref<16384x8192xf32, #tpu.memory_space<hbm>> -> memref<1x8192xf32, #tpu.memory_space<hbm>>
        %dma_wait3A_268 = arith.constant 0 : i32
        %dma_wait3A_269 = arith.constant 0 : i32
        %dma_wait3A_270 = tpu.memref_slice %arg8[%dma_wait3A_268, %dma_wait3A_269] : memref<16384x8192xf32, #tpu.memory_space<hbm>> -> memref<1x8192xf32, #tpu.memory_space<hbm>>
        %dma_wait3A_271 = arith.constant 0 : i32
        %dma_wait3A_272 = arith.constant 0 : i32
        %dma_wait3A_273 = tpu.memref_slice %arg11[%dma_wait3A_271, %dma_wait3A_272] : memref<2x8192xf32, #tpu.memory_space<vmem>> -> memref<1x8192xf32, #tpu.memory_space<vmem>>
        tpu.wait_dma2 semaphore(%arg15 : memref<!tpu.dma_semaphore, #tpu.memory_space<semaphore_mem>>) src(%dma_wait3A_273 : memref<1x8192xf32, #tpu.memory_space<vmem>>) dst(%dma_wait3A_270 : memref<1x8192xf32, #tpu.memory_space<hbm>>)
      }
      %while3A_254 = arith.constant 1 : i32
      scf.for %while3A_261 = %while3A_252 to %while3A_248 step %while3A_254  : i32 {
        %dma_wait3A_262 = arith.constant 0 : i32
        %dma_wait3A_263 = arith.constant 0 : i32
        %dma_wait3A_264 = tpu.memref_slice %arg11[%dma_wait3A_262, %dma_wait3A_263] : memref<2x8192xf32, #tpu.memory_space<vmem>> -> memref<1x8192xf32, #tpu.memory_space<vmem>>
        %dma_wait3A_265 = arith.constant 0 : i32
        %dma_wait3A_266 = arith.constant 0 : i32
        %dma_wait3A_267 = tpu.memref_slice %arg8[%dma_wait3A_265, %dma_wait3A_266] : memref<16384x8192xf32, #tpu.memory_space<hbm>> -> memref<1x8192xf32, #tpu.memory_space<hbm>>
        %dma_wait3A_268 = arith.constant 0 : i32
        %dma_wait3A_269 = arith.constant 0 : i32
        %dma_wait3A_270 = tpu.memref_slice %arg8[%dma_wait3A_268, %dma_wait3A_269] : memref<16384x8192xf32, #tpu.memory_space<hbm>> -> memref<1x8192xf32, #tpu.memory_space<hbm>>
        %dma_wait3A_271 = arith.constant 0 : i32
        %dma_wait3A_272 = arith.constant 0 : i32
        %dma_wait3A_273 = tpu.memref_slice %arg11[%dma_wait3A_271, %dma_wait3A_272] : memref<2x8192xf32, #tpu.memory_space<vmem>> -> memref<1x8192xf32, #tpu.memory_space<vmem>>
        tpu.wait_dma2 semaphore(%arg15 : memref<!tpu.dma_semaphore, #tpu.memory_space<semaphore_mem>>) src(%dma_wait3A_273 : memref<1x8192xf32, #tpu.memory_space<vmem>>) dst(%dma_wait3A_270 : memref<1x8192xf32, #tpu.memory_space<hbm>>)
      }
      %add3A_255 = arith.constant 2 : i32
      %add3A_256 = arith.addi %add3A_148, %add3A_255 : i32
      %lt3A_257 = arith.cmpi slt, %add3A_256, %squeeze3A : i32
      %convert_element_type3A_258 = arith.extui %lt3A_257 : i1 to i32
      %cond3A_259 = arith.constant 0 : i32
      %cond3A_260 = arith.cmpi ne, %convert_element_type3A_258, %cond3A_259 : i32
      scf.if %cond3A_260 {
        %dma_start3A_261 = arith.constant 0 : i32
        %dma_start3A_262 = tpu.memref_slice %arg16[%add3A_256, %dma_start3A_261] : memref<256x2xi32, #tpu.memory_space<vmem>> -> memref<1x2xi32, #tpu.memory_space<vmem>>
        %dma_start3A_263 = tpu.memref_squeeze %dma_start3A_262 : memref<1x2xi32, #tpu.memory_space<vmem>> -> memref<2xi32, #tpu.memory_space<vmem>>
        %dma_start3A_264 = arith.constant 0 : i32
        %dma_start3A_265 = arith.constant 0 : i32
        %dma_start3A_266 = tpu.memref_slice %arg7[%dma_start3A_264, %dma_start3A_265] : memref<8192x8192xf32, #tpu.memory_space<hbm>> -> memref<8192x8192xf32, #tpu.memory_space<hbm>>
        tpu.enqueue_indirect_dma source(%dma_start3A_266 : memref<8192x8192xf32, #tpu.memory_space<hbm>>) target(%arg11 : memref<2x8192xf32, #tpu.memory_space<vmem>>) offsets(%dma_start3A_263 : memref<2xi32, #tpu.memory_space<vmem>>) semaphore(%arg13 : memref<!tpu.dma_semaphore, #tpu.memory_space<semaphore_mem>>)
      } else {
      }
      scf.yield %while3A_192#0, %while3A_192#1 : i32, vector<16xf32>
    }
    %while3A_35 = arith.constant 1 : i32
    %while3A_36:2 = scf.for %while3A_38 = %while3A_32 to %while3A_28 step %while3A_35 iter_args(%while3A_39 = %while3A_34#0, %while3A_40 = %while3A_34#1) -> (i32, vector<16xf32>)  : i32 {
      %mul3A_41 = arith.muli %while3A_38, %while3A : i32
      %add3A_42 = arith.addi %while3A_24, %mul3A_41 : i32
      %add3A_43 = arith.constant 0 : i32
      %add3A_44 = arith.addi %add3A_42, %add3A_43 : i32
      %dma_wait3A = arith.constant 0 : i32
      %dma_wait3A_45 = tpu.memref_slice %arg16[%add3A_44, %dma_wait3A] : memref<256x2xi32, #tpu.memory_space<vmem>> -> memref<1x2xi32, #tpu.memory_space<vmem>>
      %dma_wait3A_46 = tpu.memref_squeeze %dma_wait3A_45 : memref<1x2xi32, #tpu.memory_space<vmem>> -> memref<2xi32, #tpu.memory_space<vmem>>
      %dma_wait3A_47 = arith.constant 0 : i32
      %dma_wait3A_48 = arith.constant 0 : i32
      %dma_wait3A_49 = tpu.memref_slice %arg7[%dma_wait3A_47, %dma_wait3A_48] : memref<8192x8192xf32, #tpu.memory_space<hbm>> -> memref<8192x8192xf32, #tpu.memory_space<hbm>>
      tpu.wait_indirect_dma semaphore(%arg12 : memref<!tpu.dma_semaphore, #tpu.memory_space<semaphore_mem>>) src(%dma_wait3A_49 : memref<8192x8192xf32, #tpu.memory_space<hbm>>) dst(%arg10 : memref<2x8192xf32, #tpu.memory_space<vmem>>)
      %mul3A_50 = arith.constant 2 : i32
      %mul3A_51 = arith.muli %add3A_44, %mul3A_50 : i32
      %add3A_52 = arith.constant 0 : i32
      %add3A_53 = arith.addi %mul3A_51, %add3A_52 : i32
      %get3A_54 = arith.index_cast %add3A_53 : i32 to index
      %get3A_55 = tpu.vector_load %arg17[%get3A_54] {strides = array<i32>} : memref<528xi32, #tpu.memory_space<vmem>>, vector<16xi32>,
      %slice3A_56 = vector.extract_strided_slice %get3A_55 {offsets = [0], sizes = [1], strides = [1]} : vector<16xi32> to vector<1xi32>
      %squeeze3A_57 = vector.extract %slice3A_56[0] : i32 from vector<1xi32>
      %while3A_58 = arith.constant 0 : i32
      %while3A_59 = arith.subi %squeeze3A_57, %while3A_58 : i32
      %while3A_60 = arith.addi %while3A_58, %while3A_59 : i32
      %while3A_61 = arith.constant 1 : i32
      %while3A_62 = arith.divsi %while3A_59, %while3A_61 : i32
      %while3A_63 = arith.muli %while3A_62, %while3A_61 : i32
      %while3A_64 = arith.addi %while3A_58, %while3A_63 : i32
      %while3A_65 = arith.constant 1 : i32
      %while3A_66:2 = scf.for %while3A_261 = %while3A_58 to %while3A_64 step %while3A_65 iter_args(%while3A_262 = %while3A_39, %while3A_263 = %while3A_40) -> (i32, vector<16xf32>)  : i32 {
        %get3A_264 = arith.index_cast %while3A_262 : i32 to index
        %get3A_265 = tpu.vector_load %arg18[%get3A_264] {strides = array<i32>} : memref<528xi32, #tpu.memory_space<vmem>>, vector<16xi32>,
        %slice3A_266 = vector.extract_strided_slice %get3A_265 {offsets = [0], sizes = [1], strides = [1]} : vector<16xi32> to vector<1xi32>
        %squeeze3A_267 = vector.extract %slice3A_266[0] : i32 from vector<1xi32>
        %dma_start3A_268 = arith.constant 0 : i32
        %dma_start3A_269 = arith.constant 0 : i32
        %dma_start3A_270 = tpu.memref_slice %arg10[%dma_start3A_268, %dma_start3A_269] : memref<2x8192xf32, #tpu.memory_space<vmem>> -> memref<1x8192xf32, #tpu.memory_space<vmem>>
        %dma_start3A_271 = arith.constant 0 : i32
        %dma_start3A_272 = tpu.memref_slice %arg8[%squeeze3A_267, %dma_start3A_271] : memref<16384x8192xf32, #tpu.memory_space<hbm>> -> memref<1x8192xf32, #tpu.memory_space<hbm>>
        %dma_start3A_273 = arith.constant 0 : i32
        %dma_start3A_274 = tpu.memref_slice %arg8[%squeeze3A_267, %dma_start3A_273] : memref<16384x8192xf32, #tpu.memory_space<hbm>> -> memref<1x8192xf32, #tpu.memory_space<hbm>>
        %dma_start3A_275 = arith.constant 0 : i32
        %dma_start3A_276 = arith.constant 0 : i32
        %dma_start3A_277 = tpu.memref_slice %arg10[%dma_start3A_275, %dma_start3A_276] : memref<2x8192xf32, #tpu.memory_space<vmem>> -> memref<1x8192xf32, #tpu.memory_space<vmem>>
        tpu.enqueue_dma source(%dma_start3A_277 : memref<1x8192xf32, #tpu.memory_space<vmem>>) target(%dma_start3A_274 : memref<1x8192xf32, #tpu.memory_space<hbm>>) target_semaphore(%arg14 : memref<!tpu.dma_semaphore, #tpu.memory_space<semaphore_mem>>)
        %get3A_278 = arith.index_cast %while3A_262 : i32 to index
        %get3A_279 = tpu.vector_load %arg19[%get3A_278] {strides = array<i32>} : memref<528xi32, #tpu.memory_space<vmem>>, vector<16xi32>,
        %slice3A_280 = vector.extract_strided_slice %get3A_279 {offsets = [0], sizes = [1], strides = [1]} : vector<16xi32> to vector<1xi32>
        %squeeze3A_281 = vector.extract %slice3A_280[0] : i32 from vector<1xi32>
        %broadcast_in_dim3A_282 = arith.constant 0 : i32
        %broadcast_in_dim3A_283 = vector.broadcast %broadcast_in_dim3A_282 : i32 to vector<16xi32>
        %broadcast_in_dim3A_284 = vector.broadcast %squeeze3A_281 : i32 to vector<16xi32>
        %gather3A = tpu.vector_load_idx %arg10[%broadcast_in_dim3A_283, %broadcast_in_dim3A_284] : memref<2x8192xf32, #tpu.memory_space<vmem>>[vector<16xi32>, vector<16xi32>], vector<16xf32>,
        %jit3A_285 = arith.constant 0.000000e+00 : f32
        %broadcast_in_dim3A_286 = vector.broadcast %jit3A_285 : f32 to vector<16xf32>
        %select_n3A_287 = arith.select %eq3A_3, %gather3A, %broadcast_in_dim3A_286 : vector<16xi1>, vector<16xf32>
        %add3A_288 = arith.addf %while3A_263, %select_n3A_287 : vector<16xf32>
        %add3A_289 = arith.constant 1 : i32
        %add3A_290 = arith.addi %while3A_262, %add3A_289 : i32
        scf.yield %add3A_290, %add3A_288 : i32, vector<16xf32>
      }
      %while3A_67 = arith.constant 1 : i32
      %while3A_68:2 = scf.for %while3A_261 = %while3A_64 to %while3A_60 step %while3A_67 iter_args(%while3A_262 = %while3A_66#0, %while3A_263 = %while3A_66#1) -> (i32, vector<16xf32>)  : i32 {
        %get3A_264 = arith.index_cast %while3A_262 : i32 to index
        %get3A_265 = tpu.vector_load %arg18[%get3A_264] {strides = array<i32>} : memref<528xi32, #tpu.memory_space<vmem>>, vector<16xi32>,
        %slice3A_266 = vector.extract_strided_slice %get3A_265 {offsets = [0], sizes = [1], strides = [1]} : vector<16xi32> to vector<1xi32>
        %squeeze3A_267 = vector.extract %slice3A_266[0] : i32 from vector<1xi32>
        %dma_start3A_268 = arith.constant 0 : i32
        %dma_start3A_269 = arith.constant 0 : i32
        %dma_start3A_270 = tpu.memref_slice %arg10[%dma_start3A_268, %dma_start3A_269] : memref<2x8192xf32, #tpu.memory_space<vmem>> -> memref<1x8192xf32, #tpu.memory_space<vmem>>
        %dma_start3A_271 = arith.constant 0 : i32
        %dma_start3A_272 = tpu.memref_slice %arg8[%squeeze3A_267, %dma_start3A_271] : memref<16384x8192xf32, #tpu.memory_space<hbm>> -> memref<1x8192xf32, #tpu.memory_space<hbm>>
        %dma_start3A_273 = arith.constant 0 : i32
        %dma_start3A_274 = tpu.memref_slice %arg8[%squeeze3A_267, %dma_start3A_273] : memref<16384x8192xf32, #tpu.memory_space<hbm>> -> memref<1x8192xf32, #tpu.memory_space<hbm>>
        %dma_start3A_275 = arith.constant 0 : i32
        %dma_start3A_276 = arith.constant 0 : i32
        %dma_start3A_277 = tpu.memref_slice %arg10[%dma_start3A_275, %dma_start3A_276] : memref<2x8192xf32, #tpu.memory_space<vmem>> -> memref<1x8192xf32, #tpu.memory_space<vmem>>
        tpu.enqueue_dma source(%dma_start3A_277 : memref<1x8192xf32, #tpu.memory_space<vmem>>) target(%dma_start3A_274 : memref<1x8192xf32, #tpu.memory_space<hbm>>) target_semaphore(%arg14 : memref<!tpu.dma_semaphore, #tpu.memory_space<semaphore_mem>>)
        %get3A_278 = arith.index_cast %while3A_262 : i32 to index
        %get3A_279 = tpu.vector_load %arg19[%get3A_278] {strides = array<i32>} : memref<528xi32, #tpu.memory_space<vmem>>, vector<16xi32>,
        %slice3A_280 = vector.extract_strided_slice %get3A_279 {offsets = [0], sizes = [1], strides = [1]} : vector<16xi32> to vector<1xi32>
        %squeeze3A_281 = vector.extract %slice3A_280[0] : i32 from vector<1xi32>
        %broadcast_in_dim3A_282 = arith.constant 0 : i32
        %broadcast_in_dim3A_283 = vector.broadcast %broadcast_in_dim3A_282 : i32 to vector<16xi32>
        %broadcast_in_dim3A_284 = vector.broadcast %squeeze3A_281 : i32 to vector<16xi32>
        %gather3A = tpu.vector_load_idx %arg10[%broadcast_in_dim3A_283, %broadcast_in_dim3A_284] : memref<2x8192xf32, #tpu.memory_space<vmem>>[vector<16xi32>, vector<16xi32>], vector<16xf32>,
        %jit3A_285 = arith.constant 0.000000e+00 : f32
        %broadcast_in_dim3A_286 = vector.broadcast %jit3A_285 : f32 to vector<16xf32>
        %select_n3A_287 = arith.select %eq3A_3, %gather3A, %broadcast_in_dim3A_286 : vector<16xi1>, vector<16xf32>
        %add3A_288 = arith.addf %while3A_263, %select_n3A_287 : vector<16xf32>
        %add3A_289 = arith.constant 1 : i32
        %add3A_290 = arith.addi %while3A_262, %add3A_289 : i32
        scf.yield %add3A_290, %add3A_288 : i32, vector<16xf32>
      }
      %mul3A_69 = arith.constant 2 : i32
      %mul3A_70 = arith.muli %add3A_44, %mul3A_69 : i32
      %add3A_71 = arith.constant 1 : i32
      %add3A_72 = arith.addi %mul3A_70, %add3A_71 : i32
      %get3A_73 = arith.index_cast %add3A_72 : i32 to index
      %get3A_74 = tpu.vector_load %arg17[%get3A_73] {strides = array<i32>} : memref<528xi32, #tpu.memory_space<vmem>>, vector<16xi32>,
      %slice3A_75 = vector.extract_strided_slice %get3A_74 {offsets = [0], sizes = [1], strides = [1]} : vector<16xi32> to vector<1xi32>
      %squeeze3A_76 = vector.extract %slice3A_75[0] : i32 from vector<1xi32>
      %while3A_77 = arith.constant 0 : i32
      %while3A_78 = arith.subi %squeeze3A_76, %while3A_77 : i32
      %while3A_79 = arith.addi %while3A_77, %while3A_78 : i32
      %while3A_80 = arith.constant 1 : i32
      %while3A_81 = arith.divsi %while3A_78, %while3A_80 : i32
      %while3A_82 = arith.muli %while3A_81, %while3A_80 : i32
      %while3A_83 = arith.addi %while3A_77, %while3A_82 : i32
      %while3A_84 = arith.constant 1 : i32
      %while3A_85:2 = scf.for %while3A_261 = %while3A_77 to %while3A_83 step %while3A_84 iter_args(%while3A_262 = %while3A_68#0, %while3A_263 = %while3A_68#1) -> (i32, vector<16xf32>)  : i32 {
        %get3A_264 = arith.index_cast %while3A_262 : i32 to index
        %get3A_265 = tpu.vector_load %arg18[%get3A_264] {strides = array<i32>} : memref<528xi32, #tpu.memory_space<vmem>>, vector<16xi32>,
        %slice3A_266 = vector.extract_strided_slice %get3A_265 {offsets = [0], sizes = [1], strides = [1]} : vector<16xi32> to vector<1xi32>
        %squeeze3A_267 = vector.extract %slice3A_266[0] : i32 from vector<1xi32>
        %dma_start3A_268 = arith.constant 1 : i32
        %dma_start3A_269 = arith.constant 0 : i32
        %dma_start3A_270 = tpu.memref_slice %arg10[%dma_start3A_268, %dma_start3A_269] : memref<2x8192xf32, #tpu.memory_space<vmem>> -> memref<1x8192xf32, #tpu.memory_space<vmem>>
        %dma_start3A_271 = arith.constant 0 : i32
        %dma_start3A_272 = tpu.memref_slice %arg8[%squeeze3A_267, %dma_start3A_271] : memref<16384x8192xf32, #tpu.memory_space<hbm>> -> memref<1x8192xf32, #tpu.memory_space<hbm>>
        %dma_start3A_273 = arith.constant 0 : i32
        %dma_start3A_274 = tpu.memref_slice %arg8[%squeeze3A_267, %dma_start3A_273] : memref<16384x8192xf32, #tpu.memory_space<hbm>> -> memref<1x8192xf32, #tpu.memory_space<hbm>>
        %dma_start3A_275 = arith.constant 1 : i32
        %dma_start3A_276 = arith.constant 0 : i32
        %dma_start3A_277 = tpu.memref_slice %arg10[%dma_start3A_275, %dma_start3A_276] : memref<2x8192xf32, #tpu.memory_space<vmem>> -> memref<1x8192xf32, #tpu.memory_space<vmem>>
        tpu.enqueue_dma source(%dma_start3A_277 : memref<1x8192xf32, #tpu.memory_space<vmem>>) target(%dma_start3A_274 : memref<1x8192xf32, #tpu.memory_space<hbm>>) target_semaphore(%arg14 : memref<!tpu.dma_semaphore, #tpu.memory_space<semaphore_mem>>)
        %get3A_278 = arith.index_cast %while3A_262 : i32 to index
        %get3A_279 = tpu.vector_load %arg19[%get3A_278] {strides = array<i32>} : memref<528xi32, #tpu.memory_space<vmem>>, vector<16xi32>,
        %slice3A_280 = vector.extract_strided_slice %get3A_279 {offsets = [0], sizes = [1], strides = [1]} : vector<16xi32> to vector<1xi32>
        %squeeze3A_281 = vector.extract %slice3A_280[0] : i32 from vector<1xi32>
        %broadcast_in_dim3A_282 = arith.constant 1 : i32
        %broadcast_in_dim3A_283 = vector.broadcast %broadcast_in_dim3A_282 : i32 to vector<16xi32>
        %broadcast_in_dim3A_284 = vector.broadcast %squeeze3A_281 : i32 to vector<16xi32>
        %gather3A = tpu.vector_load_idx %arg10[%broadcast_in_dim3A_283, %broadcast_in_dim3A_284] : memref<2x8192xf32, #tpu.memory_space<vmem>>[vector<16xi32>, vector<16xi32>], vector<16xf32>,
        %jit3A_285 = arith.constant 0.000000e+00 : f32
        %broadcast_in_dim3A_286 = vector.broadcast %jit3A_285 : f32 to vector<16xf32>
        %select_n3A_287 = arith.select %eq3A_3, %gather3A, %broadcast_in_dim3A_286 : vector<16xi1>, vector<16xf32>
        %add3A_288 = arith.addf %while3A_263, %select_n3A_287 : vector<16xf32>
        %add3A_289 = arith.constant 1 : i32
        %add3A_290 = arith.addi %while3A_262, %add3A_289 : i32
        scf.yield %add3A_290, %add3A_288 : i32, vector<16xf32>
      }
      %while3A_86 = arith.constant 1 : i32
      %while3A_87:2 = scf.for %while3A_261 = %while3A_83 to %while3A_79 step %while3A_86 iter_args(%while3A_262 = %while3A_85#0, %while3A_263 = %while3A_85#1) -> (i32, vector<16xf32>)  : i32 {
        %get3A_264 = arith.index_cast %while3A_262 : i32 to index
        %get3A_265 = tpu.vector_load %arg18[%get3A_264] {strides = array<i32>} : memref<528xi32, #tpu.memory_space<vmem>>, vector<16xi32>,
        %slice3A_266 = vector.extract_strided_slice %get3A_265 {offsets = [0], sizes = [1], strides = [1]} : vector<16xi32> to vector<1xi32>
        %squeeze3A_267 = vector.extract %slice3A_266[0] : i32 from vector<1xi32>
        %dma_start3A_268 = arith.constant 1 : i32
        %dma_start3A_269 = arith.constant 0 : i32
        %dma_start3A_270 = tpu.memref_slice %arg10[%dma_start3A_268, %dma_start3A_269] : memref<2x8192xf32, #tpu.memory_space<vmem>> -> memref<1x8192xf32, #tpu.memory_space<vmem>>
        %dma_start3A_271 = arith.constant 0 : i32
        %dma_start3A_272 = tpu.memref_slice %arg8[%squeeze3A_267, %dma_start3A_271] : memref<16384x8192xf32, #tpu.memory_space<hbm>> -> memref<1x8192xf32, #tpu.memory_space<hbm>>
        %dma_start3A_273 = arith.constant 0 : i32
        %dma_start3A_274 = tpu.memref_slice %arg8[%squeeze3A_267, %dma_start3A_273] : memref<16384x8192xf32, #tpu.memory_space<hbm>> -> memref<1x8192xf32, #tpu.memory_space<hbm>>
        %dma_start3A_275 = arith.constant 1 : i32
        %dma_start3A_276 = arith.constant 0 : i32
        %dma_start3A_277 = tpu.memref_slice %arg10[%dma_start3A_275, %dma_start3A_276] : memref<2x8192xf32, #tpu.memory_space<vmem>> -> memref<1x8192xf32, #tpu.memory_space<vmem>>
        tpu.enqueue_dma source(%dma_start3A_277 : memref<1x8192xf32, #tpu.memory_space<vmem>>) target(%dma_start3A_274 : memref<1x8192xf32, #tpu.memory_space<hbm>>) target_semaphore(%arg14 : memref<!tpu.dma_semaphore, #tpu.memory_space<semaphore_mem>>)
        %get3A_278 = arith.index_cast %while3A_262 : i32 to index
        %get3A_279 = tpu.vector_load %arg19[%get3A_278] {strides = array<i32>} : memref<528xi32, #tpu.memory_space<vmem>>, vector<16xi32>,
        %slice3A_280 = vector.extract_strided_slice %get3A_279 {offsets = [0], sizes = [1], strides = [1]} : vector<16xi32> to vector<1xi32>
        %squeeze3A_281 = vector.extract %slice3A_280[0] : i32 from vector<1xi32>
        %broadcast_in_dim3A_282 = arith.constant 1 : i32
        %broadcast_in_dim3A_283 = vector.broadcast %broadcast_in_dim3A_282 : i32 to vector<16xi32>
        %broadcast_in_dim3A_284 = vector.broadcast %squeeze3A_281 : i32 to vector<16xi32>
        %gather3A = tpu.vector_load_idx %arg10[%broadcast_in_dim3A_283, %broadcast_in_dim3A_284] : memref<2x8192xf32, #tpu.memory_space<vmem>>[vector<16xi32>, vector<16xi32>], vector<16xf32>,
        %jit3A_285 = arith.constant 0.000000e+00 : f32
        %broadcast_in_dim3A_286 = vector.broadcast %jit3A_285 : f32 to vector<16xf32>
        %select_n3A_287 = arith.select %eq3A_3, %gather3A, %broadcast_in_dim3A_286 : vector<16xi1>, vector<16xf32>
        %add3A_288 = arith.addf %while3A_263, %select_n3A_287 : vector<16xf32>
        %add3A_289 = arith.constant 1 : i32
        %add3A_290 = arith.addi %while3A_262, %add3A_289 : i32
        scf.yield %add3A_290, %add3A_288 : i32, vector<16xf32>
      }
      %sub3A_88 = arith.subi %while3A_87#0, %while3A_39 : i32
      %jit3A = arith.constant 2 : i32
      %div3A_89 = arith.divsi %sub3A_88, %jit3A : i32
      %sign3A = arith.constant 0 : i32
      %sign3A_90 = arith.cmpi sgt, %sub3A_88, %sign3A : i32
      %sign3A_91 = arith.extui %sign3A_90 : i1 to i32
      %sign3A_92 = arith.constant 0 : i32
      %sign3A_93 = arith.cmpi slt, %sub3A_88, %sign3A_92 : i32
      %sign3A_94 = arith.extui %sign3A_93 : i1 to i32
      %sign3A_95 = arith.subi %sign3A_91, %sign3A_94 : i32
      %sign3A_96 = arith.constant 0 : i32
      %sign3A_97 = arith.cmpi sgt, %jit3A, %sign3A_96 : i32
      %sign3A_98 = arith.extui %sign3A_97 : i1 to i32
      %sign3A_99 = arith.constant 0 : i32
      %sign3A_100 = arith.cmpi slt, %jit3A, %sign3A_99 : i32
      %sign3A_101 = arith.extui %sign3A_100 : i1 to i32
      %sign3A_102 = arith.subi %sign3A_98, %sign3A_101 : i32
      %ne3A = arith.cmpi ne, %sign3A_95, %sign3A_102 : i32
      %rem3A = arith.remsi %sub3A_88, %jit3A : i32
      %ne3A_103 = arith.constant 0 : i32
      %ne3A_104 = arith.cmpi ne, %rem3A, %ne3A_103 : i32
      %and3A = arith.andi %ne3A, %ne3A_104 : i1
      %sub3A_105 = arith.constant 1 : i32
      %sub3A_106 = arith.subi %div3A_89, %sub3A_105 : i32
      %select_n3A = arith.select %and3A, %sub3A_106, %div3A_89 : i32
      %while3A_107 = arith.constant 0 : i32
      %while3A_108 = arith.constant 0 : i32
      %while3A_109 = arith.subi %select_n3A, %while3A_108 : i32
      %while3A_110 = arith.addi %while3A_108, %while3A_109 : i32
      %while3A_111 = arith.constant 1 : i32
      %while3A_112 = arith.divsi %while3A_109, %while3A_111 : i32
      %while3A_113 = arith.muli %while3A_112, %while3A_111 : i32
      %while3A_114 = arith.addi %while3A_108, %while3A_113 : i32
      %while3A_115 = arith.constant 1 : i32
      scf.for %while3A_261 = %while3A_108 to %while3A_114 step %while3A_115  : i32 {
        %dma_wait3A_262 = arith.constant 0 : i32
        %dma_wait3A_263 = arith.constant 0 : i32
        %dma_wait3A_264 = tpu.memref_slice %arg8[%dma_wait3A_262, %dma_wait3A_263] : memref<16384x8192xf32, #tpu.memory_space<hbm>> -> memref<2x8192xf32, #tpu.memory_space<hbm>>
        %dma_wait3A_265 = arith.constant 0 : i32
        %dma_wait3A_266 = arith.constant 0 : i32
        %dma_wait3A_267 = tpu.memref_slice %arg8[%dma_wait3A_265, %dma_wait3A_266] : memref<16384x8192xf32, #tpu.memory_space<hbm>> -> memref<2x8192xf32, #tpu.memory_space<hbm>>
        tpu.wait_dma2 semaphore(%arg14 : memref<!tpu.dma_semaphore, #tpu.memory_space<semaphore_mem>>) src(%arg10 : memref<2x8192xf32, #tpu.memory_space<vmem>>) dst(%dma_wait3A_267 : memref<2x8192xf32, #tpu.memory_space<hbm>>)
      }
      %while3A_116 = arith.constant 1 : i32
      scf.for %while3A_261 = %while3A_114 to %while3A_110 step %while3A_116  : i32 {
        %dma_wait3A_262 = arith.constant 0 : i32
        %dma_wait3A_263 = arith.constant 0 : i32
        %dma_wait3A_264 = tpu.memref_slice %arg8[%dma_wait3A_262, %dma_wait3A_263] : memref<16384x8192xf32, #tpu.memory_space<hbm>> -> memref<2x8192xf32, #tpu.memory_space<hbm>>
        %dma_wait3A_265 = arith.constant 0 : i32
        %dma_wait3A_266 = arith.constant 0 : i32
        %dma_wait3A_267 = tpu.memref_slice %arg8[%dma_wait3A_265, %dma_wait3A_266] : memref<16384x8192xf32, #tpu.memory_space<hbm>> -> memref<2x8192xf32, #tpu.memory_space<hbm>>
        tpu.wait_dma2 semaphore(%arg14 : memref<!tpu.dma_semaphore, #tpu.memory_space<semaphore_mem>>) src(%arg10 : memref<2x8192xf32, #tpu.memory_space<vmem>>) dst(%dma_wait3A_267 : memref<2x8192xf32, #tpu.memory_space<hbm>>)
      }
      %sub3A_117 = arith.subi %while3A_87#0, %while3A_39 : i32
      %jit3A_118 = arith.constant 2 : i32
      %eq3A_119 = arith.constant 0 : i32
      %eq3A_120 = arith.cmpi eq, %jit3A_118, %eq3A_119 : i32
      %jit3A_121 = arith.constant 1 : i32
      %select_n3A_122 = arith.select %eq3A_120, %jit3A_121, %jit3A_118 : i32
      %rem3A_123 = arith.remsi %sub3A_117, %select_n3A_122 : i32
      %ne3A_124 = arith.constant 0 : i32
      %ne3A_125 = arith.cmpi ne, %rem3A_123, %ne3A_124 : i32
      %lt3A = arith.constant 0 : i32
      %lt3A_126 = arith.cmpi slt, %rem3A_123, %lt3A : i32
      %lt3A_127 = arith.constant 0 : i32
      %lt3A_128 = arith.cmpi slt, %select_n3A_122, %lt3A_127 : i32
      %ne3A_129 = arith.xori %lt3A_126, %lt3A_128 : i1
      %and3A_130 = arith.andi %ne3A_129, %ne3A_125 : i1
      %add3A_131 = arith.addi %rem3A_123, %select_n3A_122 : i32
      %select_n3A_132 = arith.select %and3A_130, %add3A_131, %rem3A_123 : i32
      %while3A_133 = arith.constant 0 : i32
      %while3A_134 = arith.constant 0 : i32
      %while3A_135 = arith.subi %select_n3A_132, %while3A_134 : i32
      %while3A_136 = arith.addi %while3A_134, %while3A_135 : i32
      %while3A_137 = arith.constant 1 : i32
      %while3A_138 = arith.divsi %while3A_135, %while3A_137 : i32
      %while3A_139 = arith.muli %while3A_138, %while3A_137 : i32
      %while3A_140 = arith.addi %while3A_134, %while3A_139 : i32
      %while3A_141 = arith.constant 1 : i32
      scf.for %while3A_261 = %while3A_134 to %while3A_140 step %while3A_141  : i32 {
        %dma_wait3A_262 = arith.constant 0 : i32
        %dma_wait3A_263 = arith.constant 0 : i32
        %dma_wait3A_264 = tpu.memref_slice %arg10[%dma_wait3A_262, %dma_wait3A_263] : memref<2x8192xf32, #tpu.memory_space<vmem>> -> memref<1x8192xf32, #tpu.memory_space<vmem>>
        %dma_wait3A_265 = arith.constant 0 : i32
        %dma_wait3A_266 = arith.constant 0 : i32
        %dma_wait3A_267 = tpu.memref_slice %arg8[%dma_wait3A_265, %dma_wait3A_266] : memref<16384x8192xf32, #tpu.memory_space<hbm>> -> memref<1x8192xf32, #tpu.memory_space<hbm>>
        %dma_wait3A_268 = arith.constant 0 : i32
        %dma_wait3A_269 = arith.constant 0 : i32
        %dma_wait3A_270 = tpu.memref_slice %arg8[%dma_wait3A_268, %dma_wait3A_269] : memref<16384x8192xf32, #tpu.memory_space<hbm>> -> memref<1x8192xf32, #tpu.memory_space<hbm>>
        %dma_wait3A_271 = arith.constant 0 : i32
        %dma_wait3A_272 = arith.constant 0 : i32
        %dma_wait3A_273 = tpu.memref_slice %arg10[%dma_wait3A_271, %dma_wait3A_272] : memref<2x8192xf32, #tpu.memory_space<vmem>> -> memref<1x8192xf32, #tpu.memory_space<vmem>>
        tpu.wait_dma2 semaphore(%arg14 : memref<!tpu.dma_semaphore, #tpu.memory_space<semaphore_mem>>) src(%dma_wait3A_273 : memref<1x8192xf32, #tpu.memory_space<vmem>>) dst(%dma_wait3A_270 : memref<1x8192xf32, #tpu.memory_space<hbm>>)
      }
      %while3A_142 = arith.constant 1 : i32
      scf.for %while3A_261 = %while3A_140 to %while3A_136 step %while3A_142  : i32 {
        %dma_wait3A_262 = arith.constant 0 : i32
        %dma_wait3A_263 = arith.constant 0 : i32
        %dma_wait3A_264 = tpu.memref_slice %arg10[%dma_wait3A_262, %dma_wait3A_263] : memref<2x8192xf32, #tpu.memory_space<vmem>> -> memref<1x8192xf32, #tpu.memory_space<vmem>>
        %dma_wait3A_265 = arith.constant 0 : i32
        %dma_wait3A_266 = arith.constant 0 : i32
        %dma_wait3A_267 = tpu.memref_slice %arg8[%dma_wait3A_265, %dma_wait3A_266] : memref<16384x8192xf32, #tpu.memory_space<hbm>> -> memref<1x8192xf32, #tpu.memory_space<hbm>>
        %dma_wait3A_268 = arith.constant 0 : i32
        %dma_wait3A_269 = arith.constant 0 : i32
        %dma_wait3A_270 = tpu.memref_slice %arg8[%dma_wait3A_268, %dma_wait3A_269] : memref<16384x8192xf32, #tpu.memory_space<hbm>> -> memref<1x8192xf32, #tpu.memory_space<hbm>>
        %dma_wait3A_271 = arith.constant 0 : i32
        %dma_wait3A_272 = arith.constant 0 : i32
        %dma_wait3A_273 = tpu.memref_slice %arg10[%dma_wait3A_271, %dma_wait3A_272] : memref<2x8192xf32, #tpu.memory_space<vmem>> -> memref<1x8192xf32, #tpu.memory_space<vmem>>
        tpu.wait_dma2 semaphore(%arg14 : memref<!tpu.dma_semaphore, #tpu.memory_space<semaphore_mem>>) src(%dma_wait3A_273 : memref<1x8192xf32, #tpu.memory_space<vmem>>) dst(%dma_wait3A_270 : memref<1x8192xf32, #tpu.memory_space<hbm>>)
      }
      %add3A_143 = arith.constant 2 : i32
      %add3A_144 = arith.addi %add3A_44, %add3A_143 : i32
      %lt3A_145 = arith.cmpi slt, %add3A_144, %squeeze3A : i32
      %convert_element_type3A = arith.extui %lt3A_145 : i1 to i32
      %cond3A = arith.constant 0 : i32
      %cond3A_146 = arith.cmpi ne, %convert_element_type3A, %cond3A : i32
      scf.if %cond3A_146 {
        %dma_start3A_261 = arith.constant 0 : i32
        %dma_start3A_262 = tpu.memref_slice %arg16[%add3A_144, %dma_start3A_261] : memref<256x2xi32, #tpu.memory_space<vmem>> -> memref<1x2xi32, #tpu.memory_space<vmem>>
        %dma_start3A_263 = tpu.memref_squeeze %dma_start3A_262 : memref<1x2xi32, #tpu.memory_space<vmem>> -> memref<2xi32, #tpu.memory_space<vmem>>
        %dma_start3A_264 = arith.constant 0 : i32
        %dma_start3A_265 = arith.constant 0 : i32
        %dma_start3A_266 = tpu.memref_slice %arg7[%dma_start3A_264, %dma_start3A_265] : memref<8192x8192xf32, #tpu.memory_space<hbm>> -> memref<8192x8192xf32, #tpu.memory_space<hbm>>
        tpu.enqueue_indirect_dma source(%dma_start3A_266 : memref<8192x8192xf32, #tpu.memory_space<hbm>>) target(%arg10 : memref<2x8192xf32, #tpu.memory_space<vmem>>) offsets(%dma_start3A_263 : memref<2xi32, #tpu.memory_space<vmem>>) semaphore(%arg12 : memref<!tpu.dma_semaphore, #tpu.memory_space<semaphore_mem>>)
      } else {
      }
      %add3A_147 = arith.constant 1 : i32
      %add3A_148 = arith.addi %add3A_42, %add3A_147 : i32
      %dma_wait3A_149 = arith.constant 0 : i32
      %dma_wait3A_150 = tpu.memref_slice %arg16[%add3A_148, %dma_wait3A_149] : memref<256x2xi32, #tpu.memory_space<vmem>> -> memref<1x2xi32, #tpu.memory_space<vmem>>
      %dma_wait3A_151 = tpu.memref_squeeze %dma_wait3A_150 : memref<1x2xi32, #tpu.memory_space<vmem>> -> memref<2xi32, #tpu.memory_space<vmem>>
      %dma_wait3A_152 = arith.constant 0 : i32
      %dma_wait3A_153 = arith.constant 0 : i32
      %dma_wait3A_154 = tpu.memref_slice %arg7[%dma_wait3A_152, %dma_wait3A_153] : memref<8192x8192xf32, #tpu.memory_space<hbm>> -> memref<8192x8192xf32, #tpu.memory_space<hbm>>
      tpu.wait_indirect_dma semaphore(%arg13 : memref<!tpu.dma_semaphore, #tpu.memory_space<semaphore_mem>>) src(%dma_wait3A_154 : memref<8192x8192xf32, #tpu.memory_space<hbm>>) dst(%arg11 : memref<2x8192xf32, #tpu.memory_space<vmem>>)
      %mul3A_155 = arith.constant 2 : i32
      %mul3A_156 = arith.muli %add3A_148, %mul3A_155 : i32
      %add3A_157 = arith.constant 0 : i32
      %add3A_158 = arith.addi %mul3A_156, %add3A_157 : i32
      %get3A_159 = arith.index_cast %add3A_158 : i32 to index
      %get3A_160 = tpu.vector_load %arg17[%get3A_159] {strides = array<i32>} : memref<528xi32, #tpu.memory_space<vmem>>, vector<16xi32>,
      %slice3A_161 = vector.extract_strided_slice %get3A_160 {offsets = [0], sizes = [1], strides = [1]} : vector<16xi32> to vector<1xi32>
      %squeeze3A_162 = vector.extract %slice3A_161[0] : i32 from vector<1xi32>
      %while3A_163 = arith.constant 0 : i32
      %while3A_164 = arith.subi %squeeze3A_162, %while3A_163 : i32
      %while3A_165 = arith.addi %while3A_163, %while3A_164 : i32
      %while3A_166 = arith.constant 1 : i32
      %while3A_167 = arith.divsi %while3A_164, %while3A_166 : i32
      %while3A_168 = arith.muli %while3A_167, %while3A_166 : i32
      %while3A_169 = arith.addi %while3A_163, %while3A_168 : i32
      %while3A_170 = arith.constant 1 : i32
      %while3A_171:2 = scf.for %while3A_261 = %while3A_163 to %while3A_169 step %while3A_170 iter_args(%while3A_262 = %while3A_87#0, %while3A_263 = %while3A_87#1) -> (i32, vector<16xf32>)  : i32 {
        %get3A_264 = arith.index_cast %while3A_262 : i32 to index
        %get3A_265 = tpu.vector_load %arg18[%get3A_264] {strides = array<i32>} : memref<528xi32, #tpu.memory_space<vmem>>, vector<16xi32>,
        %slice3A_266 = vector.extract_strided_slice %get3A_265 {offsets = [0], sizes = [1], strides = [1]} : vector<16xi32> to vector<1xi32>
        %squeeze3A_267 = vector.extract %slice3A_266[0] : i32 from vector<1xi32>
        %dma_start3A_268 = arith.constant 0 : i32
        %dma_start3A_269 = arith.constant 0 : i32
        %dma_start3A_270 = tpu.memref_slice %arg11[%dma_start3A_268, %dma_start3A_269] : memref<2x8192xf32, #tpu.memory_space<vmem>> -> memref<1x8192xf32, #tpu.memory_space<vmem>>
        %dma_start3A_271 = arith.constant 0 : i32
        %dma_start3A_272 = tpu.memref_slice %arg8[%squeeze3A_267, %dma_start3A_271] : memref<16384x8192xf32, #tpu.memory_space<hbm>> -> memref<1x8192xf32, #tpu.memory_space<hbm>>
        %dma_start3A_273 = arith.constant 0 : i32
        %dma_start3A_274 = tpu.memref_slice %arg8[%squeeze3A_267, %dma_start3A_273] : memref<16384x8192xf32, #tpu.memory_space<hbm>> -> memref<1x8192xf32, #tpu.memory_space<hbm>>
        %dma_start3A_275 = arith.constant 0 : i32
        %dma_start3A_276 = arith.constant 0 : i32
        %dma_start3A_277 = tpu.memref_slice %arg11[%dma_start3A_275, %dma_start3A_276] : memref<2x8192xf32, #tpu.memory_space<vmem>> -> memref<1x8192xf32, #tpu.memory_space<vmem>>
        tpu.enqueue_dma source(%dma_start3A_277 : memref<1x8192xf32, #tpu.memory_space<vmem>>) target(%dma_start3A_274 : memref<1x8192xf32, #tpu.memory_space<hbm>>) target_semaphore(%arg15 : memref<!tpu.dma_semaphore, #tpu.memory_space<semaphore_mem>>)
        %get3A_278 = arith.index_cast %while3A_262 : i32 to index
        %get3A_279 = tpu.vector_load %arg19[%get3A_278] {strides = array<i32>} : memref<528xi32, #tpu.memory_space<vmem>>, vector<16xi32>,
        %slice3A_280 = vector.extract_strided_slice %get3A_279 {offsets = [0], sizes = [1], strides = [1]} : vector<16xi32> to vector<1xi32>
        %squeeze3A_281 = vector.extract %slice3A_280[0] : i32 from vector<1xi32>
        %broadcast_in_dim3A_282 = arith.constant 0 : i32
        %broadcast_in_dim3A_283 = vector.broadcast %broadcast_in_dim3A_282 : i32 to vector<16xi32>
        %broadcast_in_dim3A_284 = vector.broadcast %squeeze3A_281 : i32 to vector<16xi32>
        %gather3A = tpu.vector_load_idx %arg11[%broadcast_in_dim3A_283, %broadcast_in_dim3A_284] : memref<2x8192xf32, #tpu.memory_space<vmem>>[vector<16xi32>, vector<16xi32>], vector<16xf32>,
        %jit3A_285 = arith.constant 0.000000e+00 : f32
        %broadcast_in_dim3A_286 = vector.broadcast %jit3A_285 : f32 to vector<16xf32>
        %select_n3A_287 = arith.select %eq3A_3, %gather3A, %broadcast_in_dim3A_286 : vector<16xi1>, vector<16xf32>
        %add3A_288 = arith.addf %while3A_263, %select_n3A_287 : vector<16xf32>
        %add3A_289 = arith.constant 1 : i32
        %add3A_290 = arith.addi %while3A_262, %add3A_289 : i32
        scf.yield %add3A_290, %add3A_288 : i32, vector<16xf32>
      }
      %while3A_172 = arith.constant 1 : i32
      %while3A_173:2 = scf.for %while3A_261 = %while3A_169 to %while3A_165 step %while3A_172 iter_args(%while3A_262 = %while3A_171#0, %while3A_263 = %while3A_171#1) -> (i32, vector<16xf32>)  : i32 {
        %get3A_264 = arith.index_cast %while3A_262 : i32 to index
        %get3A_265 = tpu.vector_load %arg18[%get3A_264] {strides = array<i32>} : memref<528xi32, #tpu.memory_space<vmem>>, vector<16xi32>,
        %slice3A_266 = vector.extract_strided_slice %get3A_265 {offsets = [0], sizes = [1], strides = [1]} : vector<16xi32> to vector<1xi32>
        %squeeze3A_267 = vector.extract %slice3A_266[0] : i32 from vector<1xi32>
        %dma_start3A_268 = arith.constant 0 : i32
        %dma_start3A_269 = arith.constant 0 : i32
        %dma_start3A_270 = tpu.memref_slice %arg11[%dma_start3A_268, %dma_start3A_269] : memref<2x8192xf32, #tpu.memory_space<vmem>> -> memref<1x8192xf32, #tpu.memory_space<vmem>>
        %dma_start3A_271 = arith.constant 0 : i32
        %dma_start3A_272 = tpu.memref_slice %arg8[%squeeze3A_267, %dma_start3A_271] : memref<16384x8192xf32, #tpu.memory_space<hbm>> -> memref<1x8192xf32, #tpu.memory_space<hbm>>
        %dma_start3A_273 = arith.constant 0 : i32
        %dma_start3A_274 = tpu.memref_slice %arg8[%squeeze3A_267, %dma_start3A_273] : memref<16384x8192xf32, #tpu.memory_space<hbm>> -> memref<1x8192xf32, #tpu.memory_space<hbm>>
        %dma_start3A_275 = arith.constant 0 : i32
        %dma_start3A_276 = arith.constant 0 : i32
        %dma_start3A_277 = tpu.memref_slice %arg11[%dma_start3A_275, %dma_start3A_276] : memref<2x8192xf32, #tpu.memory_space<vmem>> -> memref<1x8192xf32, #tpu.memory_space<vmem>>
        tpu.enqueue_dma source(%dma_start3A_277 : memref<1x8192xf32, #tpu.memory_space<vmem>>) target(%dma_start3A_274 : memref<1x8192xf32, #tpu.memory_space<hbm>>) target_semaphore(%arg15 : memref<!tpu.dma_semaphore, #tpu.memory_space<semaphore_mem>>)
        %get3A_278 = arith.index_cast %while3A_262 : i32 to index
        %get3A_279 = tpu.vector_load %arg19[%get3A_278] {strides = array<i32>} : memref<528xi32, #tpu.memory_space<vmem>>, vector<16xi32>,
        %slice3A_280 = vector.extract_strided_slice %get3A_279 {offsets = [0], sizes = [1], strides = [1]} : vector<16xi32> to vector<1xi32>
        %squeeze3A_281 = vector.extract %slice3A_280[0] : i32 from vector<1xi32>
        %broadcast_in_dim3A_282 = arith.constant 0 : i32
        %broadcast_in_dim3A_283 = vector.broadcast %broadcast_in_dim3A_282 : i32 to vector<16xi32>
        %broadcast_in_dim3A_284 = vector.broadcast %squeeze3A_281 : i32 to vector<16xi32>
        %gather3A = tpu.vector_load_idx %arg11[%broadcast_in_dim3A_283, %broadcast_in_dim3A_284] : memref<2x8192xf32, #tpu.memory_space<vmem>>[vector<16xi32>, vector<16xi32>], vector<16xf32>,
        %jit3A_285 = arith.constant 0.000000e+00 : f32
        %broadcast_in_dim3A_286 = vector.broadcast %jit3A_285 : f32 to vector<16xf32>
        %select_n3A_287 = arith.select %eq3A_3, %gather3A, %broadcast_in_dim3A_286 : vector<16xi1>, vector<16xf32>
        %add3A_288 = arith.addf %while3A_263, %select_n3A_287 : vector<16xf32>
        %add3A_289 = arith.constant 1 : i32
        %add3A_290 = arith.addi %while3A_262, %add3A_289 : i32
        scf.yield %add3A_290, %add3A_288 : i32, vector<16xf32>
      }
      %mul3A_174 = arith.constant 2 : i32
      %mul3A_175 = arith.muli %add3A_148, %mul3A_174 : i32
      %add3A_176 = arith.constant 1 : i32
      %add3A_177 = arith.addi %mul3A_175, %add3A_176 : i32
      %get3A_178 = arith.index_cast %add3A_177 : i32 to index
      %get3A_179 = tpu.vector_load %arg17[%get3A_178] {strides = array<i32>} : memref<528xi32, #tpu.memory_space<vmem>>, vector<16xi32>,
      %slice3A_180 = vector.extract_strided_slice %get3A_179 {offsets = [0], sizes = [1], strides = [1]} : vector<16xi32> to vector<1xi32>
      %squeeze3A_181 = vector.extract %slice3A_180[0] : i32 from vector<1xi32>
      %while3A_182 = arith.constant 0 : i32
      %while3A_183 = arith.subi %squeeze3A_181, %while3A_182 : i32
      %while3A_184 = arith.addi %while3A_182, %while3A_183 : i32
      %while3A_185 = arith.constant 1 : i32
      %while3A_186 = arith.divsi %while3A_183, %while3A_185 : i32
      %while3A_187 = arith.muli %while3A_186, %while3A_185 : i32
      %while3A_188 = arith.addi %while3A_182, %while3A_187 : i32
      %while3A_189 = arith.constant 1 : i32
      %while3A_190:2 = scf.for %while3A_261 = %while3A_182 to %while3A_188 step %while3A_189 iter_args(%while3A_262 = %while3A_173#0, %while3A_263 = %while3A_173#1) -> (i32, vector<16xf32>)  : i32 {
        %get3A_264 = arith.index_cast %while3A_262 : i32 to index
        %get3A_265 = tpu.vector_load %arg18[%get3A_264] {strides = array<i32>} : memref<528xi32, #tpu.memory_space<vmem>>, vector<16xi32>,
        %slice3A_266 = vector.extract_strided_slice %get3A_265 {offsets = [0], sizes = [1], strides = [1]} : vector<16xi32> to vector<1xi32>
        %squeeze3A_267 = vector.extract %slice3A_266[0] : i32 from vector<1xi32>
        %dma_start3A_268 = arith.constant 1 : i32
        %dma_start3A_269 = arith.constant 0 : i32
        %dma_start3A_270 = tpu.memref_slice %arg11[%dma_start3A_268, %dma_start3A_269] : memref<2x8192xf32, #tpu.memory_space<vmem>> -> memref<1x8192xf32, #tpu.memory_space<vmem>>
        %dma_start3A_271 = arith.constant 0 : i32
        %dma_start3A_272 = tpu.memref_slice %arg8[%squeeze3A_267, %dma_start3A_271] : memref<16384x8192xf32, #tpu.memory_space<hbm>> -> memref<1x8192xf32, #tpu.memory_space<hbm>>
        %dma_start3A_273 = arith.constant 0 : i32
        %dma_start3A_274 = tpu.memref_slice %arg8[%squeeze3A_267, %dma_start3A_273] : memref<16384x8192xf32, #tpu.memory_space<hbm>> -> memref<1x8192xf32, #tpu.memory_space<hbm>>
        %dma_start3A_275 = arith.constant 1 : i32
        %dma_start3A_276 = arith.constant 0 : i32
        %dma_start3A_277 = tpu.memref_slice %arg11[%dma_start3A_275, %dma_start3A_276] : memref<2x8192xf32, #tpu.memory_space<vmem>> -> memref<1x8192xf32, #tpu.memory_space<vmem>>
        tpu.enqueue_dma source(%dma_start3A_277 : memref<1x8192xf32, #tpu.memory_space<vmem>>) target(%dma_start3A_274 : memref<1x8192xf32, #tpu.memory_space<hbm>>) target_semaphore(%arg15 : memref<!tpu.dma_semaphore, #tpu.memory_space<semaphore_mem>>)
        %get3A_278 = arith.index_cast %while3A_262 : i32 to index
        %get3A_279 = tpu.vector_load %arg19[%get3A_278] {strides = array<i32>} : memref<528xi32, #tpu.memory_space<vmem>>, vector<16xi32>,
        %slice3A_280 = vector.extract_strided_slice %get3A_279 {offsets = [0], sizes = [1], strides = [1]} : vector<16xi32> to vector<1xi32>
        %squeeze3A_281 = vector.extract %slice3A_280[0] : i32 from vector<1xi32>
        %broadcast_in_dim3A_282 = arith.constant 1 : i32
        %broadcast_in_dim3A_283 = vector.broadcast %broadcast_in_dim3A_282 : i32 to vector<16xi32>
        %broadcast_in_dim3A_284 = vector.broadcast %squeeze3A_281 : i32 to vector<16xi32>
        %gather3A = tpu.vector_load_idx %arg11[%broadcast_in_dim3A_283, %broadcast_in_dim3A_284] : memref<2x8192xf32, #tpu.memory_space<vmem>>[vector<16xi32>, vector<16xi32>], vector<16xf32>,
        %jit3A_285 = arith.constant 0.000000e+00 : f32
        %broadcast_in_dim3A_286 = vector.broadcast %jit3A_285 : f32 to vector<16xf32>
        %select_n3A_287 = arith.select %eq3A_3, %gather3A, %broadcast_in_dim3A_286 : vector<16xi1>, vector<16xf32>
        %add3A_288 = arith.addf %while3A_263, %select_n3A_287 : vector<16xf32>
        %add3A_289 = arith.constant 1 : i32
        %add3A_290 = arith.addi %while3A_262, %add3A_289 : i32
        scf.yield %add3A_290, %add3A_288 : i32, vector<16xf32>
      }
      %while3A_191 = arith.constant 1 : i32
      %while3A_192:2 = scf.for %while3A_261 = %while3A_188 to %while3A_184 step %while3A_191 iter_args(%while3A_262 = %while3A_190#0, %while3A_263 = %while3A_190#1) -> (i32, vector<16xf32>)  : i32 {
        %get3A_264 = arith.index_cast %while3A_262 : i32 to index
        %get3A_265 = tpu.vector_load %arg18[%get3A_264] {strides = array<i32>} : memref<528xi32, #tpu.memory_space<vmem>>, vector<16xi32>,
        %slice3A_266 = vector.extract_strided_slice %get3A_265 {offsets = [0], sizes = [1], strides = [1]} : vector<16xi32> to vector<1xi32>
        %squeeze3A_267 = vector.extract %slice3A_266[0] : i32 from vector<1xi32>
        %dma_start3A_268 = arith.constant 1 : i32
        %dma_start3A_269 = arith.constant 0 : i32
        %dma_start3A_270 = tpu.memref_slice %arg11[%dma_start3A_268, %dma_start3A_269] : memref<2x8192xf32, #tpu.memory_space<vmem>> -> memref<1x8192xf32, #tpu.memory_space<vmem>>
        %dma_start3A_271 = arith.constant 0 : i32
        %dma_start3A_272 = tpu.memref_slice %arg8[%squeeze3A_267, %dma_start3A_271] : memref<16384x8192xf32, #tpu.memory_space<hbm>> -> memref<1x8192xf32, #tpu.memory_space<hbm>>
        %dma_start3A_273 = arith.constant 0 : i32
        %dma_start3A_274 = tpu.memref_slice %arg8[%squeeze3A_267, %dma_start3A_273] : memref<16384x8192xf32, #tpu.memory_space<hbm>> -> memref<1x8192xf32, #tpu.memory_space<hbm>>
        %dma_start3A_275 = arith.constant 1 : i32
        %dma_start3A_276 = arith.constant 0 : i32
        %dma_start3A_277 = tpu.memref_slice %arg11[%dma_start3A_275, %dma_start3A_276] : memref<2x8192xf32, #tpu.memory_space<vmem>> -> memref<1x8192xf32, #tpu.memory_space<vmem>>
        tpu.enqueue_dma source(%dma_start3A_277 : memref<1x8192xf32, #tpu.memory_space<vmem>>) target(%dma_start3A_274 : memref<1x8192xf32, #tpu.memory_space<hbm>>) target_semaphore(%arg15 : memref<!tpu.dma_semaphore, #tpu.memory_space<semaphore_mem>>)
        %get3A_278 = arith.index_cast %while3A_262 : i32 to index
        %get3A_279 = tpu.vector_load %arg19[%get3A_278] {strides = array<i32>} : memref<528xi32, #tpu.memory_space<vmem>>, vector<16xi32>,
        %slice3A_280 = vector.extract_strided_slice %get3A_279 {offsets = [0], sizes = [1], strides = [1]} : vector<16xi32> to vector<1xi32>
        %squeeze3A_281 = vector.extract %slice3A_280[0] : i32 from vector<1xi32>
        %broadcast_in_dim3A_282 = arith.constant 1 : i32
        %broadcast_in_dim3A_283 = vector.broadcast %broadcast_in_dim3A_282 : i32 to vector<16xi32>
        %broadcast_in_dim3A_284 = vector.broadcast %squeeze3A_281 : i32 to vector<16xi32>
        %gather3A = tpu.vector_load_idx %arg11[%broadcast_in_dim3A_283, %broadcast_in_dim3A_284] : memref<2x8192xf32, #tpu.memory_space<vmem>>[vector<16xi32>, vector<16xi32>], vector<16xf32>,
        %jit3A_285 = arith.constant 0.000000e+00 : f32
        %broadcast_in_dim3A_286 = vector.broadcast %jit3A_285 : f32 to vector<16xf32>
        %select_n3A_287 = arith.select %eq3A_3, %gather3A, %broadcast_in_dim3A_286 : vector<16xi1>, vector<16xf32>
        %add3A_288 = arith.addf %while3A_263, %select_n3A_287 : vector<16xf32>
        %add3A_289 = arith.constant 1 : i32
        %add3A_290 = arith.addi %while3A_262, %add3A_289 : i32
        scf.yield %add3A_290, %add3A_288 : i32, vector<16xf32>
      }
      %sub3A_193 = arith.subi %while3A_192#0, %while3A_87#0 : i32
      %jit3A_194 = arith.constant 2 : i32
      %div3A_195 = arith.divsi %sub3A_193, %jit3A_194 : i32
      %sign3A_196 = arith.constant 0 : i32
      %sign3A_197 = arith.cmpi sgt, %sub3A_193, %sign3A_196 : i32
      %sign3A_198 = arith.extui %sign3A_197 : i1 to i32
      %sign3A_199 = arith.constant 0 : i32
      %sign3A_200 = arith.cmpi slt, %sub3A_193, %sign3A_199 : i32
      %sign3A_201 = arith.extui %sign3A_200 : i1 to i32
      %sign3A_202 = arith.subi %sign3A_198, %sign3A_201 : i32
      %sign3A_203 = arith.constant 0 : i32
      %sign3A_204 = arith.cmpi sgt, %jit3A_194, %sign3A_203 : i32
      %sign3A_205 = arith.extui %sign3A_204 : i1 to i32
      %sign3A_206 = arith.constant 0 : i32
      %sign3A_207 = arith.cmpi slt, %jit3A_194, %sign3A_206 : i32
      %sign3A_208 = arith.extui %sign3A_207 : i1 to i32
      %sign3A_209 = arith.subi %sign3A_205, %sign3A_208 : i32
      %ne3A_210 = arith.cmpi ne, %sign3A_202, %sign3A_209 : i32
      %rem3A_211 = arith.remsi %sub3A_193, %jit3A_194 : i32
      %ne3A_212 = arith.constant 0 : i32
      %ne3A_213 = arith.cmpi ne, %rem3A_211, %ne3A_212 : i32
      %and3A_214 = arith.andi %ne3A_210, %ne3A_213 : i1
      %sub3A_215 = arith.constant 1 : i32
      %sub3A_216 = arith.subi %div3A_195, %sub3A_215 : i32
      %select_n3A_217 = arith.select %and3A_214, %sub3A_216, %div3A_195 : i32
      %while3A_218 = arith.constant 0 : i32
      %while3A_219 = arith.constant 0 : i32
      %while3A_220 = arith.subi %select_n3A_217, %while3A_219 : i32
      %while3A_221 = arith.addi %while3A_219, %while3A_220 : i32
      %while3A_222 = arith.constant 1 : i32
      %while3A_223 = arith.divsi %while3A_220, %while3A_222 : i32
      %while3A_224 = arith.muli %while3A_223, %while3A_222 : i32
      %while3A_225 = arith.addi %while3A_219, %while3A_224 : i32
      %while3A_226 = arith.constant 1 : i32
      scf.for %while3A_261 = %while3A_219 to %while3A_225 step %while3A_226  : i32 {
        %dma_wait3A_262 = arith.constant 0 : i32
        %dma_wait3A_263 = arith.constant 0 : i32
        %dma_wait3A_264 = tpu.memref_slice %arg8[%dma_wait3A_262, %dma_wait3A_263] : memref<16384x8192xf32, #tpu.memory_space<hbm>> -> memref<2x8192xf32, #tpu.memory_space<hbm>>
        %dma_wait3A_265 = arith.constant 0 : i32
        %dma_wait3A_266 = arith.constant 0 : i32
        %dma_wait3A_267 = tpu.memref_slice %arg8[%dma_wait3A_265, %dma_wait3A_266] : memref<16384x8192xf32, #tpu.memory_space<hbm>> -> memref<2x8192xf32, #tpu.memory_space<hbm>>
        tpu.wait_dma2 semaphore(%arg15 : memref<!tpu.dma_semaphore, #tpu.memory_space<semaphore_mem>>) src(%arg11 : memref<2x8192xf32, #tpu.memory_space<vmem>>) dst(%dma_wait3A_267 : memref<2x8192xf32, #tpu.memory_space<hbm>>)
      }
      %while3A_227 = arith.constant 1 : i32
      scf.for %while3A_261 = %while3A_225 to %while3A_221 step %while3A_227  : i32 {
        %dma_wait3A_262 = arith.constant 0 : i32
        %dma_wait3A_263 = arith.constant 0 : i32
        %dma_wait3A_264 = tpu.memref_slice %arg8[%dma_wait3A_262, %dma_wait3A_263] : memref<16384x8192xf32, #tpu.memory_space<hbm>> -> memref<2x8192xf32, #tpu.memory_space<hbm>>
        %dma_wait3A_265 = arith.constant 0 : i32
        %dma_wait3A_266 = arith.constant 0 : i32
        %dma_wait3A_267 = tpu.memref_slice %arg8[%dma_wait3A_265, %dma_wait3A_266] : memref<16384x8192xf32, #tpu.memory_space<hbm>> -> memref<2x8192xf32, #tpu.memory_space<hbm>>
        tpu.wait_dma2 semaphore(%arg15 : memref<!tpu.dma_semaphore, #tpu.memory_space<semaphore_mem>>) src(%arg11 : memref<2x8192xf32, #tpu.memory_space<vmem>>) dst(%dma_wait3A_267 : memref<2x8192xf32, #tpu.memory_space<hbm>>)
      }
      %sub3A_228 = arith.subi %while3A_192#0, %while3A_87#0 : i32
      %jit3A_229 = arith.constant 2 : i32
      %eq3A_230 = arith.constant 0 : i32
      %eq3A_231 = arith.cmpi eq, %jit3A_229, %eq3A_230 : i32
      %jit3A_232 = arith.constant 1 : i32
      %select_n3A_233 = arith.select %eq3A_231, %jit3A_232, %jit3A_229 : i32
      %rem3A_234 = arith.remsi %sub3A_228, %select_n3A_233 : i32
      %ne3A_235 = arith.constant 0 : i32
      %ne3A_236 = arith.cmpi ne, %rem3A_234, %ne3A_235 : i32
      %lt3A_237 = arith.constant 0 : i32
      %lt3A_238 = arith.cmpi slt, %rem3A_234, %lt3A_237 : i32
      %lt3A_239 = arith.constant 0 : i32
      %lt3A_240 = arith.cmpi slt, %select_n3A_233, %lt3A_239 : i32
      %ne3A_241 = arith.xori %lt3A_238, %lt3A_240 : i1
      %and3A_242 = arith.andi %ne3A_241, %ne3A_236 : i1
      %add3A_243 = arith.addi %rem3A_234, %select_n3A_233 : i32
      %select_n3A_244 = arith.select %and3A_242, %add3A_243, %rem3A_234 : i32
      %while3A_245 = arith.constant 0 : i32
      %while3A_246 = arith.constant 0 : i32
      %while3A_247 = arith.subi %select_n3A_244, %while3A_246 : i32
      %while3A_248 = arith.addi %while3A_246, %while3A_247 : i32
      %while3A_249 = arith.constant 1 : i32
      %while3A_250 = arith.divsi %while3A_247, %while3A_249 : i32
      %while3A_251 = arith.muli %while3A_250, %while3A_249 : i32
      %while3A_252 = arith.addi %while3A_246, %while3A_251 : i32
      %while3A_253 = arith.constant 1 : i32
      scf.for %while3A_261 = %while3A_246 to %while3A_252 step %while3A_253  : i32 {
        %dma_wait3A_262 = arith.constant 0 : i32
        %dma_wait3A_263 = arith.constant 0 : i32
        %dma_wait3A_264 = tpu.memref_slice %arg11[%dma_wait3A_262, %dma_wait3A_263] : memref<2x8192xf32, #tpu.memory_space<vmem>> -> memref<1x8192xf32, #tpu.memory_space<vmem>>
        %dma_wait3A_265 = arith.constant 0 : i32
        %dma_wait3A_266 = arith.constant 0 : i32
        %dma_wait3A_267 = tpu.memref_slice %arg8[%dma_wait3A_265, %dma_wait3A_266] : memref<16384x8192xf32, #tpu.memory_space<hbm>> -> memref<1x8192xf32, #tpu.memory_space<hbm>>
        %dma_wait3A_268 = arith.constant 0 : i32
        %dma_wait3A_269 = arith.constant 0 : i32
        %dma_wait3A_270 = tpu.memref_slice %arg8[%dma_wait3A_268, %dma_wait3A_269] : memref<16384x8192xf32, #tpu.memory_space<hbm>> -> memref<1x8192xf32, #tpu.memory_space<hbm>>
        %dma_wait3A_271 = arith.constant 0 : i32
        %dma_wait3A_272 = arith.constant 0 : i32
        %dma_wait3A_273 = tpu.memref_slice %arg11[%dma_wait3A_271, %dma_wait3A_272] : memref<2x8192xf32, #tpu.memory_space<vmem>> -> memref<1x8192xf32, #tpu.memory_space<vmem>>
        tpu.wait_dma2 semaphore(%arg15 : memref<!tpu.dma_semaphore, #tpu.memory_space<semaphore_mem>>) src(%dma_wait3A_273 : memref<1x8192xf32, #tpu.memory_space<vmem>>) dst(%dma_wait3A_270 : memref<1x8192xf32, #tpu.memory_space<hbm>>)
      }
      %while3A_254 = arith.constant 1 : i32
      scf.for %while3A_261 = %while3A_252 to %while3A_248 step %while3A_254  : i32 {
        %dma_wait3A_262 = arith.constant 0 : i32
        %dma_wait3A_263 = arith.constant 0 : i32
        %dma_wait3A_264 = tpu.memref_slice %arg11[%dma_wait3A_262, %dma_wait3A_263] : memref<2x8192xf32, #tpu.memory_space<vmem>> -> memref<1x8192xf32, #tpu.memory_space<vmem>>
        %dma_wait3A_265 = arith.constant 0 : i32
        %dma_wait3A_266 = arith.constant 0 : i32
        %dma_wait3A_267 = tpu.memref_slice %arg8[%dma_wait3A_265, %dma_wait3A_266] : memref<16384x8192xf32, #tpu.memory_space<hbm>> -> memref<1x8192xf32, #tpu.memory_space<hbm>>
        %dma_wait3A_268 = arith.constant 0 : i32
        %dma_wait3A_269 = arith.constant 0 : i32
        %dma_wait3A_270 = tpu.memref_slice %arg8[%dma_wait3A_268, %dma_wait3A_269] : memref<16384x8192xf32, #tpu.memory_space<hbm>> -> memref<1x8192xf32, #tpu.memory_space<hbm>>
        %dma_wait3A_271 = arith.constant 0 : i32
        %dma_wait3A_272 = arith.constant 0 : i32
        %dma_wait3A_273 = tpu.memref_slice %arg11[%dma_wait3A_271, %dma_wait3A_272] : memref<2x8192xf32, #tpu.memory_space<vmem>> -> memref<1x8192xf32, #tpu.memory_space<vmem>>
        tpu.wait_dma2 semaphore(%arg15 : memref<!tpu.dma_semaphore, #tpu.memory_space<semaphore_mem>>) src(%dma_wait3A_273 : memref<1x8192xf32, #tpu.memory_space<vmem>>) dst(%dma_wait3A_270 : memref<1x8192xf32, #tpu.memory_space<hbm>>)
      }
      %add3A_255 = arith.constant 2 : i32
      %add3A_256 = arith.addi %add3A_148, %add3A_255 : i32
      %lt3A_257 = arith.cmpi slt, %add3A_256, %squeeze3A : i32
      %convert_element_type3A_258 = arith.extui %lt3A_257 : i1 to i32
      %cond3A_259 = arith.constant 0 : i32
      %cond3A_260 = arith.cmpi ne, %convert_element_type3A_258, %cond3A_259 : i32
      scf.if %cond3A_260 {
        %dma_start3A_261 = arith.constant 0 : i32
        %dma_start3A_262 = tpu.memref_slice %arg16[%add3A_256, %dma_start3A_261] : memref<256x2xi32, #tpu.memory_space<vmem>> -> memref<1x2xi32, #tpu.memory_space<vmem>>
        %dma_start3A_263 = tpu.memref_squeeze %dma_start3A_262 : memref<1x2xi32, #tpu.memory_space<vmem>> -> memref<2xi32, #tpu.memory_space<vmem>>
        %dma_start3A_264 = arith.constant 0 : i32
        %dma_start3A_265 = arith.constant 0 : i32
        %dma_start3A_266 = tpu.memref_slice %arg7[%dma_start3A_264, %dma_start3A_265] : memref<8192x8192xf32, #tpu.memory_space<hbm>> -> memref<8192x8192xf32, #tpu.memory_space<hbm>>
        tpu.enqueue_indirect_dma source(%dma_start3A_266 : memref<8192x8192xf32, #tpu.memory_space<hbm>>) target(%arg11 : memref<2x8192xf32, #tpu.memory_space<vmem>>) offsets(%dma_start3A_263 : memref<2xi32, #tpu.memory_space<vmem>>) semaphore(%arg13 : memref<!tpu.dma_semaphore, #tpu.memory_space<semaphore_mem>>)
      } else {
      }
      scf.yield %while3A_192#0, %while3A_192#1 : i32, vector<16xf32>
    }
    %swap3A = arith.constant 0 : index
    %swap3A_37 = tpu.vector_load %arg21[%swap3A] {strides = array<i32>} : memref<16xf32, #tpu.memory_space<vmem>>, vector<16xf32>,
    tpu.vector_store %arg21[%swap3A], %while3A_36#1 {strides = array<i32>} : memref<16xf32, #tpu.memory_space<vmem>>, vector<16xf32>,
    "tpu.region"() ({
      %run_scoped3A = tpu.sem_alloc : memref<!tpu.dma_semaphore, #tpu.memory_space<semaphore_mem>>
      %dma_start3A_38 = arith.constant 0 : i32
      %dma_start3A_39 = tpu.memref_slice %arg9[%add3A, %dma_start3A_38] : memref<32x16xf32, #tpu.memory_space<hbm>> -> memref<1x16xf32, #tpu.memory_space<hbm>>
      %dma_start3A_40 = tpu.memref_squeeze %dma_start3A_39 : memref<1x16xf32, #tpu.memory_space<hbm>> -> memref<16xf32, #tpu.memory_space<hbm>>
      %dma_start3A_41 = arith.constant 0 : i32
      %dma_start3A_42 = tpu.memref_slice %arg9[%add3A, %dma_start3A_41] : memref<32x16xf32, #tpu.memory_space<hbm>> -> memref<1x16xf32, #tpu.memory_space<hbm>>
      %dma_start3A_43 = tpu.memref_squeeze %dma_start3A_42 : memref<1x16xf32, #tpu.memory_space<hbm>> -> memref<16xf32, #tpu.memory_space<hbm>>
      tpu.enqueue_dma source(%arg21 : memref<16xf32, #tpu.memory_space<vmem>>) target(%dma_start3A_43 : memref<16xf32, #tpu.memory_space<hbm>>) target_semaphore(%run_scoped3A : memref<!tpu.dma_semaphore, #tpu.memory_space<semaphore_mem>>)
      %dma_wait3A = arith.constant 0 : i32
      %dma_wait3A_44 = tpu.memref_slice %arg9[%add3A, %dma_wait3A] : memref<32x16xf32, #tpu.memory_space<hbm>> -> memref<1x16xf32, #tpu.memory_space<hbm>>
      %dma_wait3A_45 = tpu.memref_squeeze %dma_wait3A_44 : memref<1x16xf32, #tpu.memory_space<hbm>> -> memref<16xf32, #tpu.memory_space<hbm>>
      %dma_wait3A_46 = arith.constant 0 : i32
      %dma_wait3A_47 = tpu.memref_slice %arg9[%add3A, %dma_wait3A_46] : memref<32x16xf32, #tpu.memory_space<hbm>> -> memref<1x16xf32, #tpu.memory_space<hbm>>
      %dma_wait3A_48 = tpu.memref_squeeze %dma_wait3A_47 : memref<1x16xf32, #tpu.memory_space<hbm>> -> memref<16xf32, #tpu.memory_space<hbm>>
      tpu.wait_dma2 semaphore(%run_scoped3A : memref<!tpu.dma_semaphore, #tpu.memory_space<semaphore_mem>>) src(%arg21 : memref<16xf32, #tpu.memory_space<vmem>>) dst(%dma_wait3A_48 : memref<16xf32, #tpu.memory_space<hbm>>)
      tpu.yield
    }) : () -> ()
    return
  }
}

#map = affine_map<(d0, d1) -> (0, 0, 0)>
#map1 = affine_map<(d0, d1) -> (0)>
#map2 = affine_map<(d0, d1) -> (0, 0)>
module attributes {stable_mosaic.version = 14 : i64} {
  func.func @_nll_body(%arg0: i32, %arg1: i32, %arg2: memref<32x4x128xi32, #tpu.memory_space<hbm>>, %arg3: memref<8192xf32, #tpu.memory_space<hbm>>, %arg4: memref<32x16xf32, #tpu.memory_space<hbm>>, %arg5: memref<4x128xi32, #tpu.memory_space<vmem>>, %arg6: memref<512xf32, #tpu.memory_space<vmem>>, %arg7: memref<16xf32, #tpu.memory_space<vmem>>, %arg8: memref<!tpu.dma_semaphore, #tpu.memory_space<semaphore_mem>>) attributes {dimension_semantics = [#tpu.dimension_semantics<core_parallel>, #tpu.dimension_semantics<subcore_parallel>], iteration_bounds = array<i64: 2, 16>, scalar_prefetch = 0 : i64, scratch_operands = 4 : i64, tpu.core_type = #tpu.core_type<sc_vector_subcore>, window_params = [{transform_indices = #map}, {transform_indices = #map1}, {transform_indices = #map2}]} {
    %mul3A = arith.constant 2 : i32
    %mul3A_0 = arith.muli %arg1, %mul3A : i32
    %add3A = arith.addi %mul3A_0, %arg0 : i32
    "tpu.region"() ({
      %run_scoped3A = tpu.sem_alloc : memref<!tpu.dma_semaphore, #tpu.memory_space<semaphore_mem>>
      %dma_start3A_192 = arith.constant 0 : i32
      %dma_start3A_193 = arith.constant 0 : i32
      %dma_start3A_194 = tpu.memref_slice %arg2[%add3A, %dma_start3A_192, %dma_start3A_193] : memref<32x4x128xi32, #tpu.memory_space<hbm>> -> memref<1x4x128xi32, #tpu.memory_space<hbm>>
      %dma_start3A_195 = tpu.memref_squeeze %dma_start3A_194 : memref<1x4x128xi32, #tpu.memory_space<hbm>> -> memref<4x128xi32, #tpu.memory_space<hbm>>
      %dma_start3A_196 = arith.constant 0 : i32
      %dma_start3A_197 = arith.constant 0 : i32
      %dma_start3A_198 = tpu.memref_slice %arg2[%add3A, %dma_start3A_196, %dma_start3A_197] : memref<32x4x128xi32, #tpu.memory_space<hbm>> -> memref<1x4x128xi32, #tpu.memory_space<hbm>>
      %dma_start3A_199 = tpu.memref_squeeze %dma_start3A_198 : memref<1x4x128xi32, #tpu.memory_space<hbm>> -> memref<4x128xi32, #tpu.memory_space<hbm>>
      tpu.enqueue_dma source(%dma_start3A_199 : memref<4x128xi32, #tpu.memory_space<hbm>>) target(%arg5 : memref<4x128xi32, #tpu.memory_space<vmem>>) target_semaphore(%run_scoped3A : memref<!tpu.dma_semaphore, #tpu.memory_space<semaphore_mem>>)
      %dma_wait3A_200 = arith.constant 0 : i32
      %dma_wait3A_201 = arith.constant 0 : i32
      %dma_wait3A_202 = tpu.memref_slice %arg2[%add3A, %dma_wait3A_200, %dma_wait3A_201] : memref<32x4x128xi32, #tpu.memory_space<hbm>> -> memref<1x4x128xi32, #tpu.memory_space<hbm>>
      %dma_wait3A_203 = tpu.memref_squeeze %dma_wait3A_202 : memref<1x4x128xi32, #tpu.memory_space<hbm>> -> memref<4x128xi32, #tpu.memory_space<hbm>>
      %dma_wait3A_204 = arith.constant 0 : i32
      %dma_wait3A_205 = arith.constant 0 : i32
      %dma_wait3A_206 = tpu.memref_slice %arg2[%add3A, %dma_wait3A_204, %dma_wait3A_205] : memref<32x4x128xi32, #tpu.memory_space<hbm>> -> memref<1x4x128xi32, #tpu.memory_space<hbm>>
      %dma_wait3A_207 = tpu.memref_squeeze %dma_wait3A_206 : memref<1x4x128xi32, #tpu.memory_space<hbm>> -> memref<4x128xi32, #tpu.memory_space<hbm>>
      tpu.wait_dma2 semaphore(%run_scoped3A : memref<!tpu.dma_semaphore, #tpu.memory_space<semaphore_mem>>) src(%dma_wait3A_207 : memref<4x128xi32, #tpu.memory_space<hbm>>) dst(%arg5 : memref<4x128xi32, #tpu.memory_space<vmem>>)
      tpu.yield
    }) : () -> ()
    %dma_start3A = arith.constant 0 : i32
    %dma_start3A_1 = arith.constant 0 : i32
    %dma_start3A_2 = tpu.memref_slice %arg6[%dma_start3A_1] : memref<512xf32, #tpu.memory_space<vmem>> -> memref<128xf32, #tpu.memory_space<vmem>>
    %dma_start3A_3 = arith.constant 0 : i32
    %dma_start3A_4 = tpu.memref_slice %arg5[%dma_start3A, %dma_start3A_3] : memref<4x128xi32, #tpu.memory_space<vmem>> -> memref<1x128xi32, #tpu.memory_space<vmem>>
    %dma_start3A_5 = tpu.memref_squeeze %dma_start3A_4 : memref<1x128xi32, #tpu.memory_space<vmem>> -> memref<128xi32, #tpu.memory_space<vmem>>
    %dma_start3A_6 = arith.constant 0 : i32
    %dma_start3A_7 = tpu.memref_slice %arg3[%dma_start3A_6] : memref<8192xf32, #tpu.memory_space<hbm>> -> memref<8192xf32, #tpu.memory_space<hbm>>
    tpu.enqueue_indirect_dma source(%dma_start3A_7 : memref<8192xf32, #tpu.memory_space<hbm>>) target(%dma_start3A_2 : memref<128xf32, #tpu.memory_space<vmem>>) offsets(%dma_start3A_5 : memref<128xi32, #tpu.memory_space<vmem>>) semaphore(%arg8 : memref<!tpu.dma_semaphore, #tpu.memory_space<semaphore_mem>>)
    %dma_start3A_8 = arith.constant 1 : i32
    %dma_start3A_9 = arith.constant 128 : i32
    %dma_start3A_10 = tpu.memref_slice %arg6[%dma_start3A_9] : memref<512xf32, #tpu.memory_space<vmem>> -> memref<128xf32, #tpu.memory_space<vmem>>
    %dma_start3A_11 = arith.constant 0 : i32
    %dma_start3A_12 = tpu.memref_slice %arg5[%dma_start3A_8, %dma_start3A_11] : memref<4x128xi32, #tpu.memory_space<vmem>> -> memref<1x128xi32, #tpu.memory_space<vmem>>
    %dma_start3A_13 = tpu.memref_squeeze %dma_start3A_12 : memref<1x128xi32, #tpu.memory_space<vmem>> -> memref<128xi32, #tpu.memory_space<vmem>>
    %dma_start3A_14 = arith.constant 0 : i32
    %dma_start3A_15 = tpu.memref_slice %arg3[%dma_start3A_14] : memref<8192xf32, #tpu.memory_space<hbm>> -> memref<8192xf32, #tpu.memory_space<hbm>>
    tpu.enqueue_indirect_dma source(%dma_start3A_15 : memref<8192xf32, #tpu.memory_space<hbm>>) target(%dma_start3A_10 : memref<128xf32, #tpu.memory_space<vmem>>) offsets(%dma_start3A_13 : memref<128xi32, #tpu.memory_space<vmem>>) semaphore(%arg8 : memref<!tpu.dma_semaphore, #tpu.memory_space<semaphore_mem>>)
    %dma_start3A_16 = arith.constant 2 : i32
    %dma_start3A_17 = arith.constant 256 : i32
    %dma_start3A_18 = tpu.memref_slice %arg6[%dma_start3A_17] : memref<512xf32, #tpu.memory_space<vmem>> -> memref<128xf32, #tpu.memory_space<vmem>>
    %dma_start3A_19 = arith.constant 0 : i32
    %dma_start3A_20 = tpu.memref_slice %arg5[%dma_start3A_16, %dma_start3A_19] : memref<4x128xi32, #tpu.memory_space<vmem>> -> memref<1x128xi32, #tpu.memory_space<vmem>>
    %dma_start3A_21 = tpu.memref_squeeze %dma_start3A_20 : memref<1x128xi32, #tpu.memory_space<vmem>> -> memref<128xi32, #tpu.memory_space<vmem>>
    %dma_start3A_22 = arith.constant 0 : i32
    %dma_start3A_23 = tpu.memref_slice %arg3[%dma_start3A_22] : memref<8192xf32, #tpu.memory_space<hbm>> -> memref<8192xf32, #tpu.memory_space<hbm>>
    tpu.enqueue_indirect_dma source(%dma_start3A_23 : memref<8192xf32, #tpu.memory_space<hbm>>) target(%dma_start3A_18 : memref<128xf32, #tpu.memory_space<vmem>>) offsets(%dma_start3A_21 : memref<128xi32, #tpu.memory_space<vmem>>) semaphore(%arg8 : memref<!tpu.dma_semaphore, #tpu.memory_space<semaphore_mem>>)
    %dma_start3A_24 = arith.constant 3 : i32
    %dma_start3A_25 = arith.constant 384 : i32
    %dma_start3A_26 = tpu.memref_slice %arg6[%dma_start3A_25] : memref<512xf32, #tpu.memory_space<vmem>> -> memref<128xf32, #tpu.memory_space<vmem>>
    %dma_start3A_27 = arith.constant 0 : i32
    %dma_start3A_28 = tpu.memref_slice %arg5[%dma_start3A_24, %dma_start3A_27] : memref<4x128xi32, #tpu.memory_space<vmem>> -> memref<1x128xi32, #tpu.memory_space<vmem>>
    %dma_start3A_29 = tpu.memref_squeeze %dma_start3A_28 : memref<1x128xi32, #tpu.memory_space<vmem>> -> memref<128xi32, #tpu.memory_space<vmem>>
    %dma_start3A_30 = arith.constant 0 : i32
    %dma_start3A_31 = tpu.memref_slice %arg3[%dma_start3A_30] : memref<8192xf32, #tpu.memory_space<hbm>> -> memref<8192xf32, #tpu.memory_space<hbm>>
    tpu.enqueue_indirect_dma source(%dma_start3A_31 : memref<8192xf32, #tpu.memory_space<hbm>>) target(%dma_start3A_26 : memref<128xf32, #tpu.memory_space<vmem>>) offsets(%dma_start3A_29 : memref<128xi32, #tpu.memory_space<vmem>>) semaphore(%arg8 : memref<!tpu.dma_semaphore, #tpu.memory_space<semaphore_mem>>)
    %dma_wait3A = arith.constant 0 : i32
    %dma_wait3A_32 = arith.constant 0 : i32
    %dma_wait3A_33 = tpu.memref_slice %arg6[%dma_wait3A_32] : memref<512xf32, #tpu.memory_space<vmem>> -> memref<128xf32, #tpu.memory_space<vmem>>
    %dma_wait3A_34 = arith.constant 0 : i32
    %dma_wait3A_35 = tpu.memref_slice %arg5[%dma_wait3A, %dma_wait3A_34] : memref<4x128xi32, #tpu.memory_space<vmem>> -> memref<1x128xi32, #tpu.memory_space<vmem>>
    %dma_wait3A_36 = tpu.memref_squeeze %dma_wait3A_35 : memref<1x128xi32, #tpu.memory_space<vmem>> -> memref<128xi32, #tpu.memory_space<vmem>>
    %dma_wait3A_37 = arith.constant 0 : i32
    %dma_wait3A_38 = tpu.memref_slice %arg3[%dma_wait3A_37] : memref<8192xf32, #tpu.memory_space<hbm>> -> memref<8192xf32, #tpu.memory_space<hbm>>
    tpu.wait_indirect_dma semaphore(%arg8 : memref<!tpu.dma_semaphore, #tpu.memory_space<semaphore_mem>>) src(%dma_wait3A_38 : memref<8192xf32, #tpu.memory_space<hbm>>) dst(%dma_wait3A_33 : memref<128xf32, #tpu.memory_space<vmem>>)
    %dma_wait3A_39 = arith.constant 1 : i32
    %dma_wait3A_40 = arith.constant 128 : i32
    %dma_wait3A_41 = tpu.memref_slice %arg6[%dma_wait3A_40] : memref<512xf32, #tpu.memory_space<vmem>> -> memref<128xf32, #tpu.memory_space<vmem>>
    %dma_wait3A_42 = arith.constant 0 : i32
    %dma_wait3A_43 = tpu.memref_slice %arg5[%dma_wait3A_39, %dma_wait3A_42] : memref<4x128xi32, #tpu.memory_space<vmem>> -> memref<1x128xi32, #tpu.memory_space<vmem>>
    %dma_wait3A_44 = tpu.memref_squeeze %dma_wait3A_43 : memref<1x128xi32, #tpu.memory_space<vmem>> -> memref<128xi32, #tpu.memory_space<vmem>>
    %dma_wait3A_45 = arith.constant 0 : i32
    %dma_wait3A_46 = tpu.memref_slice %arg3[%dma_wait3A_45] : memref<8192xf32, #tpu.memory_space<hbm>> -> memref<8192xf32, #tpu.memory_space<hbm>>
    tpu.wait_indirect_dma semaphore(%arg8 : memref<!tpu.dma_semaphore, #tpu.memory_space<semaphore_mem>>) src(%dma_wait3A_46 : memref<8192xf32, #tpu.memory_space<hbm>>) dst(%dma_wait3A_41 : memref<128xf32, #tpu.memory_space<vmem>>)
    %dma_wait3A_47 = arith.constant 2 : i32
    %dma_wait3A_48 = arith.constant 256 : i32
    %dma_wait3A_49 = tpu.memref_slice %arg6[%dma_wait3A_48] : memref<512xf32, #tpu.memory_space<vmem>> -> memref<128xf32, #tpu.memory_space<vmem>>
    %dma_wait3A_50 = arith.constant 0 : i32
    %dma_wait3A_51 = tpu.memref_slice %arg5[%dma_wait3A_47, %dma_wait3A_50] : memref<4x128xi32, #tpu.memory_space<vmem>> -> memref<1x128xi32, #tpu.memory_space<vmem>>
    %dma_wait3A_52 = tpu.memref_squeeze %dma_wait3A_51 : memref<1x128xi32, #tpu.memory_space<vmem>> -> memref<128xi32, #tpu.memory_space<vmem>>
    %dma_wait3A_53 = arith.constant 0 : i32
    %dma_wait3A_54 = tpu.memref_slice %arg3[%dma_wait3A_53] : memref<8192xf32, #tpu.memory_space<hbm>> -> memref<8192xf32, #tpu.memory_space<hbm>>
    tpu.wait_indirect_dma semaphore(%arg8 : memref<!tpu.dma_semaphore, #tpu.memory_space<semaphore_mem>>) src(%dma_wait3A_54 : memref<8192xf32, #tpu.memory_space<hbm>>) dst(%dma_wait3A_49 : memref<128xf32, #tpu.memory_space<vmem>>)
    %dma_wait3A_55 = arith.constant 3 : i32
    %dma_wait3A_56 = arith.constant 384 : i32
    %dma_wait3A_57 = tpu.memref_slice %arg6[%dma_wait3A_56] : memref<512xf32, #tpu.memory_space<vmem>> -> memref<128xf32, #tpu.memory_space<vmem>>
    %dma_wait3A_58 = arith.constant 0 : i32
    %dma_wait3A_59 = tpu.memref_slice %arg5[%dma_wait3A_55, %dma_wait3A_58] : memref<4x128xi32, #tpu.memory_space<vmem>> -> memref<1x128xi32, #tpu.memory_space<vmem>>
    %dma_wait3A_60 = tpu.memref_squeeze %dma_wait3A_59 : memref<1x128xi32, #tpu.memory_space<vmem>> -> memref<128xi32, #tpu.memory_space<vmem>>
    %dma_wait3A_61 = arith.constant 0 : i32
    %dma_wait3A_62 = tpu.memref_slice %arg3[%dma_wait3A_61] : memref<8192xf32, #tpu.memory_space<hbm>> -> memref<8192xf32, #tpu.memory_space<hbm>>
    tpu.wait_indirect_dma semaphore(%arg8 : memref<!tpu.dma_semaphore, #tpu.memory_space<semaphore_mem>>) src(%dma_wait3A_62 : memref<8192xf32, #tpu.memory_space<hbm>>) dst(%dma_wait3A_57 : memref<128xf32, #tpu.memory_space<vmem>>)
    %broadcast_in_dim3A = arith.constant 0.000000e+00 : f32
    %broadcast_in_dim3A_63 = vector.broadcast %broadcast_in_dim3A : f32 to vector<16xf32>
    %get3A = arith.constant 0 : index
    %get3A_64 = tpu.vector_load %arg6[%get3A] {strides = array<i32>} : memref<512xf32, #tpu.memory_space<vmem>>, vector<16xf32>,
    %get3A_65 = vector.shape_cast %get3A_64 : vector<16xf32> to vector<16xf32>
    %add3A_66 = arith.addf %broadcast_in_dim3A_63, %get3A_65 : vector<16xf32>
    %get3A_67 = arith.constant 16 : index
    %get3A_68 = tpu.vector_load %arg6[%get3A_67] {strides = array<i32>} : memref<512xf32, #tpu.memory_space<vmem>>, vector<16xf32>,
    %get3A_69 = vector.shape_cast %get3A_68 : vector<16xf32> to vector<16xf32>
    %add3A_70 = arith.addf %add3A_66, %get3A_69 : vector<16xf32>
    %get3A_71 = arith.constant 32 : index
    %get3A_72 = tpu.vector_load %arg6[%get3A_71] {strides = array<i32>} : memref<512xf32, #tpu.memory_space<vmem>>, vector<16xf32>,
    %get3A_73 = vector.shape_cast %get3A_72 : vector<16xf32> to vector<16xf32>
    %add3A_74 = arith.addf %add3A_70, %get3A_73 : vector<16xf32>
    %get3A_75 = arith.constant 48 : index
    %get3A_76 = tpu.vector_load %arg6[%get3A_75] {strides = array<i32>} : memref<512xf32, #tpu.memory_space<vmem>>, vector<16xf32>,
    %get3A_77 = vector.shape_cast %get3A_76 : vector<16xf32> to vector<16xf32>
    %add3A_78 = arith.addf %add3A_74, %get3A_77 : vector<16xf32>
    %get3A_79 = arith.constant 64 : index
    %get3A_80 = tpu.vector_load %arg6[%get3A_79] {strides = array<i32>} : memref<512xf32, #tpu.memory_space<vmem>>, vector<16xf32>,
    %get3A_81 = vector.shape_cast %get3A_80 : vector<16xf32> to vector<16xf32>
    %add3A_82 = arith.addf %add3A_78, %get3A_81 : vector<16xf32>
    %get3A_83 = arith.constant 80 : index
    %get3A_84 = tpu.vector_load %arg6[%get3A_83] {strides = array<i32>} : memref<512xf32, #tpu.memory_space<vmem>>, vector<16xf32>,
    %get3A_85 = vector.shape_cast %get3A_84 : vector<16xf32> to vector<16xf32>
    %add3A_86 = arith.addf %add3A_82, %get3A_85 : vector<16xf32>
    %get3A_87 = arith.constant 96 : index
    %get3A_88 = tpu.vector_load %arg6[%get3A_87] {strides = array<i32>} : memref<512xf32, #tpu.memory_space<vmem>>, vector<16xf32>,
    %get3A_89 = vector.shape_cast %get3A_88 : vector<16xf32> to vector<16xf32>
    %add3A_90 = arith.addf %add3A_86, %get3A_89 : vector<16xf32>
    %get3A_91 = arith.constant 112 : index
    %get3A_92 = tpu.vector_load %arg6[%get3A_91] {strides = array<i32>} : memref<512xf32, #tpu.memory_space<vmem>>, vector<16xf32>,
    %get3A_93 = vector.shape_cast %get3A_92 : vector<16xf32> to vector<16xf32>
    %add3A_94 = arith.addf %add3A_90, %get3A_93 : vector<16xf32>
    %get3A_95 = arith.constant 128 : index
    %get3A_96 = tpu.vector_load %arg6[%get3A_95] {strides = array<i32>} : memref<512xf32, #tpu.memory_space<vmem>>, vector<16xf32>,
    %get3A_97 = vector.shape_cast %get3A_96 : vector<16xf32> to vector<16xf32>
    %add3A_98 = arith.addf %add3A_94, %get3A_97 : vector<16xf32>
    %get3A_99 = arith.constant 144 : index
    %get3A_100 = tpu.vector_load %arg6[%get3A_99] {strides = array<i32>} : memref<512xf32, #tpu.memory_space<vmem>>, vector<16xf32>,
    %get3A_101 = vector.shape_cast %get3A_100 : vector<16xf32> to vector<16xf32>
    %add3A_102 = arith.addf %add3A_98, %get3A_101 : vector<16xf32>
    %get3A_103 = arith.constant 160 : index
    %get3A_104 = tpu.vector_load %arg6[%get3A_103] {strides = array<i32>} : memref<512xf32, #tpu.memory_space<vmem>>, vector<16xf32>,
    %get3A_105 = vector.shape_cast %get3A_104 : vector<16xf32> to vector<16xf32>
    %add3A_106 = arith.addf %add3A_102, %get3A_105 : vector<16xf32>
    %get3A_107 = arith.constant 176 : index
    %get3A_108 = tpu.vector_load %arg6[%get3A_107] {strides = array<i32>} : memref<512xf32, #tpu.memory_space<vmem>>, vector<16xf32>,
    %get3A_109 = vector.shape_cast %get3A_108 : vector<16xf32> to vector<16xf32>
    %add3A_110 = arith.addf %add3A_106, %get3A_109 : vector<16xf32>
    %get3A_111 = arith.constant 192 : index
    %get3A_112 = tpu.vector_load %arg6[%get3A_111] {strides = array<i32>} : memref<512xf32, #tpu.memory_space<vmem>>, vector<16xf32>,
    %get3A_113 = vector.shape_cast %get3A_112 : vector<16xf32> to vector<16xf32>
    %add3A_114 = arith.addf %add3A_110, %get3A_113 : vector<16xf32>
    %get3A_115 = arith.constant 208 : index
    %get3A_116 = tpu.vector_load %arg6[%get3A_115] {strides = array<i32>} : memref<512xf32, #tpu.memory_space<vmem>>, vector<16xf32>,
    %get3A_117 = vector.shape_cast %get3A_116 : vector<16xf32> to vector<16xf32>
    %add3A_118 = arith.addf %add3A_114, %get3A_117 : vector<16xf32>
    %get3A_119 = arith.constant 224 : index
    %get3A_120 = tpu.vector_load %arg6[%get3A_119] {strides = array<i32>} : memref<512xf32, #tpu.memory_space<vmem>>, vector<16xf32>,
    %get3A_121 = vector.shape_cast %get3A_120 : vector<16xf32> to vector<16xf32>
    %add3A_122 = arith.addf %add3A_118, %get3A_121 : vector<16xf32>
    %get3A_123 = arith.constant 240 : index
    %get3A_124 = tpu.vector_load %arg6[%get3A_123] {strides = array<i32>} : memref<512xf32, #tpu.memory_space<vmem>>, vector<16xf32>,
    %get3A_125 = vector.shape_cast %get3A_124 : vector<16xf32> to vector<16xf32>
    %add3A_126 = arith.addf %add3A_122, %get3A_125 : vector<16xf32>
    %get3A_127 = arith.constant 256 : index
    %get3A_128 = tpu.vector_load %arg6[%get3A_127] {strides = array<i32>} : memref<512xf32, #tpu.memory_space<vmem>>, vector<16xf32>,
    %get3A_129 = vector.shape_cast %get3A_128 : vector<16xf32> to vector<16xf32>
    %add3A_130 = arith.addf %add3A_126, %get3A_129 : vector<16xf32>
    %get3A_131 = arith.constant 272 : index
    %get3A_132 = tpu.vector_load %arg6[%get3A_131] {strides = array<i32>} : memref<512xf32, #tpu.memory_space<vmem>>, vector<16xf32>,
    %get3A_133 = vector.shape_cast %get3A_132 : vector<16xf32> to vector<16xf32>
    %add3A_134 = arith.addf %add3A_130, %get3A_133 : vector<16xf32>
    %get3A_135 = arith.constant 288 : index
    %get3A_136 = tpu.vector_load %arg6[%get3A_135] {strides = array<i32>} : memref<512xf32, #tpu.memory_space<vmem>>, vector<16xf32>,
    %get3A_137 = vector.shape_cast %get3A_136 : vector<16xf32> to vector<16xf32>
    %add3A_138 = arith.addf %add3A_134, %get3A_137 : vector<16xf32>
    %get3A_139 = arith.constant 304 : index
    %get3A_140 = tpu.vector_load %arg6[%get3A_139] {strides = array<i32>} : memref<512xf32, #tpu.memory_space<vmem>>, vector<16xf32>,
    %get3A_141 = vector.shape_cast %get3A_140 : vector<16xf32> to vector<16xf32>
    %add3A_142 = arith.addf %add3A_138, %get3A_141 : vector<16xf32>
    %get3A_143 = arith.constant 320 : index
    %get3A_144 = tpu.vector_load %arg6[%get3A_143] {strides = array<i32>} : memref<512xf32, #tpu.memory_space<vmem>>, vector<16xf32>,
    %get3A_145 = vector.shape_cast %get3A_144 : vector<16xf32> to vector<16xf32>
    %add3A_146 = arith.addf %add3A_142, %get3A_145 : vector<16xf32>
    %get3A_147 = arith.constant 336 : index
    %get3A_148 = tpu.vector_load %arg6[%get3A_147] {strides = array<i32>} : memref<512xf32, #tpu.memory_space<vmem>>, vector<16xf32>,
    %get3A_149 = vector.shape_cast %get3A_148 : vector<16xf32> to vector<16xf32>
    %add3A_150 = arith.addf %add3A_146, %get3A_149 : vector<16xf32>
    %get3A_151 = arith.constant 352 : index
    %get3A_152 = tpu.vector_load %arg6[%get3A_151] {strides = array<i32>} : memref<512xf32, #tpu.memory_space<vmem>>, vector<16xf32>,
    %get3A_153 = vector.shape_cast %get3A_152 : vector<16xf32> to vector<16xf32>
    %add3A_154 = arith.addf %add3A_150, %get3A_153 : vector<16xf32>
    %get3A_155 = arith.constant 368 : index
    %get3A_156 = tpu.vector_load %arg6[%get3A_155] {strides = array<i32>} : memref<512xf32, #tpu.memory_space<vmem>>, vector<16xf32>,
    %get3A_157 = vector.shape_cast %get3A_156 : vector<16xf32> to vector<16xf32>
    %add3A_158 = arith.addf %add3A_154, %get3A_157 : vector<16xf32>
    %get3A_159 = arith.constant 384 : index
    %get3A_160 = tpu.vector_load %arg6[%get3A_159] {strides = array<i32>} : memref<512xf32, #tpu.memory_space<vmem>>, vector<16xf32>,
    %get3A_161 = vector.shape_cast %get3A_160 : vector<16xf32> to vector<16xf32>
    %add3A_162 = arith.addf %add3A_158, %get3A_161 : vector<16xf32>
    %get3A_163 = arith.constant 400 : index
    %get3A_164 = tpu.vector_load %arg6[%get3A_163] {strides = array<i32>} : memref<512xf32, #tpu.memory_space<vmem>>, vector<16xf32>,
    %get3A_165 = vector.shape_cast %get3A_164 : vector<16xf32> to vector<16xf32>
    %add3A_166 = arith.addf %add3A_162, %get3A_165 : vector<16xf32>
    %get3A_167 = arith.constant 416 : index
    %get3A_168 = tpu.vector_load %arg6[%get3A_167] {strides = array<i32>} : memref<512xf32, #tpu.memory_space<vmem>>, vector<16xf32>,
    %get3A_169 = vector.shape_cast %get3A_168 : vector<16xf32> to vector<16xf32>
    %add3A_170 = arith.addf %add3A_166, %get3A_169 : vector<16xf32>
    %get3A_171 = arith.constant 432 : index
    %get3A_172 = tpu.vector_load %arg6[%get3A_171] {strides = array<i32>} : memref<512xf32, #tpu.memory_space<vmem>>, vector<16xf32>,
    %get3A_173 = vector.shape_cast %get3A_172 : vector<16xf32> to vector<16xf32>
    %add3A_174 = arith.addf %add3A_170, %get3A_173 : vector<16xf32>
    %get3A_175 = arith.constant 448 : index
    %get3A_176 = tpu.vector_load %arg6[%get3A_175] {strides = array<i32>} : memref<512xf32, #tpu.memory_space<vmem>>, vector<16xf32>,
    %get3A_177 = vector.shape_cast %get3A_176 : vector<16xf32> to vector<16xf32>
    %add3A_178 = arith.addf %add3A_174, %get3A_177 : vector<16xf32>
    %get3A_179 = arith.constant 464 : index
    %get3A_180 = tpu.vector_load %arg6[%get3A_179] {strides = array<i32>} : memref<512xf32, #tpu.memory_space<vmem>>, vector<16xf32>,
    %get3A_181 = vector.shape_cast %get3A_180 : vector<16xf32> to vector<16xf32>
    %add3A_182 = arith.addf %add3A_178, %get3A_181 : vector<16xf32>
    %get3A_183 = arith.constant 480 : index
    %get3A_184 = tpu.vector_load %arg6[%get3A_183] {strides = array<i32>} : memref<512xf32, #tpu.memory_space<vmem>>, vector<16xf32>,
    %get3A_185 = vector.shape_cast %get3A_184 : vector<16xf32> to vector<16xf32>
    %add3A_186 = arith.addf %add3A_182, %get3A_185 : vector<16xf32>
    %get3A_187 = arith.constant 496 : index
    %get3A_188 = tpu.vector_load %arg6[%get3A_187] {strides = array<i32>} : memref<512xf32, #tpu.memory_space<vmem>>, vector<16xf32>,
    %get3A_189 = vector.shape_cast %get3A_188 : vector<16xf32> to vector<16xf32>
    %add3A_190 = arith.addf %add3A_186, %get3A_189 : vector<16xf32>
    %swap3A = arith.constant 0 : index
    %swap3A_191 = tpu.vector_load %arg7[%swap3A] {strides = array<i32>} : memref<16xf32, #tpu.memory_space<vmem>>, vector<16xf32>,
    tpu.vector_store %arg7[%swap3A], %add3A_190 {strides = array<i32>} : memref<16xf32, #tpu.memory_space<vmem>>, vector<16xf32>,
    "tpu.region"() ({
      %run_scoped3A = tpu.sem_alloc : memref<!tpu.dma_semaphore, #tpu.memory_space<semaphore_mem>>
      %dma_start3A_192 = arith.constant 0 : i32
      %dma_start3A_193 = tpu.memref_slice %arg4[%add3A, %dma_start3A_192] : memref<32x16xf32, #tpu.memory_space<hbm>> -> memref<1x16xf32, #tpu.memory_space<hbm>>
      %dma_start3A_194 = tpu.memref_squeeze %dma_start3A_193 : memref<1x16xf32, #tpu.memory_space<hbm>> -> memref<16xf32, #tpu.memory_space<hbm>>
      %dma_start3A_195 = arith.constant 0 : i32
      %dma_start3A_196 = tpu.memref_slice %arg4[%add3A, %dma_start3A_195] : memref<32x16xf32, #tpu.memory_space<hbm>> -> memref<1x16xf32, #tpu.memory_space<hbm>>
      %dma_start3A_197 = tpu.memref_squeeze %dma_start3A_196 : memref<1x16xf32, #tpu.memory_space<hbm>> -> memref<16xf32, #tpu.memory_space<hbm>>
      tpu.enqueue_dma source(%arg7 : memref<16xf32, #tpu.memory_space<vmem>>) target(%dma_start3A_197 : memref<16xf32, #tpu.memory_space<hbm>>) target_semaphore(%run_scoped3A : memref<!tpu.dma_semaphore, #tpu.memory_space<semaphore_mem>>)
      %dma_wait3A_198 = arith.constant 0 : i32
      %dma_wait3A_199 = tpu.memref_slice %arg4[%add3A, %dma_wait3A_198] : memref<32x16xf32, #tpu.memory_space<hbm>> -> memref<1x16xf32, #tpu.memory_space<hbm>>
      %dma_wait3A_200 = tpu.memref_squeeze %dma_wait3A_199 : memref<1x16xf32, #tpu.memory_space<hbm>> -> memref<16xf32, #tpu.memory_space<hbm>>
      %dma_wait3A_201 = arith.constant 0 : i32
      %dma_wait3A_202 = tpu.memref_slice %arg4[%add3A, %dma_wait3A_201] : memref<32x16xf32, #tpu.memory_space<hbm>> -> memref<1x16xf32, #tpu.memory_space<hbm>>
      %dma_wait3A_203 = tpu.memref_squeeze %dma_wait3A_202 : memref<1x16xf32, #tpu.memory_space<hbm>> -> memref<16xf32, #tpu.memory_space<hbm>>
      tpu.wait_dma2 semaphore(%run_scoped3A : memref<!tpu.dma_semaphore, #tpu.memory_space<semaphore_mem>>) src(%arg7 : memref<16xf32, #tpu.memory_space<vmem>>) dst(%dma_wait3A_203 : memref<16xf32, #tpu.memory_space<hbm>>)
      tpu.yield
    }) : () -> ()
    return
  }
}

module attributes {stable_mosaic.version = 14 : i64} {
  func.func @_lse_body(%arg0: i32, %arg1: memref<32x16xi32, #tpu.memory_space<vmem>>, %arg2: memref<256x8192xf32, #tpu.memory_space<vmem>>, %arg3: memref<256x1xf32, #tpu.memory_space<vmem>>) attributes {dimension_semantics = [#tpu.dimension_semantics<arbitrary>], iteration_bounds = array<i64: 32>, scalar_prefetch = 0 : i64, scratch_operands = 0 : i64, tpu.core_type = #tpu.core_type<tc>, window_params = [{pipeline_mode = #tpu.pipeline_mode<synchronous>, transform_indices = @transform_0, window_bounds = array<i64: 32, 16>}, {transform_indices = @transform_1, window_bounds = array<i64: 256, 8192>}, {transform_indices = @transform_2, window_bounds = array<i64: 256, 1>}]} {
    %get3A = arith.constant 0 : index
    %get3A_0 = arith.constant 0 : index
    %get3A_1 = vector.load %arg2[%get3A, %get3A_0] : memref<256x8192xf32, #tpu.memory_space<vmem>>, vector<256x8192xf32>
    %reduce_max3A = arith.constant dense<0xFF800000> : vector<256xf32>
    %reduce_max3A_2 = vector.multi_reduction <maximumf>, %get3A_1, %reduce_max3A [1] : vector<256x8192xf32> to vector<256xf32>
    %broadcast_in_dim3A = vector.shape_cast %reduce_max3A_2 : vector<256xf32> to vector<256x1xf32>
    %sub3A = vector.broadcast %broadcast_in_dim3A : vector<256x1xf32> to vector<256x8192xf32>
    %sub3A_3 = arith.subf %get3A_1, %sub3A : vector<256x8192xf32>
    %exp3A = math.exp %sub3A_3 : vector<256x8192xf32>
    %reduce_sum3A = arith.constant dense<0.000000e+00> : vector<256xf32>
    %reduce_sum3A_4 = vector.multi_reduction <add>, %exp3A, %reduce_sum3A [1] : vector<256x8192xf32> to vector<256xf32>
    %broadcast_in_dim3A_5 = vector.shape_cast %reduce_sum3A_4 : vector<256xf32> to vector<256x1xf32>
    %log3A = math.log %broadcast_in_dim3A_5 : vector<256x1xf32>
    %add3A = arith.addf %broadcast_in_dim3A, %log3A : vector<256x1xf32>
    %swap3A = arith.constant 0 : index
    %swap3A_6 = arith.constant 0 : index
    %swap3A_7 = vector.load %arg3[%swap3A, %swap3A_6] : memref<256x1xf32, #tpu.memory_space<vmem>>, vector<256x1xf32>
    tpu.vector_store %arg3[%swap3A, %swap3A_6], %add3A {strides = array<i32>} : memref<256x1xf32, #tpu.memory_space<vmem>>, vector<256x1xf32>,
    return
  }
  func.func @transform_0(%arg0: i32) -> (i32, i32) {
    %c0_i32 = arith.constant 0 : i32
    %c0_i32_0 = arith.constant 0 : i32
    %c0_i32_1 = arith.constant 0 : i32
    return %c0_i32, %c0_i32_0 : i32, i32
  }
  func.func @transform_1(%arg0: i32) -> (i32, i32) {
    %c0_i32 = arith.constant 0 : i32
    %c0_i32_0 = arith.constant 0 : i32
    return %arg0, %c0_i32 : i32, i32
  }
  func.func @transform_2(%arg0: i32) -> (i32, i32) {
    %c0_i32 = arith.constant 0 : i32
    %c0_i32_0 = arith.constant 0 : i32
    return %arg0, %c0_i32 : i32, i32
  }
}

module attributes {stable_mosaic.version = 14 : i64} {
  func.func @_mean_body(%arg0: memref<32x16xf32, #tpu.memory_space<vmem>>, %arg1: memref<32x16xf32, #tpu.memory_space<vmem>>, %arg2: memref<1x1xf32, #tpu.memory_space<vmem>>) attributes {dimension_semantics = [], scalar_prefetch = 0 : i64, scratch_operands = 0 : i64, tpu.core_type = #tpu.core_type<tc>} {
    %get3A = arith.constant 0 : index
    %get3A_0 = arith.constant 0 : index
    %get3A_1 = vector.load %arg0[%get3A, %get3A_0] : memref<32x16xf32, #tpu.memory_space<vmem>>, vector<32x16xf32>
    %reduce_sum3A = vector.shape_cast %get3A_1 : vector<32x16xf32> to vector<1x32x16xf32>
    %reduce_sum3A_2 = arith.constant dense<0.000000e+00> : vector<1xf32>
    %reduce_sum3A_3 = vector.multi_reduction <add>, %reduce_sum3A, %reduce_sum3A_2 [1, 2] : vector<1x32x16xf32> to vector<1xf32>
    %reduce_sum3A_4 = vector.shape_cast %reduce_sum3A_3 : vector<1xf32> to vector<1x1x1xf32>
    %reduce_sum3A_5 = vector.extract %reduce_sum3A_4[0, 0, 0] : f32 from vector<1x1x1xf32>
    %get3A_6 = arith.constant 0 : index
    %get3A_7 = arith.constant 0 : index
    %get3A_8 = vector.load %arg1[%get3A_6, %get3A_7] : memref<32x16xf32, #tpu.memory_space<vmem>>, vector<32x16xf32>
    %reduce_sum3A_9 = vector.shape_cast %get3A_8 : vector<32x16xf32> to vector<1x32x16xf32>
    %reduce_sum3A_10 = arith.constant dense<0.000000e+00> : vector<1xf32>
    %reduce_sum3A_11 = vector.multi_reduction <add>, %reduce_sum3A_9, %reduce_sum3A_10 [1, 2] : vector<1x32x16xf32> to vector<1xf32>
    %reduce_sum3A_12 = vector.shape_cast %reduce_sum3A_11 : vector<1xf32> to vector<1x1x1xf32>
    %reduce_sum3A_13 = vector.extract %reduce_sum3A_12[0, 0, 0] : f32 from vector<1x1x1xf32>
    %sub3A = arith.subf %reduce_sum3A_5, %reduce_sum3A_13 : f32
    %div3A = arith.constant 1.638400e+04 : f32
    %div3A_14 = arith.divf %sub3A, %div3A : f32
    %broadcast_in_dim3A = vector.broadcast %div3A_14 : f32 to vector<1x1xf32>
    %swap3A = arith.constant 0 : index
    %swap3A_15 = arith.constant 0 : index
    %swap3A_16 = vector.load %arg2[%swap3A, %swap3A_15] : memref<1x1xf32, #tpu.memory_space<vmem>>, vector<1x1xf32>
    tpu.vector_store %arg2[%swap3A, %swap3A_15], %broadcast_in_dim3A {strides = array<i32>} : memref<1x1xf32, #tpu.memory_space<vmem>>, vector<1x1xf32>,
    return
  }
}

</mosaic_0001>

<sc_bundles>
// kernel: kernel.6.cloned.1.call-start
scs
__scs_entry_jumppad:
0x0: {  	(pc) =	sbr.rel $0x88, $3  }
0x1: {  	(tag) =	ssettag $0x0;
	lr =	simm.s32 $0x1  }
0x2: {  	[smem:$0x3F9E] =	sst lr;
	_ =	strace $0xD0000000  }
0x3: {  	_ = 	snop  }
0x4: {  	_ = 	snop  }
0x5: {  	_ = 	snop  }
0x6: {  	_ = 	snop  }
0x7: {  	_ = 	snop  }
__scs_overlays_trampoline_lowered:
0x8: {  	[smem:$0x3FAD] =	sst s0  }
0x9: {  	[smem:$0x3FAE] =	sst s1  }
0xa: {  	[smem:$0x3FAF] =	sst s2  }
0xb: {  	[smem:$0x3FB0] =	sst s3  }
0xc: {  	[smem:$0x3FB1] =	sst s4  }
0xd: {  	[smem:$0x3FB2] =	sst s5  }
0xe: {  	[smem:$0x3FB3] =	sst s6  }
0xf: {  	[smem:$0x3FB4] =	sst s7  }
0x10: {  	[smem:$0x3FB5] =	sst s8  }
0x11: {  	[smem:$0x3FB6] =	sst s9;
	s0 =	simm.s32 @!p0 $0x0  }
0x12: {  	s1 =	sld [smem:$0x3F9C];
	s0 =	simm.s32 @p0 $0x1  }
0x13: {  	[smem:$0x3FB7] =	sst s0;
	s0 =	simm.s32 @!p1 $0x0  }
0x14: {  	s2 =	sld [smem:$0x3F9B];
	s0 =	simm.s32 @p1 $0x1  }
0x15: {  	[smem:$0x3FB8] =	sst s0;
	s0 =	simm.s32 @!p2 $0x0  }
0x16: {  	s3 =	sld [smem:$0x3FDB];
	s0 =	simm.s32 @p2 $0x1  }
0x17: {  	s4 =	simm.s32 $0x1BF5;
	[smem:$0x3FBA] =	sst s0  }
0x18: {  	s0 =	sld [smem:$0x3F9D];
	_ =	swait.ge [sflag:s4], $0x0  }
0x19: {  	s7 =	sld [smem:$0x3F9E]  }
0x1a: {  	s8 =	sadd.s32 $0xFFFFE003, lr  }
0x1b: {  	s9 =	sadd.s32 $0xFFFFFEF7, lr;
	s5 =	simm.s32 $0xFFFFFFFF;
	p2 =	slt.u32 s8, $0xFFFFF086  }
0x1c: {  	p1 =	slt.u32 s9, $0xF7A;
	s5 =	simm.s32 @!p2 $0x0  }
0x1d: {  	s5 =	simm.s32 @p1 $0x1;
	p0 =	seq.s32 s7, s2  }
0x1e: {  	s7 =	smul.u32 @!p0 $0xF7A, s2;
	p2 =	seq.s32 @!p0 s5, $0x0  }
0x1f: {  	s9 =	smul.u32 $0xF7A, s1;
	s8 =	simm.s32 @!p0 $0x1BF5;
	p2 =	por !p2, p0  }
0x20: {  	[sflag:s8] =	ssyncset.s32 @!p0 $0xFFFFF086;
	s6 =	sadd.s32 @!p0 s3, s7;
	s7 =	simm.s32 @!p0 $0x108  }
0x21: {  	s3 =	sadd.s32 s3, s9;
	s6 =	sadd.s32 @!p0 $0x88, s6;
	s7 =	simm.s32 @p2 $0x1082  }
0x22: {  	[simem:s7], [sflag:s8] =	dma.local @!p0 [hbm:s6], $0xF7A  }
0x23: {  	s9 =	sor.u32 $0xD0000000, s2;
	s6 =	simm.s32 $0x108;
	_ =	swait.ge @!p0 [sflag:s8], $0x0  }
0x24: {  	s3 =	sadd.s32 $0x88, s3;
	s6 =	simm.s32 @!p1 $0x1082;
	[sflag:s4] =	ssyncset.s32 $0xFFFFF086  }
0x25: {  	[simem:s6], [sflag:s4] =	dma.local [hbm:s3], $0xF7A  }
0x26: {  	[smem:$0x3F9E] =	sst s1;
	(tag) =	ssettag s2;
	_ =	strace s9  }
0x27: {  	s1 =	sld [smem:$0x3FAE]  }
0x28: {  	s2 =	sld [smem:$0x3FAF]  }
0x29: {  	s4 =	sld [smem:$0x3FB1]  }
0x2a: {  	p0 =	seq.s32 s5, $0x0;
	s5 =	sld [smem:$0x3FB2]  }
0x2b: {  	s6 =	sld [smem:$0x3FB3]  }
0x2c: {  	s7 =	sld [smem:$0x3FB4]  }
0x2d: {  	s3 =	simm.s32 $0x108;
	s8 =	sld [smem:$0x3FB5]  }
0x2e: {  	s3 =	simm.s32 @!p0 $0x1082;
	s9 =	sld [smem:$0x3FB6]  }
0x2f: {  	lr =	sadd.s32 s0, s3;
	s0 =	sld [smem:$0x3FAD]  }
0x30: {  	s3 =	sld [smem:$0x3FB0]  }
0x31: {  	[smem:$0x3FB9] =	sst s10  }
0x32: {  	s10 =	sld [smem:$0x3FB7];
	_ =	sdelay $0x3  }
0x33: {  	p0 =	seq.s32 s10, $0x1;
	s10 =	sld [smem:$0x3FB9];
	_ =	sdelay $0x3  }
0x34: {  	[smem:$0x3FB9] =	sst s10  }
0x35: {  	s10 =	sld [smem:$0x3FB8];
	_ =	sdelay $0x3  }
0x36: {  	p1 =	seq.s32 s10, $0x1;
	s10 =	sld [smem:$0x3FB9];
	_ =	sdelay $0x3  }
0x37: {  	[smem:$0x3FB9] =	sst s10  }
0x38: {  	s10 =	sld [smem:$0x3FBA]  }
0x39: {  	_ = 	snop;
	(pc) =	sbr.ind lr, $3  }
0x3a: {  	_ = 	snop  }
0x3b: {  	_ = 	snop  }
0x3c: {  	p2 =	seq.s32 s10, $0x1;
	s10 =	sld [smem:$0x3FB9]  }
0x3d: {  	_ =	shalt  }
0x3e: {  	_ =	shalt  }
0x3f: {  	_ =	shalt  }
0x40: {  	_ =	shalt  }
0x41: {  	_ =	shalt  }
0x42: {  	_ =	shalt  }
0x43: {  	_ =	shalt  }
0x44: {  	_ =	shalt  }
0x45: {  	_ =	shalt  }
0x46: {  	_ =	shalt  }
0x47: {  	_ =	shalt  }
0x48: {  	_ =	shalt  }
0x49: {  	_ =	shalt  }
0x4a: {  	_ =	shalt  }
0x4b: {  	_ =	shalt  }
0x4c: {  	_ =	shalt  }
0x4d: {  	_ =	shalt  }
0x4e: {  	_ =	shalt  }
0x4f: {  	_ =	shalt  }
0x50: {  	_ =	shalt  }
0x51: {  	_ =	shalt  }
0x52: {  	_ =	shalt  }
0x53: {  	_ =	shalt  }
0x54: {  	_ =	shalt  }
0x55: {  	_ =	shalt  }
0x56: {  	_ =	shalt  }
0x57: {  	_ =	shalt  }
0x58: {  	_ =	shalt  }
0x59: {  	_ =	shalt  }
0x5a: {  	_ =	shalt  }
0x5b: {  	_ =	shalt  }
0x5c: {  	_ =	shalt  }
0x5d: {  	_ =	shalt  }
0x5e: {  	_ =	shalt  }
0x5f: {  	_ =	shalt  }
0x60: {  	_ =	shalt  }
0x61: {  	_ =	shalt  }
0x62: {  	_ =	shalt  }
0x63: {  	_ =	shalt  }
0x64: {  	_ =	shalt  }
0x65: {  	_ =	shalt  }
0x66: {  	_ =	shalt  }
0x67: {  	_ =	shalt  }
0x68: {  	_ =	shalt  }
0x69: {  	_ =	shalt  }
0x6a: {  	_ =	shalt  }
0x6b: {  	_ =	shalt  }
0x6c: {  	_ =	shalt  }
0x6d: {  	_ =	shalt  }
0x6e: {  	_ =	shalt  }
0x6f: {  	_ =	shalt  }
0x70: {  	_ =	shalt  }
0x71: {  	_ =	shalt  }
0x72: {  	_ =	shalt  }
0x73: {  	_ =	shalt  }
0x74: {  	_ =	shalt  }
0x75: {  	_ =	shalt  }
0x76: {  	_ =	shalt  }
0x77: {  	_ =	shalt  }
0x78: {  	_ =	shalt  }
0x79: {  	_ =	shalt  }
0x7a: {  	_ =	shalt  }
0x7b: {  	_ =	shalt  }
0x7c: {  	_ =	shalt  }
0x7d: {  	_ =	shalt  }
0x7e: {  	_ =	shalt  }
0x7f: {  	_ =	shalt  }
0x80: {  	_ =	shalt  }
0x81: {  	_ =	shalt  }
0x82: {  	_ =	shalt  }
0x83: {  	_ =	shalt  }
0x84: {  	_ =	shalt  }
0x85: {  	_ =	shalt  }
0x86: {  	_ =	shalt  }
0x87: {  	_ =	shalt  }
.Lfunc_end0:
.L_simem_size_0:
called_computation_lowered:
.L_overlay_start_0:
0x88: {  	s2 =	sld [smem:$0x3FD9]  }
0x89: {  	s3 =	sld [smem:$0x3FFE];
	_ =	sdelay $0x1  }
0x8a: {  	s1 =	srdreg.scid  }
0x8b: {  	s0 =	sand.u32 $0x1, s1  }
0x8c: {  	s14 =	sshll.u32 s0, $0xA;
	s2 =	sadd.s32 s3, s2  }
0x8d: {  	s2 =	sadd.s32 s2, s14  }
0x8e: {  	[smem:$0x3FC5] =	sst s2  }
0x8f: {  	_ = 	snop  }
0x90: {  	s2 =	sld [smem:$0x3FD0];
	_ =	sdelay $0x2  }
0x91: {  	s4 =	simm.s32 $0xB;
	s5 =	simm.s32 $0x10;
	s15 =	sld [smem:$0x3FC7]  }
0x92: {  	[smem:s5], [sflag:s4] =	dma.local [hbm:s2], $0x1  }
0x93: {  	_ =	swait.eq [sflag:s4], $0x1  }
0x94: {  	[sflag:s4] =	ssyncset.done $0x0  }
0x95: {  	[sflag:s4] =	ssyncadd.s32 $0xFFFFFFFF  }
0x96: {  	s16 =	sld [smem:$0x10];
	(tm) =	ssettm $0x1  }
0x97: {  	s17 =	sld [smem:$0x3FFB];
	_ =	sdelay $0x3  }
0x98: {  	_ =	strace s17  }
0x99: {  	s4 =	sld [smem:$0x3FFC];
	_ =	sdelay $0x3  }
0x9a: {  	_ =	strace s4  }
0x9b: {  	s4 =	sld [smem:$0x3FFD];
	_ =	sdelay $0x3  }
0x9c: {  	_ =	strace s4  }
0x9d: {  	_ =	strace $0x8FFFFFFF  }
0x9e: {  	s18 =	sld [smem:$0x3FDB];
	_ =	sdelay $0x1  }
0x9f: {  	s19 =	simm.s32 $_scs_section_size  }
0xa0: {  	s6 =	simm.s32 $_size__tile_overlayer_lowered;
	s7 =	simm.s32 $_tile_overlayer_lowered  }
0xa1: {  	s22 =	simm.s32 $0x1BFF;
	s21 =	sshll.u32 s7, $0x1;
	s4 =	sadd.s32 s19, s18  }
0xa2: {  	s8 =	simm.s32 $0x0;
	s20 =	sshll.u32 s6, $0x1;
	s6 =	sadd.s32 s21, s4  }
0xa3: {  	[timem:s8], [sflag:s22] =	dma.local [hbm:s6], s20  }
0xa4: {  	_ =	swait.ge [sflag:s22], s20  }
0xa5: {  	s5 =	ssub.s32 $0x0, s20;
	[sflag:s22] =	ssyncset.done $0x0  }
0xa6: {  	[sflag:s22] =	ssyncadd.s32 s5;
	_ =	sdelay $0x1  }
0xa7: {  	s23 =	simm.s32 $0x1B8B  }
0xa8: {  	_ =	swait.ge [sflag:s23], $0x1  }
0xa9: {  	[sflag:s23] =	ssyncset.done $0x0  }
0xaa: {  	s25 =	simm.s32 $0x1B8E;
	s24 =	sld [smem:$0x3FFE];
	[sflag:s23] =	ssyncadd.s32 $0xFFFFFFFF  }
0xab: {  	s26 =	simm.s32 $execute0_lowered;
	[smem:$0x3FD2] =	sst s25  }
0xac: {  	s6 =	sshll.u32 s26, $0x1;
	_ =	strace $0x80000046;
	[dreg:$0x1] =	wrdreg $0xFFFFFFFF  }
0xad: {  	s28 =	simm.s32 $_size_execute0_lowered;
	s4 =	sadd.s32 s4, s6;
	[dreg:$0x0] =	wrdreg $0x0  }
0xae: {  	s6 =	sshll.u32 s28, $0x1;
	[dreg:$0x2] =	wrdreg s4  }
0xaf: {  	[dreg:$0x3] =	wrdreg s6  }
0xb0: {  	[dreg:$0x4] =	wrdreg $0xC0  }
0xb1: {  	_ =	task [dreg:s8], $0x5FFFF  }
0xb2: {  	[dreg:$0x1] =	wrdreg $0xFFFFFFFF  }
0xb3: {  	[dreg:$0x0] =	wrdreg $0x60  }
0xb4: {  	[dreg:$0x2] =	wrdreg s24  }
0xb5: {  	[dreg:$0x3] =	wrdreg s15  }
0xb6: {  	[dreg:$0x4] =	wrdreg s16  }
0xb7: {  	[dreg:$0x5] =	wrdreg $0x9  }
0xb8: {  	_ =	task.clear_ibuf [dreg:s8], $0x6FFFF;
	_ =	strace $0x90000046  }
0xb9: {  	s29 =	simm.s32 $0x9;
	_ =	strace $0x80000048  }
0xba: {  	_ =	swait.ge [sflag:s29], $0x1  }
0xbb: {  	[sflag:s29] =	ssyncadd.s32 $0xFFFFFFFF  }
0xbc: {  	_ =	strace $0x90000048  }
0xbd: {  	_ =	sfence  }
0xbe: {  	s30 =	sld [smem:$0x0];
	_ =	sdelay $0x2  }
0xbf: {  	s31 =	sshll.u32 s1, $0xD;
	s1 =	sshrl.u32 s1, $0x2  }
0xc0: {  	s3 =	sand.u32 $0x4000, s31;
	s1 =	sadd.s32 s1, s30  }
0xc1: {  	s0 =	sor.u32 s3, s0;
	s1 =	sshll.u32 s1, $0x11  }
0xc2: {  	s0 =	sor.u32 s1, s0  }
0xc3: {  	s0 =	sadd.s32 $0x8F2B, s0  }
0xc4: {  	[sflag:s0] =	ssyncadd.remote.s32 $0x1  }
0xc5: {  	_ =	sfence.sel $0xFFFF  }
0xc6: {  	[dreg:$0x0] =	wrdreg $0xFFFFFFFF;
	(pc) =	sbr.abs _section_cstart, $3  }
0xc7: {  	[dreg:$0x1] =	wrdreg $0xFFFFFFFF  }
0xc8: {  	_ =	task.clear_ibuf [dreg:s8], $0x2FFFF;
	_ =	strace $0x9FFFFFFF  }
0xc9: {  	(tm) =	ssettm $0x7FFFFFFF  }
tec
execute0_lowered:
.L_overlay_start_1:
0x0: {  	(tag) =	ssettag $0x1  }
0x1: {  	s0 =	rddreg [dreg:$0x0]  }
0x2: {  	s1 =	rddreg [dreg:$0x1]  }
0x3: {  	s3 =	rddreg [dreg:$0x2];
	s4 =	simm.s32 $0x0  }
0x4: {  	s2 =	srdreg.scid;
	s6 =	stileid.u32;
	s20 =	simm.s32 $0x5  }
0x5: {  	s23 =	simm.s32 $0x4000;
	s19 =	simm.s32 $0x2;
	s24 =	simm.s32 $0x4  }
0x6: {  	[smem:$0x7FF] =	sst s4;
	s2 =	sand.u32 $0x1, s2;
	s5 =	sshll.u32 s6, $0x1  }
0x7: {  	s6 =	sshrl.u32 s6, $0x2;
	s10 =	sadd.s32 $0x400, s1;
	s11 =	sadd.s32 $0x800, s1  }
0x8: {  	s12 =	sadd.s32 $0xC00, s1;
	s13 =	sadd.s32 $0x1000, s1;
	s14 =	sadd.s32 $0x1400, s1  }
0x9: {  	_ =	strace $0x80000047;
	s5 =	sor.u32 s2, s5;
	s8 =	smul.u32 $0x1400, s6  }
0xa: {  	s2 =	ssub.s32 $0x2, s2;
	s7 =	sshll.u32 s5, $0xC;
	s5 =	sshll.u32 s5, $0x7  }
0xb: {  	s6 =	sshll.u32 s6, $0xA;
	s25 =	sshrl.u32 s2, $0x1;
	s5 =	sand.u32 $0x380, s5  }
0xc: {  	s7 =	sadd.s32 s7, s0;
	s2 =	ssub.s32 s2, s25;
	s6 =	sor.u32 s6, s5  }
0xd: {  	s5 =	sor.u32 s8, s5;
	s26 =	sadd.s32 $0xA00, s7;
	s31 =	smax.u32 s2, $0x1  }
0xe: {  	s6 =	sshrl.u32 s6, $0x3;
	s5 =	sshrl.u32 s5, $0x3;
	[dreg:$0x5] =	wrdreg s26  }
0xf: {  	[dreg:$0xa] =	wrdreg s31;
	s6 =	sadd.s32 s6, s0;
	s0 =	sadd.s32 s0, s5  }
.Ltmp0:
0x10: {  	s28 =	sadd.s32 $0x20A00, s0;
	[dreg:$0x4] =	wrdreg s0;
	(pc) =	sbr.rel .LBB2_1-.Ltmp0, $4  }
0x11: {  	s15 =	sadd.s32 $0x1800, s1;
	s0 =	sadd.s32 $0x21400, s0;
	[dreg:$0x6] =	wrdreg s28  }
0x12: {  	v1 =	vlaneseq.u32;
	s16 =	sadd.s32 $0x1C00, s1;
	s29 =	sadd.s32 $0x21E00, s6;
	[dreg:$0x7] =	wrdreg s0  }
0x13: {  	v0 =	vand.u32 $0x1, v1;
	v1 =	vshrl.u32 v1, $0x1;
	s2 =	simm.s32 $0x3;
	s30 =	sadd.s32 $0x22000, s6;
	[dreg:$0x8] =	wrdreg s29  }
0x14: {  	vm0 =	vmmov $0xffff;
	vm1 =	vmmov $0x1;
	v1 =	vmul.u32 $0x8, v1;
	s26 =	simm.s32 $0x0;
	[dreg:$0x9] =	wrdreg s30;
	s0 =	simm.s32 $0x1  }
.LBB2_28:
0x15: {  	[tilespmem:$0x10800] =	vst v2;
	s5 =	rddreg [dreg:$0x9];
	s6 =	simm.s32 $0x10800  }
0x16: {  	[hbm4b:s5+s4] =	stream.linear.scatter [tilespmem:s6], [sflag:$0x5], $0x80, $0x38;
	[tilespmem:$0x10880] =	vst v63  }
0x17: {  	_ =	swait.ge [sflag:s20], $0x80  }
0x18: {  	s26 =	sadd.s32 $0x1, s26;
	s31 =	rddreg [dreg:$0xa]  }
0x19: {  	p0 =	sne.s32 s26, s31  }
.Ltmp1:
0x1a: {  	_ = 	snop;
	(pc) =	sbr.rel @!p0 .LBB2_29-.Ltmp1, $3  }
0x1b: {  	_ =	sdelay $0x1  }
0x1c: {  	[sflag:s20] =	ssyncset.done $0x0  }
0x1d: {  	[sflag:s20] =	ssyncadd.s32 $0xFFFFFF80  }
.LBB2_1:
0x1e: {  	s5 =	rddreg [dreg:$0x5];
	s6 =	simm.s32 $0x8000  }
0x1f: {  	[tilespmem:s6], [sflag:$0x5] =	stream.linear.gather [hbm4b:s5+s4], $0x8000, $0x38;
	[tilespmem:$0x10880] =	vst v63  }
0x20: {  	_ =	swait.ge [sflag:s20], $0x8000  }
0x21: {  	s9 =	simm.s32 $0x80;
	s7 =	simm.s32 $0x400;
	[sflag:s20] =	ssyncset.done $0x0  }
0x22: {  	s8 =	simm.s32 $0x10000;
	s6 =	rddreg [dreg:$0x4];
	[sflag:s20] =	ssyncadd.s32 $0xFFFF8000  }
0x23: {  	[tilespmem:s8], [sflag:$0x5] =	stream.strided.gather [hbm4b:s6+s9], $0x280, s7, s9, $0x38;
	[tilespmem:$0x10880] =	vst v63  }
0x24: {  	_ =	swait.ge [sflag:s20], $0x280  }
0x25: {  	[sflag:s20] =	ssyncset.done $0x0  }
0x26: {  	s18 =	simm.s32 $0x10280;
	s17 =	rddreg [dreg:$0x6];
	[sflag:s20] =	ssyncadd.s32 $0xFFFFFD80  }
0x27: {  	[tilespmem:s18], [sflag:$0x5] =	stream.strided.gather [hbm4b:s17+s9], $0x280, s7, s9, $0x38;
	[tilespmem:$0x10880] =	vst v63  }
0x28: {  	_ =	swait.ge [sflag:s20], $0x280  }
0x29: {  	[sflag:s20] =	ssyncset.done $0x0  }
0x2a: {  	s22 =	simm.s32 $0x10500;
	s21 =	rddreg [dreg:$0x7];
	[sflag:s20] =	ssyncadd.s32 $0xFFFFFD80  }
0x2b: {  	[tilespmem:s22], [sflag:$0x5] =	stream.strided.gather [hbm4b:s21+s9], $0x280, s7, s9, $0x38;
	[tilespmem:$0x10880] =	vst v63  }
0x2c: {  	_ =	swait.ge [sflag:s20], $0x280  }
0x2d: {  	[sflag:s20] =	ssyncset.done $0x0  }
0x2e: {  	s29 =	simm.s32 $0x10780;
	s25 =	rddreg [dreg:$0x8];
	[sflag:s20] =	ssyncadd.s32 $0xFFFFFD80  }
0x2f: {  	[tilespmem:s29], [sflag:$0x5] =	stream.linear.gather [hbm4b:s25+s4], $0x80, $0x38;
	[tilespmem:$0x10880] =	vst v63  }
0x30: {  	_ =	swait.ge [sflag:s20], $0x80  }
0x31: {  	[sflag:s20] =	ssyncset.done $0x0  }
0x32: {  	[sflag:s20] =	ssyncadd.s32 $0xFFFFFF80  }
0x33: {  	v2 =	vld.msk [tilespmem:$0x8000], $0x3;
	_ =	sdelay $0x4  }
0x34: {  	v3 =	vshll.u32 v2, $0x6  }
0x35: {  	v2 =	vand.u32 $0x7, v2;
	v3 =	vand.u32 $0xFFFFFE00, v3  }
0x36: {  	v2 =	vor.u32 v2, v3  }
0x37: {  	v2 =	vperm.xlane v2, v0;
	_ =	sdelay $0x1  }
0x38: {  	v2 =	vadd.s32 v1, v2;
	_ =	sdelay $0x4  }
0x39: {  	v3 =	vld [tilespmem:$0x10780];
	[tilespmem:s4], [sflag:$0x1] =	stream.indirect_vreg.gather [hbm4b:s1+s4], $0x80, v2, vm0, $0xb8  }
0x3a: {  	s30 =	simm.s32 $0x800  }
0x3b: {  	[tilespmem:s30], [sflag:$0x1] =	stream.indirect_vreg.gather [hbm4b:s10+s4], $0x80, v2, vm0, $0xb8;
	[tilespmem:$0x10880] =	vst v63  }
0x3c: {  	s31 =	simm.s32 $0x1000  }
0x3d: {  	[tilespmem:s31], [sflag:$0x1] =	stream.indirect_vreg.gather [hbm4b:s11+s4], $0x80, v2, vm0, $0xb8;
	[tilespmem:$0x10880] =	vst v63  }
0x3e: {  	s6 =	simm.s32 $0x1800  }
0x3f: {  	[tilespmem:s6], [sflag:$0x1] =	stream.indirect_vreg.gather [hbm4b:s12+s4], $0x80, v2, vm0, $0xb8;
	[tilespmem:$0x10880] =	vst v63  }
0x40: {  	s7 =	simm.s32 $0x2000  }
0x41: {  	[tilespmem:s7], [sflag:$0x1] =	stream.indirect_vreg.gather [hbm4b:s13+s4], $0x80, v2, vm0, $0xb8;
	[tilespmem:$0x10880] =	vst v63  }
0x42: {  	s8 =	simm.s32 $0x2800  }
0x43: {  	[tilespmem:s8], [sflag:$0x1] =	stream.indirect_vreg.gather [hbm4b:s14+s4], $0x80, v2, vm0, $0xb8;
	[tilespmem:$0x10880] =	vst v63  }
0x44: {  	s9 =	simm.s32 $0x3000  }
0x45: {  	[tilespmem:s9], [sflag:$0x1] =	stream.indirect_vreg.gather [hbm4b:s15+s4], $0x80, v2, vm0, $0xb8;
	[tilespmem:$0x10880] =	vst v63  }
0x46: {  	s17 =	simm.s32 $0x3800  }
0x47: {  	[tilespmem:s17], [sflag:$0x1] =	stream.indirect_vreg.gather [hbm4b:s16+s4], $0x80, v2, vm0, $0xb8;
	[tilespmem:$0x10880] =	vst v63  }
0x48: {  	v2 =	vld.msk [tilespmem:$0x8080], $0x3;
	_ =	sdelay $0x4  }
0x49: {  	(v2sf) =	vpush v3, $0x0;
	v4 =	vshll.u32 v2, $0x6  }
0x4a: {  	v2 =	vand.u32 $0x7, v2;
	v4 =	vand.u32 $0xFFFFFE00, v4  }
0x4b: {  	v2 =	vor.u32 v2, v4  }
0x4c: {  	v2 =	vperm.xlane v2, v0;
	_ =	sdelay $0x1  }
0x4d: {  	v2 =	vadd.s32 v1, v2;
	_ =	sdelay $0x4  }
0x4e: {  	[tilespmem:s23], [sflag:$0x2] =	stream.indirect_vreg.gather [hbm4b:s1+s4], $0x80, v2, vm0, $0xb8;
	[tilespmem:$0x10880] =	vst v63  }
0x4f: {  	s18 =	simm.s32 $0x4800  }
0x50: {  	[tilespmem:s18], [sflag:$0x2] =	stream.indirect_vreg.gather [hbm4b:s10+s4], $0x80, v2, vm0, $0xb8;
	[tilespmem:$0x10880] =	vst v63  }
0x51: {  	s21 =	simm.s32 $0x5000  }
0x52: {  	[tilespmem:s21], [sflag:$0x2] =	stream.indirect_vreg.gather [hbm4b:s11+s4], $0x80, v2, vm0, $0xb8;
	[tilespmem:$0x10880] =	vst v63  }
0x53: {  	s22 =	simm.s32 $0x5800;
	s28 =	spop (v2sf)  }
0x54: {  	[tilespmem:s22], [sflag:$0x2] =	stream.indirect_vreg.gather [hbm4b:s12+s4], $0x80, v2, vm0, $0xb8;
	[tilespmem:$0x10880] =	vst v63  }
0x55: {  	s25 =	simm.s32 $0x6000;
	s5 =	sadd.s32 $0x1, s28  }
0x56: {  	[tilespmem:s25], [sflag:$0x2] =	stream.indirect_vreg.gather [hbm4b:s13+s4], $0x80, v2, vm0, $0xb8;
	[tilespmem:$0x10880] =	vst v63  }
0x57: {  	s29 =	simm.s32 $0x6800;
	p0 =	slt.s32 s5, $0x2  }
0x58: {  	[tilespmem:s29], [sflag:$0x2] =	stream.indirect_vreg.gather [hbm4b:s14+s4], $0x80, v2, vm0, $0xb8;
	[tilespmem:$0x10880] =	vst v63  }
.Ltmp2:
0x59: {  	_ = 	snop;
	(pc) =	sbr.rel @p0 .LBB2_28-.Ltmp2, $4  }
0x5a: {  	s30 =	simm.s32 $0x7000  }
0x5b: {  	[tilespmem:s30], [sflag:$0x2] =	stream.indirect_vreg.gather [hbm4b:s15+s4], $0x80, v2, vm0, $0xb8;
	[tilespmem:$0x10880] =	vst v63  }
0x5c: {  	s31 =	simm.s32 $0x7800  }
0x5d: {  	[tilespmem:s31], [sflag:$0x2] =	stream.indirect_vreg.gather [hbm4b:s16+s4], $0x80, v2, vm0, $0xb8;
	v2 =	vimm.f32 $0.0e+00;
	[tilespmem:$0x10880] =	vst v63  }
.Ltmp3:
0x5e: {  	(pc) =	sbr.rel .LBB2_3-.Ltmp3, $4  }
0x5f: {  	_ = 	snop  }
0x60: {  	s6 =	sshrl.u32 s5, $0x1F  }
0x61: {  	s5 =	sadd.s32 s6, s5  }
0x62: {  	s25 =	simm.s32 $0x0;
	s30 =	simm.s32 $0x0;
	s29 =	sshra.s32 s5, $0x1  }
.LBB2_26:
0x63: {  	[sflag:s24] =	ssyncadd.s32 $0xFFFFC000  }
.LBB2_27:
0x64: {  	s5 =	sand.u32 $0x1, s6  }
0x65: {  	p1 =	seq.s32 s5, $0x0  }
0x66: {  	s6 =	sadd.s32 $0x3, s7;
	s5 =	simm.s32 @!p1 $0x4  }
0x67: {  	p0 =	sge.s32 s6, s28;
	_ =	swait.ge @!p1 [sflag:s5], $0x2000  }
0x68: {  	s6 =	sshll.u32 @!p0 s6, $0x9;
	[sflag:s5] =	ssyncset.done @!p1 $0x0  }
0x69: {  	[sflag:s5] =	ssyncadd.s32 @!p1 $0xFFFFE000;
	s5 =	sshra.s32 @!p0 s6, $0x2  }
0x6a: {  	v3 =	vld.msk @!p0 [tilespmem:s5+$0x8000], $0x3;
	_ =	sdelay $0x4  }
0x6b: {  	v4 =	vshll.u32 @!p0 v3, $0x6  }
0x6c: {  	v5 =	vlaneseq.u32 @!p0;
	v3 =	vand.u32 @!p0 $0x7, v3;
	v4 =	vand.u32 @!p0 $0xFFFFFE00, v4  }
0x6d: {  	v3 =	vor.u32 @!p0 v3, v4;
	v4 =	vand.u32 @!p0 $0x1, v5;
	v5 =	vshrl.u32 @!p0 v5, $0x1  }
0x6e: {  	v3 =	vperm.xlane @!p0 v3, v4;
	v4 =	vmul.u32 @!p0 $0x8, v5;
	_ =	sdelay $0x1  }
0x6f: {  	v3 =	vadd.s32 @!p0 v4, v3;
	_ =	sdelay $0x3  }
0x70: {  	vm2 =	vmmov @!p0 $0xffff;
	s6 =	simm.s32 @!p0 $0x4000;
	s5 =	simm.s32 @!p0 $0x0  }
0x71: {  	[tilespmem:s6], [sflag:$0x2] =	stream.indirect_vreg.gather @!p0 [hbm4b:s1+s5], $0x80, v3, vm2, $0xb8;
	[tilespmem:$0x10880] =	vst v63  }
0x72: {  	s6 =	simm.s32 @!p0 $0x4800  }
0x73: {  	[tilespmem:s6], [sflag:$0x2] =	stream.indirect_vreg.gather @!p0 [hbm4b:s10+s5], $0x80, v3, vm2, $0xb8;
	[tilespmem:$0x10880] =	vst v63  }
0x74: {  	s6 =	simm.s32 @!p0 $0x5000  }
0x75: {  	[tilespmem:s6], [sflag:$0x2] =	stream.indirect_vreg.gather @!p0 [hbm4b:s11+s5], $0x80, v3, vm2, $0xb8;
	[tilespmem:$0x10880] =	vst v63  }
0x76: {  	s6 =	simm.s32 @!p0 $0x5800  }
0x77: {  	[tilespmem:s6], [sflag:$0x2] =	stream.indirect_vreg.gather @!p0 [hbm4b:s12+s5], $0x80, v3, vm2, $0xb8;
	[tilespmem:$0x10880] =	vst v63  }
0x78: {  	s6 =	simm.s32 @!p0 $0x6000  }
0x79: {  	[tilespmem:s6], [sflag:$0x2] =	stream.indirect_vreg.gather @!p0 [hbm4b:s13+s5], $0x80, v3, vm2, $0xb8;
	[tilespmem:$0x10880] =	vst v63  }
0x7a: {  	s6 =	simm.s32 @!p0 $0x6800  }
0x7b: {  	[tilespmem:s6], [sflag:$0x2] =	stream.indirect_vreg.gather @!p0 [hbm4b:s14+s5], $0x80, v3, vm2, $0xb8;
	[tilespmem:$0x10880] =	vst v63  }
0x7c: {  	s6 =	simm.s32 @!p0 $0x7000  }
0x7d: {  	[tilespmem:s6], [sflag:$0x2] =	stream.indirect_vreg.gather @!p0 [hbm4b:s15+s5], $0x80, v3, vm2, $0xb8;
	[tilespmem:$0x10880] =	vst v63  }
0x7e: {  	s30 =	sadd.s32 $0x1, s30;
	s6 =	simm.s32 @!p0 $0x7800  }
0x7f: {  	[tilespmem:s6], [sflag:$0x2] =	stream.indirect_vreg.gather @!p0 [hbm4b:s16+s5], $0x80, v3, vm2, $0xb8;
	[tilespmem:$0x10880] =	vst v63  }
0x80: {  	p0 =	sne.s32 s30, s29  }
.Ltmp4:
0x81: {  	_ = 	snop;
	(pc) =	sbr.rel @!p0 .LBB2_28-.Ltmp4, $1  }
0x82: {  	_ =	sdelay $0x3  }
.LBB2_3:
0x83: {  	_ =	swait.ge [sflag:s0], $0x4000  }
0x84: {  	s5 =	sshll.u32 s30, $0x4;
	[sflag:s0] =	ssyncset.done $0x0  }
0x85: {  	s6 =	sshra.s32 s5, $0x2;
	[sflag:s0] =	ssyncadd.s32 $0xFFFFC000  }
0x86: {  	v3 =	vld [tilespmem:s6+$0x10000];
	_ =	sdelay $0x4  }
0x87: {  	(v2sf) =	vpush v3, $0x0;
	_ =	sdelay $0xe  }
0x88: {  	s7 =	spop (v2sf)  }
0x89: {  	p0 =	slt.s32 s7, $0x1  }
.Ltmp5:
0x8a: {  	_ = 	snop;
	(pc) =	sbr.rel @p0 .LBB2_7-.Ltmp5, $2  }
0x8b: {  	_ =	sdelay $0x2  }
0x8c: {  	s8 =	simm.s32 $0x0;
	s31 =	smov.u32 s25  }
.LBB2_4:
0x8d: {  	v3 =	vld [tilespmem:s31+$0x10280];
	_ =	sdelay $0x4  }
0x8e: {  	(v2sf) =	vpush v3, $0x0;
	_ =	sdelay $0xe  }
0x8f: {  	s5 =	spop (v2sf)  }
0x90: {  	s9 =	sshll.u32 s5, $0xD;
	s5 =	sshll.u32 s5, $0x7  }
0x91: {  	s9 =	sand.u32 $0xFFFF0000, s9;
	s5 =	sand.u32 $0x380, s5  }
0x92: {  	s5 =	sor.u32 s5, s9  }
0x93: {  	s5 =	sshrl.u32 s5, $0x3  }
0x94: {  	s17 =	simm.s32 $0x80;
	s9 =	sadd.s32 s3, s5  }
0x95: {  	s18 =	simm.s32 $0x0;
	s5 =	simm.s32 $0x100;
	s21 =	sadd.s32 $0x0, s9  }
.LBB2_5:
0x96: {  	[hbm4b:s21+s4] =	stream.linear.scatter [tilespmem:s18], [sflag:$0x3], $0x80, $0x38;
	[tilespmem:$0x10880] =	vst v63  }
0x97: {  	s21 =	smov.u32 s17;
	s18 =	smov.u32 s5;
	p0 =	sne.s32 s17, $0x1F80  }
.Ltmp6:
0x98: {  	s17 =	sadd.s32 $0x80, s17;
	(pc) =	sbr.rel @p0 .LBB2_5-.Ltmp6, $2  }
0x99: {  	_ =	sdelay $0x2  }
0x9a: {  	s5 =	sadd.s32 $0x100, s5;
	s21 =	sadd.s32 s21, s9  }
0x9b: {  	[hbm4b:s21+s4] =	stream.linear.scatter [tilespmem:s18], [sflag:$0x3], $0x80, $0x38;
	[tilespmem:$0x10880] =	vst v63  }
0x9c: {  	v3 =	vld.msk [tilespmem:s31+$0x10500 ss:$0x0], $0xffff;
	_ =	sdelay $0x4  }
0x9d: {  	v4 =	vshll.u32 v3, $0x1  }
0x9e: {  	v3 =	vand.u32 $0x7F, v3;
	v4 =	vand.u32 $0xFFFFFF00, v4  }
0x9f: {  	v3 =	vor.u32 v3, v4;
	_ =	sdelay $0x4  }
0xa0: {  	v3 =	vld.idx.msk [tilespmem:v3+s4+$0x0], $0xffff  }
0xa1: {  	s8 =	sadd.s32 $0x1, s8  }
0xa2: {  	p0 =	sne.s32 s8, s7  }
.Ltmp7:
0xa3: {  	_ = 	snop;
	(pc) =	sbr.rel @p0 .LBB2_4-.Ltmp7, $4  }
0xa4: {  	_ = 	snop  }
0xa5: {  	v3 =	vnsel vm1, $0x0, v3  }
0xa6: {  	v2 =	vadd.f32 v3, v2  }
0xa7: {  	s31 =	sadd.s32 $0x1, s31  }
.LBB2_7:
0xa8: {  	v3 =	vld [tilespmem:s6+$0x10001];
	_ =	sdelay $0x4  }
0xa9: {  	(v2sf) =	vpush v3, $0x0;
	_ =	sdelay $0xe  }
0xaa: {  	s7 =	spop (v2sf)  }
0xab: {  	p0 =	slt.s32 s7, $0x1  }
.Ltmp8:
0xac: {  	_ = 	snop;
	(pc) =	sbr.rel @p0 .LBB2_11-.Ltmp8, $2  }
0xad: {  	_ =	sdelay $0x2  }
0xae: {  	s8 =	simm.s32 $0x0  }
.LBB2_8:
0xaf: {  	v3 =	vld [tilespmem:s31+$0x10280];
	_ =	sdelay $0x4  }
0xb0: {  	(v2sf) =	vpush v3, $0x0;
	_ =	sdelay $0xe  }
0xb1: {  	s5 =	spop (v2sf)  }
0xb2: {  	s9 =	sshll.u32 s5, $0xD;
	s5 =	sshll.u32 s5, $0x7  }
0xb3: {  	s9 =	sand.u32 $0xFFFF0000, s9;
	s5 =	sand.u32 $0x380, s5  }
0xb4: {  	s5 =	sor.u32 s5, s9  }
0xb5: {  	s5 =	sshrl.u32 s5, $0x3  }
0xb6: {  	s17 =	simm.s32 $0x80;
	s9 =	sadd.s32 s3, s5  }
0xb7: {  	s18 =	simm.s32 $0x80;
	s5 =	simm.s32 $0x180;
	s21 =	sadd.s32 $0x0, s9  }
.LBB2_9:
0xb8: {  	[hbm4b:s21+s4] =	stream.linear.scatter [tilespmem:s17], [sflag:$0x3], $0x80, $0x38;
	[tilespmem:$0x10880] =	vst v63  }
0xb9: {  	s21 =	smov.u32 s18;
	s17 =	smov.u32 s5;
	p0 =	sne.s32 s18, $0x1F80  }
.Ltmp9:
0xba: {  	s18 =	sadd.s32 $0x80, s18;
	(pc) =	sbr.rel @p0 .LBB2_9-.Ltmp9, $2  }
0xbb: {  	_ =	sdelay $0x2  }
0xbc: {  	s5 =	sadd.s32 $0x100, s5;
	s21 =	sadd.s32 s21, s9  }
0xbd: {  	[hbm4b:s21+s4] =	stream.linear.scatter [tilespmem:s17], [sflag:$0x3], $0x80, $0x38;
	[tilespmem:$0x10880] =	vst v63  }
0xbe: {  	v3 =	vld.msk [tilespmem:s31+$0x10500 ss:$0x0], $0xffff;
	_ =	sdelay $0x4  }
0xbf: {  	v4 =	vshll.u32 v3, $0x1  }
0xc0: {  	v3 =	vand.u32 $0x7F, v3;
	v4 =	vand.u32 $0xFFFFFF00, v4  }
0xc1: {  	v3 =	vor.u32 v4, v3  }
0xc2: {  	v3 =	vor.u32 $0x80, v3;
	_ =	sdelay $0x4  }
0xc3: {  	v3 =	vld.idx.msk [tilespmem:v3+s4+$0x0], $0xffff  }
0xc4: {  	s8 =	sadd.s32 $0x1, s8  }
0xc5: {  	p0 =	sne.s32 s8, s7  }
.Ltmp10:
0xc6: {  	_ = 	snop;
	(pc) =	sbr.rel @p0 .LBB2_8-.Ltmp10, $4  }
0xc7: {  	_ = 	snop  }
0xc8: {  	v3 =	vnsel vm1, $0x0, v3  }
0xc9: {  	v2 =	vadd.f32 v3, v2  }
0xca: {  	s31 =	sadd.s32 $0x1, s31  }
.LBB2_11:
0xcb: {  	s7 =	ssub.s32 s31, s25  }
0xcc: {  	p0 =	sne.s32 s31, s25;
	s8 =	simm.s32 $0x1;
	s5 =	sshrl.u32 s7, $0x1F  }
0xcd: {  	s9 =	sshra.s32 s7, $0x1F;
	s8 =	simm.s32 @!p0 $0x0;
	s5 =	sadd.s32 s5, s7  }
0xce: {  	s8 =	sor.u32 s8, s9;
	s25 =	sand.u32 $0xFFFFFFFE, s5  }
0xcf: {  	p6 =	sne.s32 s8, $0x1;
	p1 =	sne.s32 s7, s25  }
0xd0: {  	p0 =	por !p1, !p6  }
0xd1: {  	s8 =	simm.s32 $0x1;
	p0 =	por !p0, !p0  }
0xd2: {  	s5 =	sshra.s32 s5, $0x1;
	s8 =	simm.s32 @!p0 $0x0  }
0xd3: {  	s5 =	ssub.s32 s5, s8  }
0xd4: {  	p0 =	slt.s32 s5, $0x1  }
.Ltmp11:
0xd5: {  	_ = 	snop;
	(pc) =	sbr.rel @p0 .LBB2_15-.Ltmp11, $1  }
0xd6: {  	_ =	sdelay $0x3  }
0xd7: {  	p0 =	sne.s32 s5, $0x1  }
.Ltmp12:
0xd8: {  	_ = 	snop;
	(pc) =	sbr.rel @!p0 .LBB2_14-.Ltmp12, $3  }
0xd9: {  	_ =	sdelay $0x1  }
0xda: {  	_ =	swait.ge [sflag:s2], $0x4000  }
0xdb: {  	s5 =	sadd.s32 $0xFFFFFFFF, s5;
	[sflag:s2] =	ssyncset.done $0x0  }
.LBB2_13:
0xdc: {  	p0 =	sne.s32 s5, $0x1;
	s5 =	sadd.s32 $0xFFFFFFFF, s5;
	[sflag:s2] =	ssyncadd.s32 $0xFFFFC000  }
.Ltmp13:
0xdd: {  	(pc) =	sbr.rel @p0 .LBB2_13-.Ltmp13, $3  }
0xde: {  	_ =	sdelay $0x1  }
0xdf: {  	_ =	swait.ge [sflag:s2], $0x4000  }
0xe0: {  	[sflag:s2] =	ssyncset.done $0x0  }
.LBB2_14:
0xe1: {  	[sflag:s2] =	ssyncadd.s32 $0xFFFFC000  }
.LBB2_15:
0xe2: {  	s5 =	sand.u32 $0x1, s7  }
0xe3: {  	s7 =	sshll.u32 s30, $0x1;
	p1 =	seq.s32 s5, $0x0  }
0xe4: {  	s8 =	sadd.s32 $0x2, s7;
	s5 =	simm.s32 @!p1 $0x3  }
0xe5: {  	p0 =	sge.s32 s8, s28;
	_ =	swait.ge @!p1 [sflag:s5], $0x2000  }
0xe6: {  	s8 =	sshll.u32 @!p0 s8, $0x9;
	[sflag:s5] =	ssyncset.done @!p1 $0x0  }
0xe7: {  	[sflag:s5] =	ssyncadd.s32 @!p1 $0xFFFFE000;
	s5 =	sshra.s32 @!p0 s8, $0x2  }
0xe8: {  	v3 =	vld.msk @!p0 [tilespmem:s5+$0x8000], $0x3;
	_ =	sdelay $0x4  }
0xe9: {  	v4 =	vshll.u32 @!p0 v3, $0x6  }
0xea: {  	v5 =	vlaneseq.u32 @!p0;
	v3 =	vand.u32 @!p0 $0x7, v3;
	v4 =	vand.u32 @!p0 $0xFFFFFE00, v4  }
0xeb: {  	v3 =	vor.u32 @!p0 v3, v4;
	v4 =	vand.u32 @!p0 $0x1, v5;
	v5 =	vshrl.u32 @!p0 v5, $0x1  }
0xec: {  	v3 =	vperm.xlane @!p0 v3, v4;
	v4 =	vmul.u32 @!p0 $0x8, v5;
	_ =	sdelay $0x1  }
0xed: {  	v3 =	vadd.s32 @!p0 v4, v3;
	_ =	sdelay $0x3  }
0xee: {  	vm2 =	vmmov @!p0 $0xffff;
	s5 =	simm.s32 @!p0 $0x0  }
0xef: {  	[tilespmem:s5], [sflag:$0x1] =	stream.indirect_vreg.gather @!p0 [hbm4b:s1+s5], $0x80, v3, vm2, $0xb8;
	[tilespmem:$0x10880] =	vst v63  }
0xf0: {  	s8 =	simm.s32 @!p0 $0x800  }
0xf1: {  	[tilespmem:s8], [sflag:$0x1] =	stream.indirect_vreg.gather @!p0 [hbm4b:s10+s5], $0x80, v3, vm2, $0xb8;
	[tilespmem:$0x10880] =	vst v63  }
0xf2: {  	s8 =	simm.s32 @!p0 $0x1000  }
0xf3: {  	[tilespmem:s8], [sflag:$0x1] =	stream.indirect_vreg.gather @!p0 [hbm4b:s11+s5], $0x80, v3, vm2, $0xb8;
	[tilespmem:$0x10880] =	vst v63  }
0xf4: {  	s8 =	simm.s32 @!p0 $0x1800  }
0xf5: {  	[tilespmem:s8], [sflag:$0x1] =	stream.indirect_vreg.gather @!p0 [hbm4b:s12+s5], $0x80, v3, vm2, $0xb8;
	[tilespmem:$0x10880] =	vst v63  }
0xf6: {  	s8 =	simm.s32 @!p0 $0x2000  }
0xf7: {  	[tilespmem:s8], [sflag:$0x1] =	stream.indirect_vreg.gather @!p0 [hbm4b:s13+s5], $0x80, v3, vm2, $0xb8;
	[tilespmem:$0x10880] =	vst v63  }
0xf8: {  	s8 =	simm.s32 @!p0 $0x2800  }
0xf9: {  	[tilespmem:s8], [sflag:$0x1] =	stream.indirect_vreg.gather @!p0 [hbm4b:s14+s5], $0x80, v3, vm2, $0xb8;
	[tilespmem:$0x10880] =	vst v63  }
0xfa: {  	s8 =	simm.s32 @!p0 $0x3000  }
0xfb: {  	[tilespmem:s8], [sflag:$0x1] =	stream.indirect_vreg.gather @!p0 [hbm4b:s15+s5], $0x80, v3, vm2, $0xb8;
	[tilespmem:$0x10880] =	vst v63  }
0xfc: {  	s8 =	simm.s32 @!p0 $0x3800  }
0xfd: {  	[tilespmem:s8], [sflag:$0x1] =	stream.indirect_vreg.gather @!p0 [hbm4b:s16+s5], $0x80, v3, vm2, $0xb8;
	[tilespmem:$0x10880] =	vst v63  }
0xfe: {  	_ =	swait.ge [sflag:s19], $0x4000  }
0xff: {  	[sflag:s19] =	ssyncset.done $0x0  }
0x100: {  	[sflag:s19] =	ssyncadd.s32 $0xFFFFC000  }
0x101: {  	v3 =	vld [tilespmem:s6+$0x10002];
	_ =	sdelay $0x4  }
0x102: {  	(v2sf) =	vpush v3, $0x0;
	_ =	sdelay $0xe  }
0x103: {  	s8 =	spop (v2sf)  }
0x104: {  	p0 =	slt.s32 s8, $0x1  }
.Ltmp14:
0x105: {  	_ = 	snop;
	(pc) =	sbr.rel @p0 .LBB2_19-.Ltmp14, $2  }
0x106: {  	_ =	sdelay $0x2  }
0x107: {  	s9 =	simm.s32 $0x0;
	s25 =	smov.u32 s31  }
.LBB2_16:
0x108: {  	v3 =	vld [tilespmem:s25+$0x10280];
	_ =	sdelay $0x4  }
0x109: {  	(v2sf) =	vpush v3, $0x0;
	_ =	sdelay $0xe  }
0x10a: {  	s5 =	spop (v2sf)  }
0x10b: {  	s17 =	sshll.u32 s5, $0xD;
	s5 =	sshll.u32 s5, $0x7  }
0x10c: {  	s17 =	sand.u32 $0xFFFF0000, s17;
	s5 =	sand.u32 $0x380, s5  }
0x10d: {  	s5 =	sor.u32 s5, s17  }
0x10e: {  	s5 =	sshrl.u32 s5, $0x3  }
0x10f: {  	s18 =	simm.s32 $0x4000;
	s17 =	sadd.s32 s3, s5  }
0x110: {  	s21 =	simm.s32 $0x4100;
	s5 =	simm.s32 $0x80;
	s22 =	sadd.s32 $0x0, s17  }
.LBB2_17:
0x111: {  	[hbm4b:s22+s4] =	stream.linear.scatter [tilespmem:s18], [sflag:$0x4], $0x80, $0x38;
	[tilespmem:$0x10880] =	vst v63  }
0x112: {  	s22 =	smov.u32 s5;
	s18 =	smov.u32 s21;
	p0 =	sne.s32 s5, $0x1F80  }
.Ltmp15:
0x113: {  	s5 =	sadd.s32 $0x80, s5;
	(pc) =	sbr.rel @p0 .LBB2_17-.Ltmp15, $2  }
0x114: {  	_ =	sdelay $0x2  }
0x115: {  	s21 =	sadd.s32 $0x100, s21;
	s22 =	sadd.s32 s22, s17  }
0x116: {  	[hbm4b:s22+s4] =	stream.linear.scatter [tilespmem:s18], [sflag:$0x4], $0x80, $0x38;
	[tilespmem:$0x10880] =	vst v63  }
0x117: {  	v3 =	vld.msk [tilespmem:s25+$0x10500 ss:$0x0], $0xffff;
	_ =	sdelay $0x4  }
0x118: {  	v4 =	vshll.u32 v3, $0x1  }
0x119: {  	v3 =	vand.u32 $0x7F, v3;
	v4 =	vand.u32 $0xFFFFFF00, v4  }
0x11a: {  	v3 =	vor.u32 v3, v4;
	_ =	sdelay $0x4  }
0x11b: {  	v3 =	vld.idx.msk [tilespmem:v3+s23+$0x0], $0xffff  }
0x11c: {  	s9 =	sadd.s32 $0x1, s9  }
0x11d: {  	p0 =	sne.s32 s9, s8  }
.Ltmp16:
0x11e: {  	_ = 	snop;
	(pc) =	sbr.rel @p0 .LBB2_16-.Ltmp16, $4  }
0x11f: {  	_ = 	snop  }
0x120: {  	v3 =	vnsel vm1, $0x0, v3  }
0x121: {  	v2 =	vadd.f32 v3, v2  }
0x122: {  	s25 =	sadd.s32 $0x1, s25  }
.LBB2_19:
0x123: {  	v3 =	vld [tilespmem:s6+$0x10003];
	_ =	sdelay $0x4  }
0x124: {  	(v2sf) =	vpush v3, $0x0;
	_ =	sdelay $0xe  }
0x125: {  	s6 =	spop (v2sf)  }
0x126: {  	p0 =	slt.s32 s6, $0x1  }
.Ltmp17:
0x127: {  	_ = 	snop;
	(pc) =	sbr.rel @p0 .LBB2_23-.Ltmp17, $2  }
0x128: {  	_ =	sdelay $0x2  }
0x129: {  	s8 =	simm.s32 $0x0  }
.LBB2_20:
0x12a: {  	v3 =	vld [tilespmem:s25+$0x10280];
	_ =	sdelay $0x4  }
0x12b: {  	(v2sf) =	vpush v3, $0x0;
	_ =	sdelay $0xe  }
0x12c: {  	s5 =	spop (v2sf)  }
0x12d: {  	s9 =	sshll.u32 s5, $0xD;
	s5 =	sshll.u32 s5, $0x7  }
0x12e: {  	s9 =	sand.u32 $0xFFFF0000, s9;
	s5 =	sand.u32 $0x380, s5  }
0x12f: {  	s5 =	sor.u32 s5, s9  }
0x130: {  	s5 =	sshrl.u32 s5, $0x3  }
0x131: {  	s17 =	simm.s32 $0x4080;
	s9 =	sadd.s32 s3, s5  }
0x132: {  	s18 =	simm.s32 $0x4180;
	s5 =	simm.s32 $0x80;
	s21 =	sadd.s32 $0x0, s9  }
.LBB2_21:
0x133: {  	[hbm4b:s21+s4] =	stream.linear.scatter [tilespmem:s17], [sflag:$0x4], $0x80, $0x38;
	[tilespmem:$0x10880] =	vst v63  }
0x134: {  	s21 =	smov.u32 s5;
	s17 =	smov.u32 s18;
	p0 =	sne.s32 s5, $0x1F80  }
.Ltmp18:
0x135: {  	s5 =	sadd.s32 $0x80, s5;
	(pc) =	sbr.rel @p0 .LBB2_21-.Ltmp18, $2  }
0x136: {  	_ =	sdelay $0x2  }
0x137: {  	s18 =	sadd.s32 $0x100, s18;
	s21 =	sadd.s32 s21, s9  }
0x138: {  	[hbm4b:s21+s4] =	stream.linear.scatter [tilespmem:s17], [sflag:$0x4], $0x80, $0x38;
	[tilespmem:$0x10880] =	vst v63  }
0x139: {  	v3 =	vld.msk [tilespmem:s25+$0x10500 ss:$0x0], $0xffff;
	_ =	sdelay $0x4  }
0x13a: {  	v4 =	vshll.u32 v3, $0x1  }
0x13b: {  	v3 =	vand.u32 $0x7F, v3;
	v4 =	vand.u32 $0xFFFFFF00, v4  }
0x13c: {  	v3 =	vor.u32 v4, v3  }
0x13d: {  	v3 =	vor.u32 $0x80, v3;
	_ =	sdelay $0x4  }
0x13e: {  	v3 =	vld.idx.msk [tilespmem:v3+s23+$0x0], $0xffff  }
0x13f: {  	s8 =	sadd.s32 $0x1, s8  }
0x140: {  	p0 =	sne.s32 s8, s6  }
.Ltmp19:
0x141: {  	_ = 	snop;
	(pc) =	sbr.rel @p0 .LBB2_20-.Ltmp19, $4  }
0x142: {  	_ = 	snop  }
0x143: {  	v3 =	vnsel vm1, $0x0, v3  }
0x144: {  	v2 =	vadd.f32 v3, v2  }
0x145: {  	s25 =	sadd.s32 $0x1, s25  }
.LBB2_23:
0x146: {  	s6 =	ssub.s32 s25, s31  }
0x147: {  	p0 =	sne.s32 s25, s31;
	s8 =	simm.s32 $0x1;
	s5 =	sshrl.u32 s6, $0x1F  }
0x148: {  	s9 =	sshra.s32 s6, $0x1F;
	s8 =	simm.s32 @!p0 $0x0;
	s5 =	sadd.s32 s5, s6  }
0x149: {  	s8 =	sor.u32 s8, s9;
	s31 =	sand.u32 $0xFFFFFFFE, s5  }
0x14a: {  	p6 =	sne.s32 s8, $0x1;
	p1 =	sne.s32 s6, s31  }
0x14b: {  	p0 =	por !p1, !p6  }
0x14c: {  	s8 =	simm.s32 $0x1;
	p0 =	por !p0, !p0  }
0x14d: {  	s5 =	sshra.s32 s5, $0x1;
	s8 =	simm.s32 @!p0 $0x0  }
0x14e: {  	s5 =	ssub.s32 s5, s8  }
0x14f: {  	p0 =	slt.s32 s5, $0x1  }
.Ltmp20:
0x150: {  	_ = 	snop;
	(pc) =	sbr.rel @p0 .LBB2_27-.Ltmp20, $1  }
0x151: {  	_ =	sdelay $0x3  }
0x152: {  	p0 =	sne.s32 s5, $0x1  }
.Ltmp21:
0x153: {  	_ = 	snop;
	(pc) =	sbr.rel @!p0 .LBB2_26-.Ltmp21, $3  }
0x154: {  	_ =	sdelay $0x1  }
0x155: {  	_ =	swait.ge [sflag:s24], $0x4000  }
0x156: {  	s5 =	sadd.s32 $0xFFFFFFFF, s5;
	[sflag:s24] =	ssyncset.done $0x0  }
.LBB2_25:
0x157: {  	p0 =	sne.s32 s5, $0x1;
	s5 =	sadd.s32 $0xFFFFFFFF, s5;
	[sflag:s24] =	ssyncadd.s32 $0xFFFFC000  }
.Ltmp22:
0x158: {  	(pc) =	sbr.rel @p0 .LBB2_25-.Ltmp22, $3  }
0x159: {  	_ =	sdelay $0x1  }
0x15a: {  	_ =	swait.ge [sflag:s24], $0x4000  }
0x15b: {  	[sflag:s24] =	ssyncset.done $0x0  }
.Ltmp23:
0x15c: {  	_ = 	snop;
	(pc) =	sbr.rel .LBB2_26-.Ltmp23, $1  }
0x15d: {  	_ =	sdelay $0x3  }
.LBB2_29:
0x15e: {  	_ =	sfence.sel $0x180000  }
0x15f: {  	[bflag:$0x0] =	sbarrier.arrive $0xFFFF  }
0x160: {  	_ =	strace $0x90000047  }
0x161: {  	s0 =	stileid.u32;
	[bflag:$0x2] =	sbarrier.arrive $0xFFFF  }
0x162: {  	p0 =	sne.s32 s0, $0x0;
	s0 =	rddreg [dreg:$0x3]  }
0x163: {  	s0 =	sadd.s32 @!p0 $0x100000, s0  }
0x164: {  	[sflag:s0] =	ssyncadd.tile.s32 @!p0 $0x1;
	_ =	shalt  }
.Lfunc_end2:
_tile_overlayer_lowered:
.L_overlay_start_2:
0x165: {  	(tag) =	ssettag $0x2  }
0x166: {  	s0 =	rddreg [dreg:$0x0];
	s2 =	stileid.u32  }
0x167: {  	s1 =	rddreg [dreg:$0x1];
	p0 =	sne.s32 s2, $0x0  }
0x168: {  	s3 =	rddreg [dreg:$0x2];
	[bflag:$0x3] =	sbarrier.arrive $0xFFFF;
	s2 =	simm.s32 @!p0 $0x1C05  }
0x169: {  	[timem:s3], [sflag:s2] =	dma.local @!p0 [hbm:s0], s1  }
0x16a: {  	s0 =	simm.s32 @!p0 $0x5  }
0x16b: {  	_ =	swait.ge @!p0 [sflag:s0], s1  }
0x16c: {  	s1 =	ssub.s32 @!p0 $0x0, s1;
	[sflag:s0] =	ssyncset.done @!p0 $0x0  }
0x16d: {  	[sflag:s0] =	ssyncadd.s32 @!p0 s1  }
0x16e: {  	[bflag:$0x3] =	sbarrier.arrive $0xFFFF  }
0x16f: {  	_ =	shalt  }

// kernel: kernel.9.cloned.1.call-start
scs
__scs_entry_jumppad:
0x0: {  	(pc) =	sbr.rel $0x88, $3  }
0x1: {  	(tag) =	ssettag $0x0;
	lr =	simm.s32 $0x1  }
0x2: {  	[smem:$0x3F9E] =	sst lr;
	_ =	strace $0xD0000000  }
0x3: {  	_ = 	snop  }
0x4: {  	_ = 	snop  }
0x5: {  	_ = 	snop  }
0x6: {  	_ = 	snop  }
0x7: {  	_ = 	snop  }
__scs_overlays_trampoline_lowered:
0x8: {  	[smem:$0x3FAD] =	sst s0  }
0x9: {  	[smem:$0x3FAE] =	sst s1  }
0xa: {  	[smem:$0x3FAF] =	sst s2  }
0xb: {  	[smem:$0x3FB0] =	sst s3  }
0xc: {  	[smem:$0x3FB1] =	sst s4  }
0xd: {  	[smem:$0x3FB2] =	sst s5  }
0xe: {  	[smem:$0x3FB3] =	sst s6  }
0xf: {  	[smem:$0x3FB4] =	sst s7  }
0x10: {  	[smem:$0x3FB5] =	sst s8  }
0x11: {  	[smem:$0x3FB6] =	sst s9;
	s0 =	simm.s32 @!p0 $0x0  }
0x12: {  	s1 =	sld [smem:$0x3F9C];
	s0 =	simm.s32 @p0 $0x1  }
0x13: {  	[smem:$0x3FB7] =	sst s0;
	s0 =	simm.s32 @!p1 $0x0  }
0x14: {  	s2 =	sld [smem:$0x3F9B];
	s0 =	simm.s32 @p1 $0x1  }
0x15: {  	[smem:$0x3FB8] =	sst s0;
	s0 =	simm.s32 @!p2 $0x0  }
0x16: {  	s3 =	sld [smem:$0x3FDB];
	s0 =	simm.s32 @p2 $0x1  }
0x17: {  	s4 =	simm.s32 $0x1BF5;
	[smem:$0x3FBA] =	sst s0  }
0x18: {  	s0 =	sld [smem:$0x3F9D];
	_ =	swait.ge [sflag:s4], $0x0  }
0x19: {  	s7 =	sld [smem:$0x3F9E]  }
0x1a: {  	s8 =	sadd.s32 $0xFFFFE003, lr  }
0x1b: {  	s9 =	sadd.s32 $0xFFFFFEF7, lr;
	s5 =	simm.s32 $0xFFFFFFFF;
	p2 =	slt.u32 s8, $0xFFFFF086  }
0x1c: {  	p1 =	slt.u32 s9, $0xF7A;
	s5 =	simm.s32 @!p2 $0x0  }
0x1d: {  	s5 =	simm.s32 @p1 $0x1;
	p0 =	seq.s32 s7, s2  }
0x1e: {  	s7 =	smul.u32 @!p0 $0xF7A, s2;
	p2 =	seq.s32 @!p0 s5, $0x0  }
0x1f: {  	s9 =	smul.u32 $0xF7A, s1;
	s8 =	simm.s32 @!p0 $0x1BF5;
	p2 =	por !p2, p0  }
0x20: {  	[sflag:s8] =	ssyncset.s32 @!p0 $0xFFFFF086;
	s6 =	sadd.s32 @!p0 s3, s7;
	s7 =	simm.s32 @!p0 $0x108  }
0x21: {  	s3 =	sadd.s32 s3, s9;
	s6 =	sadd.s32 @!p0 $0x88, s6;
	s7 =	simm.s32 @p2 $0x1082  }
0x22: {  	[simem:s7], [sflag:s8] =	dma.local @!p0 [hbm:s6], $0xF7A  }
0x23: {  	s9 =	sor.u32 $0xD0000000, s2;
	s6 =	simm.s32 $0x108;
	_ =	swait.ge @!p0 [sflag:s8], $0x0  }
0x24: {  	s3 =	sadd.s32 $0x88, s3;
	s6 =	simm.s32 @!p1 $0x1082;
	[sflag:s4] =	ssyncset.s32 $0xFFFFF086  }
0x25: {  	[simem:s6], [sflag:s4] =	dma.local [hbm:s3], $0xF7A  }
0x26: {  	[smem:$0x3F9E] =	sst s1;
	(tag) =	ssettag s2;
	_ =	strace s9  }
0x27: {  	s1 =	sld [smem:$0x3FAE]  }
0x28: {  	s2 =	sld [smem:$0x3FAF]  }
0x29: {  	s4 =	sld [smem:$0x3FB1]  }
0x2a: {  	p0 =	seq.s32 s5, $0x0;
	s5 =	sld [smem:$0x3FB2]  }
0x2b: {  	s6 =	sld [smem:$0x3FB3]  }
0x2c: {  	s7 =	sld [smem:$0x3FB4]  }
0x2d: {  	s3 =	simm.s32 $0x108;
	s8 =	sld [smem:$0x3FB5]  }
0x2e: {  	s3 =	simm.s32 @!p0 $0x1082;
	s9 =	sld [smem:$0x3FB6]  }
0x2f: {  	lr =	sadd.s32 s0, s3;
	s0 =	sld [smem:$0x3FAD]  }
0x30: {  	s3 =	sld [smem:$0x3FB0]  }
0x31: {  	[smem:$0x3FB9] =	sst s10  }
0x32: {  	s10 =	sld [smem:$0x3FB7];
	_ =	sdelay $0x3  }
0x33: {  	p0 =	seq.s32 s10, $0x1;
	s10 =	sld [smem:$0x3FB9];
	_ =	sdelay $0x3  }
0x34: {  	[smem:$0x3FB9] =	sst s10  }
0x35: {  	s10 =	sld [smem:$0x3FB8];
	_ =	sdelay $0x3  }
0x36: {  	p1 =	seq.s32 s10, $0x1;
	s10 =	sld [smem:$0x3FB9];
	_ =	sdelay $0x3  }
0x37: {  	[smem:$0x3FB9] =	sst s10  }
0x38: {  	s10 =	sld [smem:$0x3FBA]  }
0x39: {  	_ = 	snop;
	(pc) =	sbr.ind lr, $3  }
0x3a: {  	_ = 	snop  }
0x3b: {  	_ = 	snop  }
0x3c: {  	p2 =	seq.s32 s10, $0x1;
	s10 =	sld [smem:$0x3FB9]  }
0x3d: {  	_ =	shalt  }
0x3e: {  	_ =	shalt  }
0x3f: {  	_ =	shalt  }
0x40: {  	_ =	shalt  }
0x41: {  	_ =	shalt  }
0x42: {  	_ =	shalt  }
0x43: {  	_ =	shalt  }
0x44: {  	_ =	shalt  }
0x45: {  	_ =	shalt  }
0x46: {  	_ =	shalt  }
0x47: {  	_ =	shalt  }
0x48: {  	_ =	shalt  }
0x49: {  	_ =	shalt  }
0x4a: {  	_ =	shalt  }
0x4b: {  	_ =	shalt  }
0x4c: {  	_ =	shalt  }
0x4d: {  	_ =	shalt  }
0x4e: {  	_ =	shalt  }
0x4f: {  	_ =	shalt  }
0x50: {  	_ =	shalt  }
0x51: {  	_ =	shalt  }
0x52: {  	_ =	shalt  }
0x53: {  	_ =	shalt  }
0x54: {  	_ =	shalt  }
0x55: {  	_ =	shalt  }
0x56: {  	_ =	shalt  }
0x57: {  	_ =	shalt  }
0x58: {  	_ =	shalt  }
0x59: {  	_ =	shalt  }
0x5a: {  	_ =	shalt  }
0x5b: {  	_ =	shalt  }
0x5c: {  	_ =	shalt  }
0x5d: {  	_ =	shalt  }
0x5e: {  	_ =	shalt  }
0x5f: {  	_ =	shalt  }
0x60: {  	_ =	shalt  }
0x61: {  	_ =	shalt  }
0x62: {  	_ =	shalt  }
0x63: {  	_ =	shalt  }
0x64: {  	_ =	shalt  }
0x65: {  	_ =	shalt  }
0x66: {  	_ =	shalt  }
0x67: {  	_ =	shalt  }
0x68: {  	_ =	shalt  }
0x69: {  	_ =	shalt  }
0x6a: {  	_ =	shalt  }
0x6b: {  	_ =	shalt  }
0x6c: {  	_ =	shalt  }
0x6d: {  	_ =	shalt  }
0x6e: {  	_ =	shalt  }
0x6f: {  	_ =	shalt  }
0x70: {  	_ =	shalt  }
0x71: {  	_ =	shalt  }
0x72: {  	_ =	shalt  }
0x73: {  	_ =	shalt  }
0x74: {  	_ =	shalt  }
0x75: {  	_ =	shalt  }
0x76: {  	_ =	shalt  }
0x77: {  	_ =	shalt  }
0x78: {  	_ =	shalt  }
0x79: {  	_ =	shalt  }
0x7a: {  	_ =	shalt  }
0x7b: {  	_ =	shalt  }
0x7c: {  	_ =	shalt  }
0x7d: {  	_ =	shalt  }
0x7e: {  	_ =	shalt  }
0x7f: {  	_ =	shalt  }
0x80: {  	_ =	shalt  }
0x81: {  	_ =	shalt  }
0x82: {  	_ =	shalt  }
0x83: {  	_ =	shalt  }
0x84: {  	_ =	shalt  }
0x85: {  	_ =	shalt  }
0x86: {  	_ =	shalt  }
0x87: {  	_ =	shalt  }
.Lfunc_end0:
.L_simem_size_0:
called_computation.1_lowered:
.L_overlay_start_0:
0x88: {  	s2 =	sld [smem:$0x3FD9]  }
0x89: {  	s3 =	sld [smem:$0x3FFE];
	_ =	sdelay $0x1  }
0x8a: {  	s1 =	srdreg.scid  }
0x8b: {  	s0 =	sand.u32 $0x1, s1  }
0x8c: {  	s17 =	sshll.u32 s0, $0xA;
	s2 =	sadd.s32 s3, s2  }
0x8d: {  	s2 =	sadd.s32 s2, s17  }
0x8e: {  	[smem:$0x3FC5] =	sst s2  }
0x8f: {  	_ = 	snop  }
0x90: {  	(tm) =	ssettm $0x1  }
0x91: {  	s18 =	sld [smem:$0x3FFB];
	_ =	sdelay $0x3  }
0x92: {  	_ =	strace s18  }
0x93: {  	s2 =	sld [smem:$0x3FFC];
	_ =	sdelay $0x3  }
0x94: {  	_ =	strace s2  }
0x95: {  	s2 =	sld [smem:$0x3FFD];
	_ =	sdelay $0x3  }
0x96: {  	_ =	strace s2  }
0x97: {  	_ =	strace $0x8FFFFFFF  }
0x98: {  	s19 =	sld [smem:$0x3FDB];
	_ =	sdelay $0x1  }
0x99: {  	s20 =	simm.s32 $_scs_section_size  }
0x9a: {  	s4 =	simm.s32 $_size__tile_overlayer_lowered;
	s5 =	simm.s32 $_tile_overlayer_lowered  }
0x9b: {  	s6 =	simm.s32 $0x1BFF;
	s21 =	sshll.u32 s5, $0x1;
	s3 =	sadd.s32 s20, s19  }
0x9c: {  	s22 =	simm.s32 $0x0;
	s4 =	sshll.u32 s4, $0x1;
	s5 =	sadd.s32 s21, s3  }
0x9d: {  	[timem:s22], [sflag:s6] =	dma.local [hbm:s5], s4  }
0x9e: {  	_ =	swait.ge [sflag:s6], s4  }
0x9f: {  	s4 =	ssub.s32 $0x0, s4;
	[sflag:s6] =	ssyncset.done $0x0  }
0xa0: {  	[sflag:s6] =	ssyncadd.s32 s4;
	_ =	sdelay $0x1  }
0xa1: {  	s23 =	simm.s32 $0x1B8B  }
0xa2: {  	_ =	swait.ge [sflag:s23], $0x1  }
0xa3: {  	[sflag:s23] =	ssyncset.done $0x0  }
0xa4: {  	[sflag:s23] =	ssyncadd.s32 $0xFFFFFFFF  }
0xa5: {  	s4 =	sld [smem:$0x0]  }
0xa6: {  	s5 =	sand.u32 $0xFFFFFFFE, s1  }
0xa7: {  	p0 =	sne.s32 s1, s5  }
0xa8: {  	s5 =	sshll.u32 @p0 s5, $0xE  }
0xa9: {  	s5 =	sadd.s32 @p0 $0x11B8D, s5;
	s6 =	sshll.u32 @p0 s4, $0x11  }
0xaa: {  	s5 =	sor.u32 @p0 s6, s5  }
0xab: {  	[sflag:s5] =	ssyncadd.remote.s32 @p0 $0x1;
	_ =	sdelay $0x1  }
0xac: {  	s5 =	simm.s32 @p0 $0x1B8D  }
0xad: {  	_ =	swait.eq @p0 [sflag:s5], $0x1  }
0xae: {  	[sflag:s5] =	ssyncadd.s32 @p0 $0xFFFFFFFF  }
0xaf: {  	s6 =	sshll.u32 @!p0 s1, $0xE  }
0xb0: {  	s6 =	sor.u32 @!p0 $0x4000, s6;
	s5 =	simm.s32 @!p0 $0x1B8D  }
0xb1: {  	s4 =	sshll.u32 @!p0 s4, $0x11;
	s6 =	sadd.s32 @!p0 $0x11B8D, s6;
	_ =	swait.eq @!p0 [sflag:s5], $0x1  }
0xb2: {  	s4 =	sor.u32 @!p0 s4, s6;
	[sflag:s5] =	ssyncadd.s32 @!p0 $0xFFFFFFFF  }
0xb3: {  	s25 =	simm.s32 $0x1B8E;
	s24 =	sld [smem:$0x3FFE];
	[sflag:s4] =	ssyncadd.remote.s32 @!p0 $0x1  }
0xb4: {  	s26 =	simm.s32 $execute0_lowered;
	[smem:$0x3FD2] =	sst s25  }
0xb5: {  	s5 =	sshll.u32 s26, $0x1;
	_ =	strace $0x80000049;
	[dreg:$0x1] =	wrdreg $0xFFFFFFFF  }
0xb6: {  	s28 =	simm.s32 $_size_execute0_lowered;
	s3 =	sadd.s32 s3, s5;
	[dreg:$0x0] =	wrdreg $0x0  }
0xb7: {  	s5 =	sshll.u32 s28, $0x1;
	[dreg:$0x2] =	wrdreg s3  }
0xb8: {  	[dreg:$0x3] =	wrdreg s5  }
0xb9: {  	[dreg:$0x4] =	wrdreg $0xC0  }
0xba: {  	_ =	task [dreg:s22], $0x5FFFF  }
0xbb: {  	[dreg:$0x1] =	wrdreg $0xFFFFFFFF  }
0xbc: {  	[dreg:$0x0] =	wrdreg $0x60  }
0xbd: {  	[dreg:$0x2] =	wrdreg s24  }
0xbe: {  	[dreg:$0x3] =	wrdreg $0xA  }
0xbf: {  	_ =	task.clear_ibuf [dreg:s22], $0x4FFFF;
	_ =	strace $0x90000049  }
0xc0: {  	s29 =	simm.s32 $0xA;
	_ =	strace $0x8000004B  }
0xc1: {  	_ =	swait.ge [sflag:s29], $0x1  }
0xc2: {  	[sflag:s29] =	ssyncadd.s32 $0xFFFFFFFF  }
0xc3: {  	_ =	strace $0x9000004B  }
0xc4: {  	_ =	sfence  }
0xc5: {  	s30 =	sld [smem:$0x0];
	_ =	sdelay $0x2  }
0xc6: {  	s31 =	sshll.u32 s1, $0xD;
	s1 =	sshrl.u32 s1, $0x2  }
0xc7: {  	s4 =	sand.u32 $0x4000, s31;
	s1 =	sadd.s32 s1, s30  }
0xc8: {  	s0 =	sor.u32 s4, s0;
	s1 =	sshll.u32 s1, $0x11  }
0xc9: {  	s0 =	sor.u32 s1, s0  }
0xca: {  	s0 =	sadd.s32 $0x8F2B, s0  }
0xcb: {  	[sflag:s0] =	ssyncadd.remote.s32 $0x1  }
0xcc: {  	_ =	sfence.sel $0xFFFF  }
0xcd: {  	[dreg:$0x0] =	wrdreg $0xFFFFFFFF;
	(pc) =	sbr.abs _section_cstart, $3  }
0xce: {  	[dreg:$0x1] =	wrdreg $0xFFFFFFFF  }
0xcf: {  	_ =	task.clear_ibuf [dreg:s22], $0x2FFFF;
	_ =	strace $0x9FFFFFFF  }
0xd0: {  	(tm) =	ssettm $0x7FFFFFFF  }
0xd1: {  	_ =	shalt  }
tec
execute0_lowered:
.L_overlay_start_1:
0x0: {  	(tag) =	ssettag $0x1  }
0x1: {  	s1 =	srdreg.scid;
	s0 =	stileid.u32  }
0x2: {  	s15 =	sand.u32 $0x1, s1;
	s30 =	sshll.u32 s0, $0x1  }
0x3: {  	s14 =	rddreg [dreg:$0x0];
	s16 =	sor.u32 s15, s30  }
0x4: {  	s2 =	simm.s32 $0x0;
	s1 =	rddreg [dreg:$0x1];
	s3 =	sshll.u32 s16, $0x6  }
0x5: {  	[smem:$0x7FF] =	sst s2;
	s3 =	sadd.s32 s3, s14  }
0x6: {  	_ =	strace $0x8000004A;
	s4 =	sadd.s32 $0x22200, s3;
	s3 =	simm.s32 $0x2  }
0x7: {  	[tilespmem:s2], [sflag:$0x2] =	stream.linear.gather [hbm4b:s4+s2], $0x200, $0x38;
	[tilespmem:$0x480] =	vst v63  }
0x8: {  	_ =	swait.ge [sflag:s3], $0x200  }
0x9: {  	s6 =	simm.s32 $0x80;
	[sflag:s3] =	ssyncset.done $0x0  }
0xa: {  	s7 =	simm.s32 $0x200;
	s5 =	sadd.s32 $0x22A00, s14;
	[sflag:s3] =	ssyncadd.s32 $0xFFFFFE00  }
0xb: {  	[tilespmem:s7], [sflag:$0x1] =	stream.indirect.gather [hbm4b:s5+s6], $0x1, s2, s6, $0xb8;
	[tilespmem:$0x480] =	vst v63  }
0xc: {  	s8 =	simm.s32 $0x280  }
0xd: {  	[tilespmem:s8], [sflag:$0x1] =	stream.indirect.gather [hbm4b:s5+s6], $0x1, s6, s6, $0xb8;
	[tilespmem:$0x480] =	vst v63  }
0xe: {  	s9 =	simm.s32 $0x100;
	s10 =	simm.s32 $0x300  }
0xf: {  	[tilespmem:s10], [sflag:$0x1] =	stream.indirect.gather [hbm4b:s5+s6], $0x1, s9, s6, $0xb8;
	[tilespmem:$0x480] =	vst v63  }
0x10: {  	s11 =	simm.s32 $0x180;
	s12 =	simm.s32 $0x380;
	s13 =	simm.s32 $0x1  }
0x11: {  	[tilespmem:s12], [sflag:$0x1] =	stream.indirect.gather [hbm4b:s5+s6], $0x1, s11, s6, $0xb8;
	[tilespmem:$0x480] =	vst v63  }
0x12: {  	_ =	swait.ge [sflag:s13], $0x80  }
0x13: {  	[sflag:s13] =	ssyncset.done $0x0  }
0x14: {  	[sflag:s13] =	ssyncadd.s32 $0xFFFFFF80  }
0x15: {  	_ =	swait.ge [sflag:s13], $0x80  }
0x16: {  	[sflag:s13] =	ssyncset.done $0x0  }
0x17: {  	[sflag:s13] =	ssyncadd.s32 $0xFFFFFF80  }
0x18: {  	_ =	swait.ge [sflag:s13], $0x80  }
0x19: {  	[sflag:s13] =	ssyncset.done $0x0  }
0x1a: {  	[sflag:s13] =	ssyncadd.s32 $0xFFFFFF80  }
0x1b: {  	_ =	swait.ge [sflag:s13], $0x80  }
0x1c: {  	[sflag:s13] =	ssyncset.done $0x0  }
0x1d: {  	[sflag:s13] =	ssyncadd.s32 $0xFFFFFF80  }
0x1e: {  	v0 =	vld [tilespmem:$0x200];
	_ =	sdelay $0x1  }
0x1f: {  	v1 =	vld [tilespmem:$0x210];
	_ =	sdelay $0x1  }
0x20: {  	v2 =	vld [tilespmem:$0x220]  }
0x21: {  	v0 =	vadd.f32 $0.0e+00, v0  }
0x22: {  	v3 =	vld [tilespmem:$0x230]  }
0x23: {  	v0 =	vadd.f32 v1, v0  }
0x24: {  	v36 =	vld [tilespmem:$0x240]  }
0x25: {  	v0 =	vadd.f32 v2, v0  }
0x26: {  	v37 =	vld [tilespmem:$0x250]  }
0x27: {  	v0 =	vadd.f32 v3, v0  }
0x28: {  	v38 =	vld [tilespmem:$0x260]  }
0x29: {  	v0 =	vadd.f32 v36, v0  }
0x2a: {  	v39 =	vld [tilespmem:$0x270]  }
0x2b: {  	v0 =	vadd.f32 v37, v0  }
0x2c: {  	v40 =	vld [tilespmem:$0x280]  }
0x2d: {  	v0 =	vadd.f32 v38, v0  }
0x2e: {  	v41 =	vld [tilespmem:$0x290]  }
0x2f: {  	v0 =	vadd.f32 v39, v0  }
0x30: {  	v42 =	vld [tilespmem:$0x2A0]  }
0x31: {  	v0 =	vadd.f32 v40, v0  }
0x32: {  	v43 =	vld [tilespmem:$0x2B0]  }
0x33: {  	v0 =	vadd.f32 v41, v0  }
0x34: {  	v44 =	vld [tilespmem:$0x2C0]  }
0x35: {  	v0 =	vadd.f32 v42, v0  }
0x36: {  	v45 =	vld [tilespmem:$0x2D0]  }
0x37: {  	v0 =	vadd.f32 v43, v0  }
0x38: {  	v46 =	vld [tilespmem:$0x2E0]  }
0x39: {  	v0 =	vadd.f32 v44, v0  }
0x3a: {  	v47 =	vld [tilespmem:$0x2F0]  }
0x3b: {  	v0 =	vadd.f32 v45, v0  }
0x3c: {  	v48 =	vld [tilespmem:$0x300]  }
0x3d: {  	v0 =	vadd.f32 v46, v0  }
0x3e: {  	v49 =	vld [tilespmem:$0x310]  }
0x3f: {  	v0 =	vadd.f32 v47, v0  }
0x40: {  	v50 =	vld [tilespmem:$0x320]  }
0x41: {  	v0 =	vadd.f32 v48, v0  }
0x42: {  	v51 =	vld [tilespmem:$0x330]  }
0x43: {  	v0 =	vadd.f32 v49, v0  }
0x44: {  	v52 =	vld [tilespmem:$0x340]  }
0x45: {  	v0 =	vadd.f32 v50, v0  }
0x46: {  	v53 =	vld [tilespmem:$0x350]  }
0x47: {  	v0 =	vadd.f32 v51, v0  }
0x48: {  	v54 =	vld [tilespmem:$0x360]  }
0x49: {  	v0 =	vadd.f32 v52, v0  }
0x4a: {  	v55 =	vld [tilespmem:$0x370]  }
0x4b: {  	v0 =	vadd.f32 v53, v0  }
0x4c: {  	v56 =	vld [tilespmem:$0x380]  }
0x4d: {  	v0 =	vadd.f32 v54, v0  }
0x4e: {  	v57 =	vld [tilespmem:$0x390]  }
0x4f: {  	v0 =	vadd.f32 v55, v0  }
0x50: {  	v58 =	vld [tilespmem:$0x3A0]  }
0x51: {  	v0 =	vadd.f32 v56, v0  }
0x52: {  	v59 =	vld [tilespmem:$0x3B0]  }
0x53: {  	v0 =	vadd.f32 v57, v0  }
0x54: {  	v60 =	vld [tilespmem:$0x3C0]  }
0x55: {  	v0 =	vadd.f32 v58, v0  }
0x56: {  	v61 =	vld [tilespmem:$0x3D0]  }
0x57: {  	v0 =	vadd.f32 v59, v0  }
0x58: {  	v62 =	vld [tilespmem:$0x3E0]  }
0x59: {  	v0 =	vadd.f32 v60, v0  }
0x5a: {  	v63 =	vld [tilespmem:$0x3F0]  }
0x5b: {  	s15 =	ssub.s32 $0x2, s15;
	v0 =	vadd.f32 v61, v0  }
0x5c: {  	s17 =	sshrl.u32 s15, $0x1  }
0x5d: {  	s15 =	ssub.s32 s15, s17;
	v0 =	vadd.f32 v62, v0  }
0x5e: {  	s31 =	smax.u32 s15, $0x1  }
0x5f: {  	s16 =	sshll.u32 s16, $0x4;
	p0 =	sne.s32 s31, $0x1;
	v0 =	vadd.f32 v63, v0  }
.Ltmp0:
0x60: {  	s14 =	sadd.s32 s16, s14;
	(pc) =	sbr.rel @!p0 .LBB2_2-.Ltmp0, $4  }
0x61: {  	s14 =	sadd.s32 $0x22E00, s14;
	s15 =	simm.s32 $0x400;
	[tilespmem:$0x400] =	vst v0  }
0x62: {  	[hbm4b:s14+s2] =	stream.linear.scatter [tilespmem:s15], [sflag:$0x2], $0x80, $0x38;
	[tilespmem:$0x480] =	vst v63  }
0x63: {  	_ =	swait.ge [sflag:s3], $0x80  }
0x64: {  	s16 =	sadd.s32 $0xFFFFFFFF, s31;
	[sflag:s3] =	ssyncset.done $0x0  }
.LBB2_1:
0x65: {  	p0 =	sne.s32 s16, $0x1;
	s16 =	sadd.s32 $0xFFFFFFFF, s16;
	[sflag:s3] =	ssyncadd.s32 $0xFFFFFF80  }
0x66: {  	[tilespmem:s2], [sflag:$0x2] =	stream.linear.gather [hbm4b:s4+s2], $0x200, $0x38;
	[tilespmem:$0x480] =	vst v63  }
0x67: {  	_ =	swait.ge [sflag:s3], $0x200  }
0x68: {  	[sflag:s3] =	ssyncset.done $0x0  }
0x69: {  	[sflag:s3] =	ssyncadd.s32 $0xFFFFFE00  }
0x6a: {  	[tilespmem:s7], [sflag:$0x1] =	stream.indirect.gather [hbm4b:s5+s6], $0x1, s2, s6, $0xb8;
	[tilespmem:$0x480] =	vst v63  }
0x6b: {  	_ = 	snop  }
0x6c: {  	[tilespmem:s8], [sflag:$0x1] =	stream.indirect.gather [hbm4b:s5+s6], $0x1, s6, s6, $0xb8;
	[tilespmem:$0x480] =	vst v63  }
0x6d: {  	_ = 	snop  }
0x6e: {  	[tilespmem:s10], [sflag:$0x1] =	stream.indirect.gather [hbm4b:s5+s6], $0x1, s9, s6, $0xb8;
	[tilespmem:$0x480] =	vst v63  }
0x6f: {  	_ = 	snop  }
0x70: {  	[tilespmem:s12], [sflag:$0x1] =	stream.indirect.gather [hbm4b:s5+s6], $0x1, s11, s6, $0xb8;
	[tilespmem:$0x480] =	vst v63  }
0x71: {  	_ =	swait.ge [sflag:s13], $0x80  }
0x72: {  	[sflag:s13] =	ssyncset.done $0x0  }
0x73: {  	[sflag:s13] =	ssyncadd.s32 $0xFFFFFF80  }
0x74: {  	_ =	swait.ge [sflag:s13], $0x80  }
0x75: {  	[sflag:s13] =	ssyncset.done $0x0  }
0x76: {  	[sflag:s13] =	ssyncadd.s32 $0xFFFFFF80  }
0x77: {  	_ =	swait.ge [sflag:s13], $0x80  }
0x78: {  	[sflag:s13] =	ssyncset.done $0x0  }
0x79: {  	[sflag:s13] =	ssyncadd.s32 $0xFFFFFF80  }
0x7a: {  	_ =	swait.ge [sflag:s13], $0x80  }
0x7b: {  	[sflag:s13] =	ssyncset.done $0x0  }
0x7c: {  	[sflag:s13] =	ssyncadd.s32 $0xFFFFFF80  }
0x7d: {  	v0 =	vld [tilespmem:$0x200];
	_ =	sdelay $0x1  }
0x7e: {  	v1 =	vld [tilespmem:$0x210];
	_ =	sdelay $0x1  }
0x7f: {  	v2 =	vld [tilespmem:$0x220]  }
0x80: {  	v0 =	vadd.f32 $0.0e+00, v0  }
0x81: {  	v3 =	vld [tilespmem:$0x230]  }
0x82: {  	v0 =	vadd.f32 v1, v0  }
0x83: {  	v1 =	vld [tilespmem:$0x240]  }
0x84: {  	v0 =	vadd.f32 v2, v0  }
0x85: {  	v2 =	vld [tilespmem:$0x250]  }
0x86: {  	v0 =	vadd.f32 v3, v0  }
0x87: {  	v3 =	vld [tilespmem:$0x260]  }
0x88: {  	v0 =	vadd.f32 v1, v0  }
0x89: {  	v1 =	vld [tilespmem:$0x270]  }
0x8a: {  	v0 =	vadd.f32 v2, v0  }
0x8b: {  	v2 =	vld [tilespmem:$0x280]  }
0x8c: {  	v0 =	vadd.f32 v3, v0  }
0x8d: {  	v3 =	vld [tilespmem:$0x290]  }
0x8e: {  	v0 =	vadd.f32 v1, v0  }
0x8f: {  	v1 =	vld [tilespmem:$0x2A0]  }
0x90: {  	v0 =	vadd.f32 v2, v0  }
0x91: {  	v2 =	vld [tilespmem:$0x2B0]  }
0x92: {  	v0 =	vadd.f32 v3, v0  }
0x93: {  	v3 =	vld [tilespmem:$0x2C0]  }
0x94: {  	v0 =	vadd.f32 v1, v0  }
0x95: {  	v1 =	vld [tilespmem:$0x2D0]  }
0x96: {  	v0 =	vadd.f32 v2, v0  }
0x97: {  	v2 =	vld [tilespmem:$0x2E0]  }
0x98: {  	v0 =	vadd.f32 v3, v0  }
0x99: {  	v3 =	vld [tilespmem:$0x2F0]  }
0x9a: {  	v0 =	vadd.f32 v1, v0  }
0x9b: {  	v1 =	vld [tilespmem:$0x300]  }
0x9c: {  	v0 =	vadd.f32 v2, v0  }
0x9d: {  	v2 =	vld [tilespmem:$0x310]  }
0x9e: {  	v0 =	vadd.f32 v3, v0  }
0x9f: {  	v3 =	vld [tilespmem:$0x320]  }
0xa0: {  	v0 =	vadd.f32 v1, v0  }
0xa1: {  	v1 =	vld [tilespmem:$0x330]  }
0xa2: {  	v0 =	vadd.f32 v2, v0  }
0xa3: {  	v2 =	vld [tilespmem:$0x340]  }
0xa4: {  	v0 =	vadd.f32 v3, v0  }
0xa5: {  	v3 =	vld [tilespmem:$0x350]  }
0xa6: {  	v0 =	vadd.f32 v1, v0  }
0xa7: {  	v1 =	vld [tilespmem:$0x360]  }
0xa8: {  	v0 =	vadd.f32 v2, v0  }
0xa9: {  	v2 =	vld [tilespmem:$0x370]  }
0xaa: {  	v0 =	vadd.f32 v3, v0  }
0xab: {  	v3 =	vld [tilespmem:$0x380]  }
0xac: {  	v0 =	vadd.f32 v1, v0  }
0xad: {  	v1 =	vld [tilespmem:$0x390]  }
0xae: {  	v0 =	vadd.f32 v2, v0  }
0xaf: {  	v2 =	vld [tilespmem:$0x3A0]  }
0xb0: {  	v0 =	vadd.f32 v3, v0  }
0xb1: {  	v3 =	vld [tilespmem:$0x3B0]  }
0xb2: {  	v0 =	vadd.f32 v1, v0  }
0xb3: {  	v1 =	vld [tilespmem:$0x3C0]  }
0xb4: {  	v0 =	vadd.f32 v2, v0  }
0xb5: {  	v2 =	vld [tilespmem:$0x3D0]  }
0xb6: {  	v0 =	vadd.f32 v3, v0  }
0xb7: {  	v3 =	vld [tilespmem:$0x3E0]  }
0xb8: {  	v0 =	vadd.f32 v1, v0  }
0xb9: {  	v1 =	vld [tilespmem:$0x3F0]  }
0xba: {  	v0 =	vadd.f32 v2, v0;
	_ =	sdelay $0x1  }
0xbb: {  	v0 =	vadd.f32 v3, v0;
	_ =	sdelay $0x1  }
0xbc: {  	v0 =	vadd.f32 v1, v0  }
.Ltmp1:
0xbd: {  	(pc) =	sbr.rel @p0 .LBB2_1-.Ltmp1, $4  }
0xbe: {  	[tilespmem:$0x400] =	vst v0  }
0xbf: {  	[hbm4b:s14+s2] =	stream.linear.scatter [tilespmem:s15], [sflag:$0x2], $0x80, $0x38;
	[tilespmem:$0x480] =	vst v63  }
0xc0: {  	_ =	swait.ge [sflag:s3], $0x80  }
0xc1: {  	[sflag:s3] =	ssyncset.done $0x0  }
.LBB2_2:
0xc2: {  	[sflag:s3] =	ssyncadd.s32 $0xFFFFFF80  }
0xc3: {  	_ =	sfence.sel $0x180000  }
0xc4: {  	[bflag:$0x0] =	sbarrier.arrive $0xFFFF  }
0xc5: {  	p0 =	sne.s32 s0, $0x0;
	_ =	strace $0x9000004A  }
0xc6: {  	s0 =	sadd.s32 @!p0 $0x100000, s1;
	[bflag:$0x2] =	sbarrier.arrive $0xFFFF  }
0xc7: {  	[sflag:s0] =	ssyncadd.tile.s32 @!p0 $0x1;
	_ =	shalt  }
.Lfunc_end2:
_tile_overlayer_lowered:
.L_overlay_start_2:
0xc8: {  	(tag) =	ssettag $0x2  }
0xc9: {  	s0 =	rddreg [dreg:$0x0];
	s2 =	stileid.u32  }
0xca: {  	s1 =	rddreg [dreg:$0x1];
	p0 =	sne.s32 s2, $0x0  }
0xcb: {  	s3 =	rddreg [dreg:$0x2];
	[bflag:$0x3] =	sbarrier.arrive $0xFFFF;
	s2 =	simm.s32 @!p0 $0x1C02  }
0xcc: {  	[timem:s3], [sflag:s2] =	dma.local @!p0 [hbm:s0], s1  }
0xcd: {  	s0 =	simm.s32 @!p0 $0x2  }
0xce: {  	_ =	swait.ge @!p0 [sflag:s0], s1  }
0xcf: {  	s1 =	ssub.s32 @!p0 $0x0, s1;
	[sflag:s0] =	ssyncset.done @!p0 $0x0  }
0xd0: {  	[sflag:s0] =	ssyncadd.s32 @!p0 s1  }
0xd1: {  	[bflag:$0x3] =	sbarrier.arrive $0xFFFF  }
0xd2: {  	_ =	shalt  }

</sc_bundles>
